<compile_context>
chip_gen: v7x
topology: tpu7x:2x2x1
jax: 0.10.2.dev20260603
libtpu: 0.0.44.dev20260713+nightly
codegen_flags: <defaults>
</compile_context>

<pallas_src>
import functools

import jax
import jax.numpy as jnp
from jax import lax
from jax.experimental import pallas as pl
from jax.experimental.pallas import tpu as pltpu
from jax.experimental.pallas import tpu_sc as plsc

H = 4
F = 64
IN_DIM = 128
PERM = 32
NCLS = 16
N = 10000
E = 320000
G = 64

NSUB = 16
EP = E // NSUB
CH = 80
NCHUNK = EP // CH
ROW = 80
NPAD = 10240
NR = NPAD // NSUB
ZB = 128


_GD = lax.GatherDimensionNumbers(
    offset_dims=(), collapsed_slice_dims=(0,), start_index_map=(0,))


def _hsum(x):
    lane = lax.iota(jnp.int32, 16)
    for k in (1, 2, 4, 8):
        idx = (lane ^ k).reshape(16, 1)
        x = x + lax.gather(x, idx, _GD, slice_sizes=(1,),
                           mode=lax.GatherScatterMode.PROMISE_IN_BOUNDS)
    return x


def _conv_sc_body(ft_hbm, src_hbm, dst_hbm, acc_hbm,
                  isrc_v, idst_v, gsrc_v, gdst_v,
                  rows_src, rows_dst, out_rows, zbuf, table, sem0, sem1):
    c = lax.axis_index("c")
    s = lax.axis_index("s")

    z16 = jnp.zeros((16,), jnp.float32)

    def zrow(i, carry):
        for j in range(ROW // 16):
            zbuf[i, pl.ds(j * 16, 16)] = z16
        return carry

    lax.fori_loop(0, ZB, zrow, 0)
    for k in range(NR // ZB):
        pltpu.sync_copy(zbuf, table.at[pl.ds(s * NR + k * ZB, ZB)])
    plsc.subcore_barrier()

    lane = lax.iota(jnp.int32, 16)
    m0 = lane == 0
    zv = jnp.zeros((16,), jnp.float32)

    for p in range(2):
        hoff = (2 * c + p) * N

        def chunk(t, carry):
            base = s * EP + t * CH
            pltpu.sync_copy(src_hbm.at[pl.ds(base, CH)], isrc_v)
            pltpu.sync_copy(dst_hbm.at[pl.ds(base, CH)], idst_v)
            for j in range(CH // 16):
                sl = pl.ds(j * 16, 16)
                gsrc_v[sl] = isrc_v[sl] + hoff
                gdst_v[sl] = idst_v[sl] + hoff
            cp1 = pltpu.async_copy(ft_hbm.at[gsrc_v], rows_src, sem0)
            cp2 = pltpu.async_copy(ft_hbm.at[gdst_v], rows_dst, sem1)
            cp1.wait()
            cp2.wait()

            def per_edge(i, carry2):
                acc = rows_src[i, pl.ds(0, 16)] * rows_dst[i, pl.ds(0, 16)]
                for j in range(1, 4):
                    sa = pl.ds(j * 16, 16)
                    acc = acc + rows_src[i, sa] * rows_dst[i, sa]
                ee = jnp.exp(_hsum(acc) * 0.125)
                for j in range(4):
                    sa = pl.ds(j * 16, 16)
                    out_rows[i, sa] = ee * rows_src[i, sa]
                out_rows[i, pl.ds(64, 16)] = jnp.where(m0, ee, zv)
                return carry2

            lax.fori_loop(0, CH, per_edge, 0)
            pltpu.sync_copy(out_rows, table.at[idst_v], add=True)
            return carry

        lax.fori_loop(0, NCHUNK, chunk, 0)

        plsc.subcore_barrier()
        pltpu.sync_copy(table.at[pl.ds(s * NR, NR)],
                        acc_hbm.at[pl.ds((2 * c + p) * NPAD + s * NR, NR)])
        if p == 0:
            for k in range(NR // ZB):
                pltpu.sync_copy(zbuf, table.at[pl.ds(s * NR + k * ZB, ZB)])
            plsc.subcore_barrier()


_conv_sc = functools.partial(
    pl.kernel,
    out_type=jax.ShapeDtypeStruct((4 * NPAD, ROW), jnp.float32),
    mesh=plsc.VectorSubcoreMesh(core_axis_name="c", subcore_axis_name="s"),
    scratch_types=[
        pltpu.VMEM((CH,), jnp.int32),
        pltpu.VMEM((CH,), jnp.int32),
        pltpu.VMEM((CH,), jnp.int32),
        pltpu.VMEM((CH,), jnp.int32),
        pltpu.VMEM((CH, F), jnp.float32),
        pltpu.VMEM((CH, F), jnp.float32),
        pltpu.VMEM((CH, ROW), jnp.float32),
        pltpu.VMEM((ZB, ROW), jnp.float32),
        pltpu.VMEM_SHARED((NPAD, ROW), jnp.float32),
        pltpu.SemaphoreType.DMA,
        pltpu.SemaphoreType.DMA,
    ],
    compiler_params=pltpu.CompilerParams(use_tc_tiling_on_sc=False),
)(_conv_sc_body)


def _mm_body(x_ref, w_ref, o_ref):
    ft = jnp.dot(x_ref[...], w_ref[...], preferred_element_type=jnp.float32)
    for hh in range(4):
        o_ref[hh] = ft[:, hh * F:(hh + 1) * F]


def _ft(x, W, in_dim):
    R = 1000
    return pl.pallas_call(
        _mm_body,
        grid=(N // R,),
        in_specs=[
            pl.BlockSpec((R, in_dim), lambda i: (i, 0)),
            pl.BlockSpec((in_dim, H * F), lambda i: (0, 0)),
        ],
        out_specs=pl.BlockSpec((4, R, F), lambda i: (0, i, 0)),
        out_shape=jax.ShapeDtypeStruct((4, N, F), jnp.float32),
    )(x, W)


def _combine_body(acc_ref, w2_ref, o_ref):
    eps = 1e-20
    hm = jnp.zeros((1000, F), jnp.float32)
    for hh in range(4):
        a = acc_ref[hh]
        hm += jnp.maximum(a[:, 0:F] / jnp.maximum(a[:, F:F + 1], eps), 0.0)
    hm = hm * 0.25
    ft = jnp.dot(hm, w2_ref[...], preferred_element_type=jnp.float32)
    for hh in range(4):
        o_ref[hh] = ft[:, hh * F:(hh + 1) * F]


def _combine(acc, W2):
    R = 1000
    return pl.pallas_call(
        _combine_body,
        grid=(N // R,),
        in_specs=[
            pl.BlockSpec((4, R, ROW), lambda i: (0, i, 0)),
            pl.BlockSpec((F, H * F), lambda i: (0, 0)),
        ],
        out_specs=pl.BlockSpec((4, R, F), lambda i: (0, i, 0)),
        out_shape=jax.ShapeDtypeStruct((4, N, F), jnp.float32),
    )(acc, W2)


def _final_body(acc_ref, ids_ref, perm_ref, wc_ref, bc_ref, o_ref,
                sums_scr, cnts_scr):
    i = pl.program_id(0)
    R = 1000

    @pl.when(i == 0)
    def _init():
        sums_scr[...] = jnp.zeros((G, F), jnp.float32)
        cnts_scr[...] = jnp.zeros((G, 128), jnp.float32)

    eps = 1e-20
    h2 = jnp.zeros((R, F), jnp.float32)
    for hh in range(4):
        a = acc_ref[hh]
        h2 += a[:, 0:F] / jnp.maximum(a[:, F:F + 1], eps)
    h2 = h2 * 0.25
    ids = ids_ref[0, 0]
    gidx = lax.broadcasted_iota(jnp.int32, (G, R), 0)
    M = (ids[None, :] == gidx).astype(jnp.float32)
    sums_scr[...] += jnp.dot(M, h2, preferred_element_type=jnp.float32)
    cnts_scr[...] += jnp.broadcast_to(
        jnp.sum(M, axis=1, keepdims=True), (G, 128))

    @pl.when(i == (N // R) - 1)
    def _fin():
        hg = sums_scr[...] / jnp.maximum(cnts_scr[:, 0:F], 1.0)
        logits = (jnp.dot(hg, wc_ref[0:F, :],
                          preferred_element_type=jnp.float32)
                  + jnp.dot(perm_ref[...], wc_ref[F:F + PERM, :],
                            preferred_element_type=jnp.float32)
                  + bc_ref[...])
        o_ref[...] = logits


def _final(acc, ids3, perm, Wc, bc2):
    R = 1000
    return pl.pallas_call(
        _final_body,
        grid=(N // R,),
        in_specs=[
            pl.BlockSpec((4, R, ROW), lambda i: (0, i, 0)),
            pl.BlockSpec((1, 1, R), lambda i: (i, 0, 0)),
            pl.BlockSpec((G, PERM), lambda i: (0, 0)),
            pl.BlockSpec((F + PERM, NCLS), lambda i: (0, 0)),
            pl.BlockSpec((1, NCLS), lambda i: (0, 0)),
        ],
        out_specs=pl.BlockSpec((G, NCLS), lambda i: (0, 0)),
        out_shape=jax.ShapeDtypeStruct((G, NCLS), jnp.float32),
        scratch_shapes=[
            pltpu.VMEM((G, F), jnp.float32),
            pltpu.VMEM((G, 128), jnp.float32),
        ],
    )(acc, ids3, perm, Wc, bc2)


def kernel(h, perm_features, edge_index, node_graph_ids, W1, W2, Wc, bc):
    src = edge_index[0].astype(jnp.int32)
    dst = edge_index[1].astype(jnp.int32)
    ids3 = node_graph_ids.astype(jnp.int32).reshape(10, 1, 1000)
    bc2 = bc.reshape(1, NCLS)

    ft1 = _ft(h, W1, IN_DIM).reshape(4 * N, F)
    acc1 = _conv_sc(ft1, src, dst).reshape(4, NPAD, ROW)[:, :N]
    ft2 = _combine(acc1, W2).reshape(4 * N, F)
    acc2 = _conv_sc(ft2, src, dst).reshape(4, NPAD, ROW)[:, :N]
    return _final(acc2, ids3, perm_features, Wc, bc2)

# --- scband reference (transcript-rebuilt; emitter-appended) ---
"""Pipeline reference for scband-dot-gatmodel-42863773614472 (READ-ONLY COPY).

The authoritative reference and input builder live on the scoring server;
editing this copy changes nothing except your own understanding.
"""

import jax, jax.numpy as jnp
import numpy as np

NUM_HEADS = 4
HIDDEN = 64
INPUT_DIM = 128
PERM_LEN = 32
NUM_CLASSES = 16
N_NODES = 10000
N_EDGES = 320000
N_GRAPHS = 64


def setup_inputs(seed: int = 0) -> dict:
    key = jax.random.key(seed)
    ks = jax.random.split(key, 10)
    h = jax.random.normal(ks[0], (N_NODES, INPUT_DIM), dtype=jnp.float32)
    perm_features = jax.random.normal(ks[1], (N_GRAPHS, PERM_LEN), dtype=jnp.float32)
    edge_index = jax.random.randint(ks[2], (2, N_EDGES), 0, N_NODES, dtype=jnp.int64)
    node_graph_ids = jnp.sort(jax.random.randint(ks[3], (N_NODES,), 0, N_GRAPHS, dtype=jnp.int64))
    W1 = jax.random.normal(ks[4], (INPUT_DIM, NUM_HEADS * HIDDEN), dtype=jnp.float32) * (1.0 / np.sqrt(INPUT_DIM))
    W2 = jax.random.normal(ks[5], (HIDDEN, NUM_HEADS * HIDDEN), dtype=jnp.float32) * (1.0 / np.sqrt(HIDDEN))
    Wc = jax.random.normal(ks[6], (HIDDEN + PERM_LEN, NUM_CLASSES), dtype=jnp.float32) * (1.0 / np.sqrt(HIDDEN + PERM_LEN))
    bc = jnp.zeros((NUM_CLASSES,), dtype=jnp.float32)
    return {"h": h, "perm_features": perm_features, "edge_index": edge_index,
            "node_graph_ids": node_graph_ids, "W1": W1, "W2": W2, "Wc": Wc, "bc": bc}


def dot_gat_conv(x, src, dst, W, num_heads, out_feats, n_nodes):
    # DGL DotGatConv: fc -> per-edge scaled dot-product attention -> edge softmax -> weighted sum
    ft = (x @ W).reshape(-1, num_heads, out_feats)  # [N, H, F]
    ft_src = ft[src]                                 # gather [E, H, F]
    ft_dst = ft[dst]                                 # gather [E, H, F]
    e = (ft_src * ft_dst).sum(axis=-1) / jnp.sqrt(float(out_feats))  # [E, H]
    # edge softmax over incoming edges of each dst node
    emax = jax.ops.segment_max(e, dst, num_segments=n_nodes)         # [N, H]
    ee = jnp.exp(e - emax[dst])
    esum = jax.ops.segment_sum(ee, dst, num_segments=n_nodes)        # [N, H]
    sa = ee / esum[dst]                                              # [E, H]
    out = jax.ops.segment_sum(ft_src * sa[..., None], dst, num_segments=n_nodes)  # [N, H, F]
    return out


def reference(h, perm_features, edge_index, node_graph_ids, W1, W2, Wc, bc):
    src = edge_index[0]
    dst = edge_index[1]
    n = h.shape[0]
    h1 = dot_gat_conv(h, src, dst, W1, NUM_HEADS, HIDDEN, n)
    h1 = jax.nn.relu(h1).mean(axis=1)  # merge heads (mean) so conv2 input dim == hidden_dim
    h2 = dot_gat_conv(h1, src, dst, W2, NUM_HEADS, HIDDEN, n).mean(axis=1)  # [N, HIDDEN]
    # dgl.mean_nodes over batched graphs
    b = perm_features.shape[0]
    sums = jax.ops.segment_sum(h2, node_graph_ids, num_segments=b)
    cnts = jax.ops.segment_sum(jnp.ones((n,), dtype=h2.dtype), node_graph_ids, num_segments=b)
    hg = sums / jnp.maximum(cnts, 1.0)[:, None]
    combined = jnp.concatenate([hg, perm_features], axis=1)
    return combined @ Wc + bc

if __name__ == "__main__":
    import jax
    _d = setup_inputs()
    print(jax.jit(kernel)(*tuple(_d.values())))

</pallas_src>

<mosaic_0001>
#map = affine_map<(d0, d1) -> (0, 0)>
#map1 = affine_map<(d0, d1) -> (0)>
module attributes {stable_mosaic.version = 14 : i64} {
  func.func @_conv_sc_body(%arg0: i32, %arg1: i32, %arg2: memref<40000x64xf32, #tpu.memory_space<hbm>>, %arg3: memref<320000xi32, #tpu.memory_space<hbm>>, %arg4: memref<320000xi32, #tpu.memory_space<hbm>>, %arg5: memref<40960x80xf32, #tpu.memory_space<hbm>>, %arg6: memref<80xi32, #tpu.memory_space<vmem>>, %arg7: memref<80xi32, #tpu.memory_space<vmem>>, %arg8: memref<80xi32, #tpu.memory_space<vmem>>, %arg9: memref<80xi32, #tpu.memory_space<vmem>>, %arg10: memref<80x64xf32, #tpu.memory_space<vmem>>, %arg11: memref<80x64xf32, #tpu.memory_space<vmem>>, %arg12: memref<80x80xf32, #tpu.memory_space<vmem>>, %arg13: memref<128x80xf32, #tpu.memory_space<vmem>>, %arg14: memref<10240x80xf32, #tpu.memory_space<vmem_shared>>, %arg15: memref<!tpu.dma_semaphore, #tpu.memory_space<semaphore_mem>>, %arg16: memref<!tpu.dma_semaphore, #tpu.memory_space<semaphore_mem>>) attributes {dimension_semantics = [#tpu.dimension_semantics<core_parallel>, #tpu.dimension_semantics<subcore_parallel>], iteration_bounds = array<i64: 2, 16>, scalar_prefetch = 0 : i64, scratch_operands = 11 : i64, tpu.core_type = #tpu.core_type<sc_vector_subcore>, window_params = [{transform_indices = #map}, {transform_indices = #map1}, {transform_indices = #map1}, {transform_indices = #map}]} {
    %broadcast_in_dim3A = arith.constant 0.000000e+00 : f32
    %broadcast_in_dim3A_0 = vector.broadcast %broadcast_in_dim3A : f32 to vector<16xf32>
    %scan3A = arith.constant 0 : i32
    %scan3A_1 = arith.constant 0 : i32
    %scan3A_2 = arith.constant 128 : i32
    %scan3A_3 = arith.addi %scan3A_1, %scan3A_2 : i32
    %scan3A_4 = arith.constant 1 : i32
    scf.for %scan3A_97 = %scan3A_1 to %scan3A_3 step %scan3A_4  : i32 {
      %swap3A = arith.index_cast %scan3A_97 : i32 to index
      %swap3A_98 = arith.constant 0 : index
      %swap3A_99 = tpu.vector_load %arg13[%swap3A, %swap3A_98] {strides = array<i32>} : memref<128x80xf32, #tpu.memory_space<vmem>>, vector<1x16xf32>,
      %swap3A_100 = vector.shape_cast %swap3A_99 : vector<1x16xf32> to vector<16xf32>
      %swap3A_101 = vector.shape_cast %broadcast_in_dim3A_0 : vector<16xf32> to vector<1x16xf32>
      tpu.vector_store %arg13[%swap3A, %swap3A_98], %swap3A_101 {strides = array<i32>} : memref<128x80xf32, #tpu.memory_space<vmem>>, vector<1x16xf32>,
      %swap3A_102 = arith.index_cast %scan3A_97 : i32 to index
      %swap3A_103 = arith.constant 16 : index
      %swap3A_104 = tpu.vector_load %arg13[%swap3A_102, %swap3A_103] {strides = array<i32>} : memref<128x80xf32, #tpu.memory_space<vmem>>, vector<1x16xf32>,
      %swap3A_105 = vector.shape_cast %swap3A_104 : vector<1x16xf32> to vector<16xf32>
      %swap3A_106 = vector.shape_cast %broadcast_in_dim3A_0 : vector<16xf32> to vector<1x16xf32>
      tpu.vector_store %arg13[%swap3A_102, %swap3A_103], %swap3A_106 {strides = array<i32>} : memref<128x80xf32, #tpu.memory_space<vmem>>, vector<1x16xf32>,
      %swap3A_107 = arith.index_cast %scan3A_97 : i32 to index
      %swap3A_108 = arith.constant 32 : index
      %swap3A_109 = tpu.vector_load %arg13[%swap3A_107, %swap3A_108] {strides = array<i32>} : memref<128x80xf32, #tpu.memory_space<vmem>>, vector<1x16xf32>,
      %swap3A_110 = vector.shape_cast %swap3A_109 : vector<1x16xf32> to vector<16xf32>
      %swap3A_111 = vector.shape_cast %broadcast_in_dim3A_0 : vector<16xf32> to vector<1x16xf32>
      tpu.vector_store %arg13[%swap3A_107, %swap3A_108], %swap3A_111 {strides = array<i32>} : memref<128x80xf32, #tpu.memory_space<vmem>>, vector<1x16xf32>,
      %swap3A_112 = arith.index_cast %scan3A_97 : i32 to index
      %swap3A_113 = arith.constant 48 : index
      %swap3A_114 = tpu.vector_load %arg13[%swap3A_112, %swap3A_113] {strides = array<i32>} : memref<128x80xf32, #tpu.memory_space<vmem>>, vector<1x16xf32>,
      %swap3A_115 = vector.shape_cast %swap3A_114 : vector<1x16xf32> to vector<16xf32>
      %swap3A_116 = vector.shape_cast %broadcast_in_dim3A_0 : vector<16xf32> to vector<1x16xf32>
      tpu.vector_store %arg13[%swap3A_112, %swap3A_113], %swap3A_116 {strides = array<i32>} : memref<128x80xf32, #tpu.memory_space<vmem>>, vector<1x16xf32>,
      %swap3A_117 = arith.index_cast %scan3A_97 : i32 to index
      %swap3A_118 = arith.constant 64 : index
      %swap3A_119 = tpu.vector_load %arg13[%swap3A_117, %swap3A_118] {strides = array<i32>} : memref<128x80xf32, #tpu.memory_space<vmem>>, vector<1x16xf32>,
      %swap3A_120 = vector.shape_cast %swap3A_119 : vector<1x16xf32> to vector<16xf32>
      %swap3A_121 = vector.shape_cast %broadcast_in_dim3A_0 : vector<16xf32> to vector<1x16xf32>
      tpu.vector_store %arg13[%swap3A_117, %swap3A_118], %swap3A_121 {strides = array<i32>} : memref<128x80xf32, #tpu.memory_space<vmem>>, vector<1x16xf32>,
    }
    %scan3A_5 = arith.constant 128 : i32
    %mul3A = arith.constant 640 : i32
    %mul3A_6 = arith.muli %arg1, %mul3A : i32
    %add3A = arith.constant 0 : i32
    %add3A_7 = arith.addi %mul3A_6, %add3A : i32
    "tpu.region"() ({
      %run_scoped3A = tpu.sem_alloc : memref<!tpu.dma_semaphore, #tpu.memory_space<semaphore_mem>>
      %dma_start3A = arith.constant 0 : i32
      %dma_start3A_97 = tpu.memref_slice %arg14[%add3A_7, %dma_start3A] : memref<10240x80xf32, #tpu.memory_space<vmem_shared>> -> memref<128x80xf32, #tpu.memory_space<vmem_shared>>
      %dma_start3A_98 = arith.constant 0 : i32
      %dma_start3A_99 = tpu.memref_slice %arg14[%add3A_7, %dma_start3A_98] : memref<10240x80xf32, #tpu.memory_space<vmem_shared>> -> memref<128x80xf32, #tpu.memory_space<vmem_shared>>
      tpu.enqueue_dma source(%arg13 : memref<128x80xf32, #tpu.memory_space<vmem>>) target(%dma_start3A_99 : memref<128x80xf32, #tpu.memory_space<vmem_shared>>) target_semaphore(%run_scoped3A : memref<!tpu.dma_semaphore, #tpu.memory_space<semaphore_mem>>)
      %dma_wait3A = arith.constant 0 : i32
      %dma_wait3A_100 = tpu.memref_slice %arg14[%add3A_7, %dma_wait3A] : memref<10240x80xf32, #tpu.memory_space<vmem_shared>> -> memref<128x80xf32, #tpu.memory_space<vmem_shared>>
      %dma_wait3A_101 = arith.constant 0 : i32
      %dma_wait3A_102 = tpu.memref_slice %arg14[%add3A_7, %dma_wait3A_101] : memref<10240x80xf32, #tpu.memory_space<vmem_shared>> -> memref<128x80xf32, #tpu.memory_space<vmem_shared>>
      tpu.wait_dma2 semaphore(%run_scoped3A : memref<!tpu.dma_semaphore, #tpu.memory_space<semaphore_mem>>) src(%arg13 : memref<128x80xf32, #tpu.memory_space<vmem>>) dst(%dma_wait3A_102 : memref<128x80xf32, #tpu.memory_space<vmem_shared>>)
      tpu.yield
    }) : () -> ()
    %mul3A_8 = arith.constant 640 : i32
    %mul3A_9 = arith.muli %arg1, %mul3A_8 : i32
    %add3A_10 = arith.constant 128 : i32
    %add3A_11 = arith.addi %mul3A_9, %add3A_10 : i32
    "tpu.region"() ({
      %run_scoped3A = tpu.sem_alloc : memref<!tpu.dma_semaphore, #tpu.memory_space<semaphore_mem>>
      %dma_start3A = arith.constant 0 : i32
      %dma_start3A_97 = tpu.memref_slice %arg14[%add3A_11, %dma_start3A] : memref<10240x80xf32, #tpu.memory_space<vmem_shared>> -> memref<128x80xf32, #tpu.memory_space<vmem_shared>>
      %dma_start3A_98 = arith.constant 0 : i32
      %dma_start3A_99 = tpu.memref_slice %arg14[%add3A_11, %dma_start3A_98] : memref<10240x80xf32, #tpu.memory_space<vmem_shared>> -> memref<128x80xf32, #tpu.memory_space<vmem_shared>>
      tpu.enqueue_dma source(%arg13 : memref<128x80xf32, #tpu.memory_space<vmem>>) target(%dma_start3A_99 : memref<128x80xf32, #tpu.memory_space<vmem_shared>>) target_semaphore(%run_scoped3A : memref<!tpu.dma_semaphore, #tpu.memory_space<semaphore_mem>>)
      %dma_wait3A = arith.constant 0 : i32
      %dma_wait3A_100 = tpu.memref_slice %arg14[%add3A_11, %dma_wait3A] : memref<10240x80xf32, #tpu.memory_space<vmem_shared>> -> memref<128x80xf32, #tpu.memory_space<vmem_shared>>
      %dma_wait3A_101 = arith.constant 0 : i32
      %dma_wait3A_102 = tpu.memref_slice %arg14[%add3A_11, %dma_wait3A_101] : memref<10240x80xf32, #tpu.memory_space<vmem_shared>> -> memref<128x80xf32, #tpu.memory_space<vmem_shared>>
      tpu.wait_dma2 semaphore(%run_scoped3A : memref<!tpu.dma_semaphore, #tpu.memory_space<semaphore_mem>>) src(%arg13 : memref<128x80xf32, #tpu.memory_space<vmem>>) dst(%dma_wait3A_102 : memref<128x80xf32, #tpu.memory_space<vmem_shared>>)
      tpu.yield
    }) : () -> ()
    %mul3A_12 = arith.constant 640 : i32
    %mul3A_13 = arith.muli %arg1, %mul3A_12 : i32
    %add3A_14 = arith.constant 256 : i32
    %add3A_15 = arith.addi %mul3A_13, %add3A_14 : i32
    "tpu.region"() ({
      %run_scoped3A = tpu.sem_alloc : memref<!tpu.dma_semaphore, #tpu.memory_space<semaphore_mem>>
      %dma_start3A = arith.constant 0 : i32
      %dma_start3A_97 = tpu.memref_slice %arg14[%add3A_15, %dma_start3A] : memref<10240x80xf32, #tpu.memory_space<vmem_shared>> -> memref<128x80xf32, #tpu.memory_space<vmem_shared>>
      %dma_start3A_98 = arith.constant 0 : i32
      %dma_start3A_99 = tpu.memref_slice %arg14[%add3A_15, %dma_start3A_98] : memref<10240x80xf32, #tpu.memory_space<vmem_shared>> -> memref<128x80xf32, #tpu.memory_space<vmem_shared>>
      tpu.enqueue_dma source(%arg13 : memref<128x80xf32, #tpu.memory_space<vmem>>) target(%dma_start3A_99 : memref<128x80xf32, #tpu.memory_space<vmem_shared>>) target_semaphore(%run_scoped3A : memref<!tpu.dma_semaphore, #tpu.memory_space<semaphore_mem>>)
      %dma_wait3A = arith.constant 0 : i32
      %dma_wait3A_100 = tpu.memref_slice %arg14[%add3A_15, %dma_wait3A] : memref<10240x80xf32, #tpu.memory_space<vmem_shared>> -> memref<128x80xf32, #tpu.memory_space<vmem_shared>>
      %dma_wait3A_101 = arith.constant 0 : i32
      %dma_wait3A_102 = tpu.memref_slice %arg14[%add3A_15, %dma_wait3A_101] : memref<10240x80xf32, #tpu.memory_space<vmem_shared>> -> memref<128x80xf32, #tpu.memory_space<vmem_shared>>
      tpu.wait_dma2 semaphore(%run_scoped3A : memref<!tpu.dma_semaphore, #tpu.memory_space<semaphore_mem>>) src(%arg13 : memref<128x80xf32, #tpu.memory_space<vmem>>) dst(%dma_wait3A_102 : memref<128x80xf32, #tpu.memory_space<vmem_shared>>)
      tpu.yield
    }) : () -> ()
    %mul3A_16 = arith.constant 640 : i32
    %mul3A_17 = arith.muli %arg1, %mul3A_16 : i32
    %add3A_18 = arith.constant 384 : i32
    %add3A_19 = arith.addi %mul3A_17, %add3A_18 : i32
    "tpu.region"() ({
      %run_scoped3A = tpu.sem_alloc : memref<!tpu.dma_semaphore, #tpu.memory_space<semaphore_mem>>
      %dma_start3A = arith.constant 0 : i32
      %dma_start3A_97 = tpu.memref_slice %arg14[%add3A_19, %dma_start3A] : memref<10240x80xf32, #tpu.memory_space<vmem_shared>> -> memref<128x80xf32, #tpu.memory_space<vmem_shared>>
      %dma_start3A_98 = arith.constant 0 : i32
      %dma_start3A_99 = tpu.memref_slice %arg14[%add3A_19, %dma_start3A_98] : memref<10240x80xf32, #tpu.memory_space<vmem_shared>> -> memref<128x80xf32, #tpu.memory_space<vmem_shared>>
      tpu.enqueue_dma source(%arg13 : memref<128x80xf32, #tpu.memory_space<vmem>>) target(%dma_start3A_99 : memref<128x80xf32, #tpu.memory_space<vmem_shared>>) target_semaphore(%run_scoped3A : memref<!tpu.dma_semaphore, #tpu.memory_space<semaphore_mem>>)
      %dma_wait3A = arith.constant 0 : i32
      %dma_wait3A_100 = tpu.memref_slice %arg14[%add3A_19, %dma_wait3A] : memref<10240x80xf32, #tpu.memory_space<vmem_shared>> -> memref<128x80xf32, #tpu.memory_space<vmem_shared>>
      %dma_wait3A_101 = arith.constant 0 : i32
      %dma_wait3A_102 = tpu.memref_slice %arg14[%add3A_19, %dma_wait3A_101] : memref<10240x80xf32, #tpu.memory_space<vmem_shared>> -> memref<128x80xf32, #tpu.memory_space<vmem_shared>>
      tpu.wait_dma2 semaphore(%run_scoped3A : memref<!tpu.dma_semaphore, #tpu.memory_space<semaphore_mem>>) src(%arg13 : memref<128x80xf32, #tpu.memory_space<vmem>>) dst(%dma_wait3A_102 : memref<128x80xf32, #tpu.memory_space<vmem_shared>>)
      tpu.yield
    }) : () -> ()
    %mul3A_20 = arith.constant 640 : i32
    %mul3A_21 = arith.muli %arg1, %mul3A_20 : i32
    %add3A_22 = arith.constant 512 : i32
    %add3A_23 = arith.addi %mul3A_21, %add3A_22 : i32
    "tpu.region"() ({
      %run_scoped3A = tpu.sem_alloc : memref<!tpu.dma_semaphore, #tpu.memory_space<semaphore_mem>>
      %dma_start3A = arith.constant 0 : i32
      %dma_start3A_97 = tpu.memref_slice %arg14[%add3A_23, %dma_start3A] : memref<10240x80xf32, #tpu.memory_space<vmem_shared>> -> memref<128x80xf32, #tpu.memory_space<vmem_shared>>
      %dma_start3A_98 = arith.constant 0 : i32
      %dma_start3A_99 = tpu.memref_slice %arg14[%add3A_23, %dma_start3A_98] : memref<10240x80xf32, #tpu.memory_space<vmem_shared>> -> memref<128x80xf32, #tpu.memory_space<vmem_shared>>
      tpu.enqueue_dma source(%arg13 : memref<128x80xf32, #tpu.memory_space<vmem>>) target(%dma_start3A_99 : memref<128x80xf32, #tpu.memory_space<vmem_shared>>) target_semaphore(%run_scoped3A : memref<!tpu.dma_semaphore, #tpu.memory_space<semaphore_mem>>)
      %dma_wait3A = arith.constant 0 : i32
      %dma_wait3A_100 = tpu.memref_slice %arg14[%add3A_23, %dma_wait3A] : memref<10240x80xf32, #tpu.memory_space<vmem_shared>> -> memref<128x80xf32, #tpu.memory_space<vmem_shared>>
      %dma_wait3A_101 = arith.constant 0 : i32
      %dma_wait3A_102 = tpu.memref_slice %arg14[%add3A_23, %dma_wait3A_101] : memref<10240x80xf32, #tpu.memory_space<vmem_shared>> -> memref<128x80xf32, #tpu.memory_space<vmem_shared>>
      tpu.wait_dma2 semaphore(%run_scoped3A : memref<!tpu.dma_semaphore, #tpu.memory_space<semaphore_mem>>) src(%arg13 : memref<128x80xf32, #tpu.memory_space<vmem>>) dst(%dma_wait3A_102 : memref<128x80xf32, #tpu.memory_space<vmem_shared>>)
      tpu.yield
    }) : () -> ()
    %barrier3A = arith.constant 0 : index
    tpu.barrier barrier_id(%barrier3A)
    %iota3A = tpu.iota {dimensions = array<i32: 0>} : vector<16xi32>
    %eq3A = arith.constant 0 : i32
    %eq3A_24 = vector.broadcast %eq3A : i32 to vector<16xi32>
    %eq3A_25 = arith.cmpi eq, %iota3A, %eq3A_24 : vector<16xi32>
    %broadcast_in_dim3A_26 = arith.constant 0.000000e+00 : f32
    %broadcast_in_dim3A_27 = vector.broadcast %broadcast_in_dim3A_26 : f32 to vector<16xf32>
    %mul3A_28 = arith.constant 2 : i32
    %mul3A_29 = arith.muli %mul3A_28, %arg0 : i32
    %add3A_30 = arith.constant 0 : i32
    %add3A_31 = arith.addi %mul3A_29, %add3A_30 : i32
    %mul3A_32 = arith.constant 10000 : i32
    %mul3A_33 = arith.muli %add3A_31, %mul3A_32 : i32
    %scan3A_34 = arith.constant 0 : i32
    %scan3A_35 = arith.constant 0 : i32
    %scan3A_36 = arith.constant 250 : i32
    %scan3A_37 = arith.addi %scan3A_35, %scan3A_36 : i32
    %scan3A_38 = arith.constant 1 : i32
    scf.for %scan3A_97 = %scan3A_35 to %scan3A_37 step %scan3A_38  : i32 {
      %mul3A_98 = arith.constant 20000 : i32
      %mul3A_99 = arith.muli %arg1, %mul3A_98 : i32
      %mul3A_100 = arith.constant 80 : i32
      %mul3A_101 = arith.muli %scan3A_97, %mul3A_100 : i32
      %add3A_102 = arith.addi %mul3A_99, %mul3A_101 : i32
      "tpu.region"() ({
        %run_scoped3A = tpu.sem_alloc : memref<!tpu.dma_semaphore, #tpu.memory_space<semaphore_mem>>
        %dma_start3A_207 = tpu.memref_slice %arg3[%add3A_102] : memref<320000xi32, #tpu.memory_space<hbm>> -> memref<80xi32, #tpu.memory_space<hbm>>
        %dma_start3A_208 = tpu.memref_slice %arg3[%add3A_102] : memref<320000xi32, #tpu.memory_space<hbm>> -> memref<80xi32, #tpu.memory_space<hbm>>
        tpu.enqueue_dma source(%dma_start3A_208 : memref<80xi32, #tpu.memory_space<hbm>>) target(%arg6 : memref<80xi32, #tpu.memory_space<vmem>>) target_semaphore(%run_scoped3A : memref<!tpu.dma_semaphore, #tpu.memory_space<semaphore_mem>>)
        %dma_wait3A_209 = tpu.memref_slice %arg3[%add3A_102] : memref<320000xi32, #tpu.memory_space<hbm>> -> memref<80xi32, #tpu.memory_space<hbm>>
        %dma_wait3A_210 = tpu.memref_slice %arg3[%add3A_102] : memref<320000xi32, #tpu.memory_space<hbm>> -> memref<80xi32, #tpu.memory_space<hbm>>
        tpu.wait_dma2 semaphore(%run_scoped3A : memref<!tpu.dma_semaphore, #tpu.memory_space<semaphore_mem>>) src(%dma_wait3A_210 : memref<80xi32, #tpu.memory_space<hbm>>) dst(%arg6 : memref<80xi32, #tpu.memory_space<vmem>>)
        tpu.yield
      }) : () -> ()
      "tpu.region"() ({
        %run_scoped3A = tpu.sem_alloc : memref<!tpu.dma_semaphore, #tpu.memory_space<semaphore_mem>>
        %dma_start3A_207 = tpu.memref_slice %arg4[%add3A_102] : memref<320000xi32, #tpu.memory_space<hbm>> -> memref<80xi32, #tpu.memory_space<hbm>>
        %dma_start3A_208 = tpu.memref_slice %arg4[%add3A_102] : memref<320000xi32, #tpu.memory_space<hbm>> -> memref<80xi32, #tpu.memory_space<hbm>>
        tpu.enqueue_dma source(%dma_start3A_208 : memref<80xi32, #tpu.memory_space<hbm>>) target(%arg7 : memref<80xi32, #tpu.memory_space<vmem>>) target_semaphore(%run_scoped3A : memref<!tpu.dma_semaphore, #tpu.memory_space<semaphore_mem>>)
        %dma_wait3A_209 = tpu.memref_slice %arg4[%add3A_102] : memref<320000xi32, #tpu.memory_space<hbm>> -> memref<80xi32, #tpu.memory_space<hbm>>
        %dma_wait3A_210 = tpu.memref_slice %arg4[%add3A_102] : memref<320000xi32, #tpu.memory_space<hbm>> -> memref<80xi32, #tpu.memory_space<hbm>>
        tpu.wait_dma2 semaphore(%run_scoped3A : memref<!tpu.dma_semaphore, #tpu.memory_space<semaphore_mem>>) src(%dma_wait3A_210 : memref<80xi32, #tpu.memory_space<hbm>>) dst(%arg7 : memref<80xi32, #tpu.memory_space<vmem>>)
        tpu.yield
      }) : () -> ()
      %get3A = arith.constant 0 : index
      %get3A_103 = tpu.vector_load %arg6[%get3A] {strides = array<i32>} : memref<80xi32, #tpu.memory_space<vmem>>, vector<16xi32>,
      %get3A_104 = vector.shape_cast %get3A_103 : vector<16xi32> to vector<16xi32>
      %add3A_105 = vector.broadcast %mul3A_33 : i32 to vector<16xi32>
      %add3A_106 = arith.addi %get3A_104, %add3A_105 : vector<16xi32>
      %swap3A = arith.constant 0 : index
      %swap3A_107 = tpu.vector_load %arg8[%swap3A] {strides = array<i32>} : memref<80xi32, #tpu.memory_space<vmem>>, vector<16xi32>,
      %swap3A_108 = vector.shape_cast %swap3A_107 : vector<16xi32> to vector<16xi32>
      %swap3A_109 = vector.shape_cast %add3A_106 : vector<16xi32> to vector<16xi32>
      tpu.vector_store %arg8[%swap3A], %swap3A_109 {strides = array<i32>} : memref<80xi32, #tpu.memory_space<vmem>>, vector<16xi32>,
      %get3A_110 = arith.constant 0 : index
      %get3A_111 = tpu.vector_load %arg7[%get3A_110] {strides = array<i32>} : memref<80xi32, #tpu.memory_space<vmem>>, vector<16xi32>,
      %get3A_112 = vector.shape_cast %get3A_111 : vector<16xi32> to vector<16xi32>
      %add3A_113 = vector.broadcast %mul3A_33 : i32 to vector<16xi32>
      %add3A_114 = arith.addi %get3A_112, %add3A_113 : vector<16xi32>
      %swap3A_115 = arith.constant 0 : index
      %swap3A_116 = tpu.vector_load %arg9[%swap3A_115] {strides = array<i32>} : memref<80xi32, #tpu.memory_space<vmem>>, vector<16xi32>,
      %swap3A_117 = vector.shape_cast %swap3A_116 : vector<16xi32> to vector<16xi32>
      %swap3A_118 = vector.shape_cast %add3A_114 : vector<16xi32> to vector<16xi32>
      tpu.vector_store %arg9[%swap3A_115], %swap3A_118 {strides = array<i32>} : memref<80xi32, #tpu.memory_space<vmem>>, vector<16xi32>,
      %get3A_119 = arith.constant 16 : index
      %get3A_120 = tpu.vector_load %arg6[%get3A_119] {strides = array<i32>} : memref<80xi32, #tpu.memory_space<vmem>>, vector<16xi32>,
      %get3A_121 = vector.shape_cast %get3A_120 : vector<16xi32> to vector<16xi32>
      %add3A_122 = vector.broadcast %mul3A_33 : i32 to vector<16xi32>
      %add3A_123 = arith.addi %get3A_121, %add3A_122 : vector<16xi32>
      %swap3A_124 = arith.constant 16 : index
      %swap3A_125 = tpu.vector_load %arg8[%swap3A_124] {strides = array<i32>} : memref<80xi32, #tpu.memory_space<vmem>>, vector<16xi32>,
      %swap3A_126 = vector.shape_cast %swap3A_125 : vector<16xi32> to vector<16xi32>
      %swap3A_127 = vector.shape_cast %add3A_123 : vector<16xi32> to vector<16xi32>
      tpu.vector_store %arg8[%swap3A_124], %swap3A_127 {strides = array<i32>} : memref<80xi32, #tpu.memory_space<vmem>>, vector<16xi32>,
      %get3A_128 = arith.constant 16 : index
      %get3A_129 = tpu.vector_load %arg7[%get3A_128] {strides = array<i32>} : memref<80xi32, #tpu.memory_space<vmem>>, vector<16xi32>,
      %get3A_130 = vector.shape_cast %get3A_129 : vector<16xi32> to vector<16xi32>
      %add3A_131 = vector.broadcast %mul3A_33 : i32 to vector<16xi32>
      %add3A_132 = arith.addi %get3A_130, %add3A_131 : vector<16xi32>
      %swap3A_133 = arith.constant 16 : index
      %swap3A_134 = tpu.vector_load %arg9[%swap3A_133] {strides = array<i32>} : memref<80xi32, #tpu.memory_space<vmem>>, vector<16xi32>,
      %swap3A_135 = vector.shape_cast %swap3A_134 : vector<16xi32> to vector<16xi32>
      %swap3A_136 = vector.shape_cast %add3A_132 : vector<16xi32> to vector<16xi32>
      tpu.vector_store %arg9[%swap3A_133], %swap3A_136 {strides = array<i32>} : memref<80xi32, #tpu.memory_space<vmem>>, vector<16xi32>,
      %get3A_137 = arith.constant 32 : index
      %get3A_138 = tpu.vector_load %arg6[%get3A_137] {strides = array<i32>} : memref<80xi32, #tpu.memory_space<vmem>>, vector<16xi32>,
      %get3A_139 = vector.shape_cast %get3A_138 : vector<16xi32> to vector<16xi32>
      %add3A_140 = vector.broadcast %mul3A_33 : i32 to vector<16xi32>
      %add3A_141 = arith.addi %get3A_139, %add3A_140 : vector<16xi32>
      %swap3A_142 = arith.constant 32 : index
      %swap3A_143 = tpu.vector_load %arg8[%swap3A_142] {strides = array<i32>} : memref<80xi32, #tpu.memory_space<vmem>>, vector<16xi32>,
      %swap3A_144 = vector.shape_cast %swap3A_143 : vector<16xi32> to vector<16xi32>
      %swap3A_145 = vector.shape_cast %add3A_141 : vector<16xi32> to vector<16xi32>
      tpu.vector_store %arg8[%swap3A_142], %swap3A_145 {strides = array<i32>} : memref<80xi32, #tpu.memory_space<vmem>>, vector<16xi32>,
      %get3A_146 = arith.constant 32 : index
      %get3A_147 = tpu.vector_load %arg7[%get3A_146] {strides = array<i32>} : memref<80xi32, #tpu.memory_space<vmem>>, vector<16xi32>,
      %get3A_148 = vector.shape_cast %get3A_147 : vector<16xi32> to vector<16xi32>
      %add3A_149 = vector.broadcast %mul3A_33 : i32 to vector<16xi32>
      %add3A_150 = arith.addi %get3A_148, %add3A_149 : vector<16xi32>
      %swap3A_151 = arith.constant 32 : index
      %swap3A_152 = tpu.vector_load %arg9[%swap3A_151] {strides = array<i32>} : memref<80xi32, #tpu.memory_space<vmem>>, vector<16xi32>,
      %swap3A_153 = vector.shape_cast %swap3A_152 : vector<16xi32> to vector<16xi32>
      %swap3A_154 = vector.shape_cast %add3A_150 : vector<16xi32> to vector<16xi32>
      tpu.vector_store %arg9[%swap3A_151], %swap3A_154 {strides = array<i32>} : memref<80xi32, #tpu.memory_space<vmem>>, vector<16xi32>,
      %get3A_155 = arith.constant 48 : index
      %get3A_156 = tpu.vector_load %arg6[%get3A_155] {strides = array<i32>} : memref<80xi32, #tpu.memory_space<vmem>>, vector<16xi32>,
      %get3A_157 = vector.shape_cast %get3A_156 : vector<16xi32> to vector<16xi32>
      %add3A_158 = vector.broadcast %mul3A_33 : i32 to vector<16xi32>
      %add3A_159 = arith.addi %get3A_157, %add3A_158 : vector<16xi32>
      %swap3A_160 = arith.constant 48 : index
      %swap3A_161 = tpu.vector_load %arg8[%swap3A_160] {strides = array<i32>} : memref<80xi32, #tpu.memory_space<vmem>>, vector<16xi32>,
      %swap3A_162 = vector.shape_cast %swap3A_161 : vector<16xi32> to vector<16xi32>
      %swap3A_163 = vector.shape_cast %add3A_159 : vector<16xi32> to vector<16xi32>
      tpu.vector_store %arg8[%swap3A_160], %swap3A_163 {strides = array<i32>} : memref<80xi32, #tpu.memory_space<vmem>>, vector<16xi32>,
      %get3A_164 = arith.constant 48 : index
      %get3A_165 = tpu.vector_load %arg7[%get3A_164] {strides = array<i32>} : memref<80xi32, #tpu.memory_space<vmem>>, vector<16xi32>,
      %get3A_166 = vector.shape_cast %get3A_165 : vector<16xi32> to vector<16xi32>
      %add3A_167 = vector.broadcast %mul3A_33 : i32 to vector<16xi32>
      %add3A_168 = arith.addi %get3A_166, %add3A_167 : vector<16xi32>
      %swap3A_169 = arith.constant 48 : index
      %swap3A_170 = tpu.vector_load %arg9[%swap3A_169] {strides = array<i32>} : memref<80xi32, #tpu.memory_space<vmem>>, vector<16xi32>,
      %swap3A_171 = vector.shape_cast %swap3A_170 : vector<16xi32> to vector<16xi32>
      %swap3A_172 = vector.shape_cast %add3A_168 : vector<16xi32> to vector<16xi32>
      tpu.vector_store %arg9[%swap3A_169], %swap3A_172 {strides = array<i32>} : memref<80xi32, #tpu.memory_space<vmem>>, vector<16xi32>,
      %get3A_173 = arith.constant 64 : index
      %get3A_174 = tpu.vector_load %arg6[%get3A_173] {strides = array<i32>} : memref<80xi32, #tpu.memory_space<vmem>>, vector<16xi32>,
      %get3A_175 = vector.shape_cast %get3A_174 : vector<16xi32> to vector<16xi32>
      %add3A_176 = vector.broadcast %mul3A_33 : i32 to vector<16xi32>
      %add3A_177 = arith.addi %get3A_175, %add3A_176 : vector<16xi32>
      %swap3A_178 = arith.constant 64 : index
      %swap3A_179 = tpu.vector_load %arg8[%swap3A_178] {strides = array<i32>} : memref<80xi32, #tpu.memory_space<vmem>>, vector<16xi32>,
      %swap3A_180 = vector.shape_cast %swap3A_179 : vector<16xi32> to vector<16xi32>
      %swap3A_181 = vector.shape_cast %add3A_177 : vector<16xi32> to vector<16xi32>
      tpu.vector_store %arg8[%swap3A_178], %swap3A_181 {strides = array<i32>} : memref<80xi32, #tpu.memory_space<vmem>>, vector<16xi32>,
      %get3A_182 = arith.constant 64 : index
      %get3A_183 = tpu.vector_load %arg7[%get3A_182] {strides = array<i32>} : memref<80xi32, #tpu.memory_space<vmem>>, vector<16xi32>,
      %get3A_184 = vector.shape_cast %get3A_183 : vector<16xi32> to vector<16xi32>
      %add3A_185 = vector.broadcast %mul3A_33 : i32 to vector<16xi32>
      %add3A_186 = arith.addi %get3A_184, %add3A_185 : vector<16xi32>
      %swap3A_187 = arith.constant 64 : index
      %swap3A_188 = tpu.vector_load %arg9[%swap3A_187] {strides = array<i32>} : memref<80xi32, #tpu.memory_space<vmem>>, vector<16xi32>,
      %swap3A_189 = vector.shape_cast %swap3A_188 : vector<16xi32> to vector<16xi32>
      %swap3A_190 = vector.shape_cast %add3A_186 : vector<16xi32> to vector<16xi32>
      tpu.vector_store %arg9[%swap3A_187], %swap3A_190 {strides = array<i32>} : memref<80xi32, #tpu.memory_space<vmem>>, vector<16xi32>,
      %dma_start3A = arith.constant 0 : i32
      %dma_start3A_191 = arith.constant 0 : i32
      %dma_start3A_192 = tpu.memref_slice %arg2[%dma_start3A, %dma_start3A_191] : memref<40000x64xf32, #tpu.memory_space<hbm>> -> memref<40000x64xf32, #tpu.memory_space<hbm>>
      tpu.enqueue_indirect_dma source(%dma_start3A_192 : memref<40000x64xf32, #tpu.memory_space<hbm>>) target(%arg10 : memref<80x64xf32, #tpu.memory_space<vmem>>) offsets(%arg8 : memref<80xi32, #tpu.memory_space<vmem>>) semaphore(%arg15 : memref<!tpu.dma_semaphore, #tpu.memory_space<semaphore_mem>>)
      %dma_start3A_193 = arith.constant 0 : i32
      %dma_start3A_194 = arith.constant 0 : i32
      %dma_start3A_195 = tpu.memref_slice %arg2[%dma_start3A_193, %dma_start3A_194] : memref<40000x64xf32, #tpu.memory_space<hbm>> -> memref<40000x64xf32, #tpu.memory_space<hbm>>
      tpu.enqueue_indirect_dma source(%dma_start3A_195 : memref<40000x64xf32, #tpu.memory_space<hbm>>) target(%arg11 : memref<80x64xf32, #tpu.memory_space<vmem>>) offsets(%arg9 : memref<80xi32, #tpu.memory_space<vmem>>) semaphore(%arg16 : memref<!tpu.dma_semaphore, #tpu.memory_space<semaphore_mem>>)
      %dma_wait3A = arith.constant 0 : i32
      %dma_wait3A_196 = arith.constant 0 : i32
      %dma_wait3A_197 = tpu.memref_slice %arg2[%dma_wait3A, %dma_wait3A_196] : memref<40000x64xf32, #tpu.memory_space<hbm>> -> memref<40000x64xf32, #tpu.memory_space<hbm>>
      tpu.wait_indirect_dma semaphore(%arg15 : memref<!tpu.dma_semaphore, #tpu.memory_space<semaphore_mem>>) src(%dma_wait3A_197 : memref<40000x64xf32, #tpu.memory_space<hbm>>) dst(%arg10 : memref<80x64xf32, #tpu.memory_space<vmem>>)
      %dma_wait3A_198 = arith.constant 0 : i32
      %dma_wait3A_199 = arith.constant 0 : i32
      %dma_wait3A_200 = tpu.memref_slice %arg2[%dma_wait3A_198, %dma_wait3A_199] : memref<40000x64xf32, #tpu.memory_space<hbm>> -> memref<40000x64xf32, #tpu.memory_space<hbm>>
      tpu.wait_indirect_dma semaphore(%arg16 : memref<!tpu.dma_semaphore, #tpu.memory_space<semaphore_mem>>) src(%dma_wait3A_200 : memref<40000x64xf32, #tpu.memory_space<hbm>>) dst(%arg11 : memref<80x64xf32, #tpu.memory_space<vmem>>)
      %scan3A_201 = arith.constant 0 : i32
      %scan3A_202 = arith.constant 0 : i32
      %scan3A_203 = arith.constant 80 : i32
      %scan3A_204 = arith.addi %scan3A_202, %scan3A_203 : i32
      %scan3A_205 = arith.constant 1 : i32
      scf.for %scan3A_207 = %scan3A_202 to %scan3A_204 step %scan3A_205  : i32 {
        %get3A_208 = arith.index_cast %scan3A_207 : i32 to index
        %get3A_209 = arith.constant 0 : index
        %get3A_210 = tpu.vector_load %arg10[%get3A_208, %get3A_209] {strides = array<i32>} : memref<80x64xf32, #tpu.memory_space<vmem>>, vector<1x16xf32>,
        %get3A_211 = vector.shape_cast %get3A_210 : vector<1x16xf32> to vector<16xf32>
        %get3A_212 = arith.index_cast %scan3A_207 : i32 to index
        %get3A_213 = arith.constant 0 : index
        %get3A_214 = tpu.vector_load %arg11[%get3A_212, %get3A_213] {strides = array<i32>} : memref<80x64xf32, #tpu.memory_space<vmem>>, vector<1x16xf32>,
        %get3A_215 = vector.shape_cast %get3A_214 : vector<1x16xf32> to vector<16xf32>
        %mul3A_216 = arith.mulf %get3A_211, %get3A_215 : vector<16xf32>
        %get3A_217 = arith.index_cast %scan3A_207 : i32 to index
        %get3A_218 = arith.constant 16 : index
        %get3A_219 = tpu.vector_load %arg10[%get3A_217, %get3A_218] {strides = array<i32>} : memref<80x64xf32, #tpu.memory_space<vmem>>, vector<1x16xf32>,
        %get3A_220 = vector.shape_cast %get3A_219 : vector<1x16xf32> to vector<16xf32>
        %get3A_221 = arith.index_cast %scan3A_207 : i32 to index
        %get3A_222 = arith.constant 16 : index
        %get3A_223 = tpu.vector_load %arg11[%get3A_221, %get3A_222] {strides = array<i32>} : memref<80x64xf32, #tpu.memory_space<vmem>>, vector<1x16xf32>,
        %get3A_224 = vector.shape_cast %get3A_223 : vector<1x16xf32> to vector<16xf32>
        %mul3A_225 = arith.mulf %get3A_220, %get3A_224 : vector<16xf32>
        %add3A_226 = arith.addf %mul3A_216, %mul3A_225 : vector<16xf32>
        %get3A_227 = arith.index_cast %scan3A_207 : i32 to index
        %get3A_228 = arith.constant 32 : index
        %get3A_229 = tpu.vector_load %arg10[%get3A_227, %get3A_228] {strides = array<i32>} : memref<80x64xf32, #tpu.memory_space<vmem>>, vector<1x16xf32>,
        %get3A_230 = vector.shape_cast %get3A_229 : vector<1x16xf32> to vector<16xf32>
        %get3A_231 = arith.index_cast %scan3A_207 : i32 to index
        %get3A_232 = arith.constant 32 : index
        %get3A_233 = tpu.vector_load %arg11[%get3A_231, %get3A_232] {strides = array<i32>} : memref<80x64xf32, #tpu.memory_space<vmem>>, vector<1x16xf32>,
        %get3A_234 = vector.shape_cast %get3A_233 : vector<1x16xf32> to vector<16xf32>
        %mul3A_235 = arith.mulf %get3A_230, %get3A_234 : vector<16xf32>
        %add3A_236 = arith.addf %add3A_226, %mul3A_235 : vector<16xf32>
        %get3A_237 = arith.index_cast %scan3A_207 : i32 to index
        %get3A_238 = arith.constant 48 : index
        %get3A_239 = tpu.vector_load %arg10[%get3A_237, %get3A_238] {strides = array<i32>} : memref<80x64xf32, #tpu.memory_space<vmem>>, vector<1x16xf32>,
        %get3A_240 = vector.shape_cast %get3A_239 : vector<1x16xf32> to vector<16xf32>
        %get3A_241 = arith.index_cast %scan3A_207 : i32 to index
        %get3A_242 = arith.constant 48 : index
        %get3A_243 = tpu.vector_load %arg11[%get3A_241, %get3A_242] {strides = array<i32>} : memref<80x64xf32, #tpu.memory_space<vmem>>, vector<1x16xf32>,
        %get3A_244 = vector.shape_cast %get3A_243 : vector<1x16xf32> to vector<16xf32>
        %mul3A_245 = arith.mulf %get3A_240, %get3A_244 : vector<16xf32>
        %add3A_246 = arith.addf %add3A_236, %mul3A_245 : vector<16xf32>
        %iota3A_247 = tpu.iota {dimensions = array<i32: 0>} : vector<16xi32>
        %xor3A = arith.constant 1 : i32
        %xor3A_248 = vector.broadcast %xor3A : i32 to vector<16xi32>
        %xor3A_249 = arith.xori %iota3A_247, %xor3A_248 : vector<16xi32>
        %reshape3A = vector.shape_cast %xor3A_249 : vector<16xi32> to vector<16x1xi32>
        %gather3A = vector.shape_cast %reshape3A : vector<16x1xi32> to vector<16xi32>
        %gather3A_250 = tpu.dynamic_gather %add3A_246[%gather3A] in [0] : vector<16xf32>, vector<16xi32> -> vector<16xf32>
        %add3A_251 = arith.addf %add3A_246, %gather3A_250 : vector<16xf32>
        %xor3A_252 = arith.constant 2 : i32
        %xor3A_253 = vector.broadcast %xor3A_252 : i32 to vector<16xi32>
        %xor3A_254 = arith.xori %iota3A_247, %xor3A_253 : vector<16xi32>
        %reshape3A_255 = vector.shape_cast %xor3A_254 : vector<16xi32> to vector<16x1xi32>
        %gather3A_256 = vector.shape_cast %reshape3A_255 : vector<16x1xi32> to vector<16xi32>
        %gather3A_257 = tpu.dynamic_gather %add3A_251[%gather3A_256] in [0] : vector<16xf32>, vector<16xi32> -> vector<16xf32>
        %add3A_258 = arith.addf %add3A_251, %gather3A_257 : vector<16xf32>
        %xor3A_259 = arith.constant 4 : i32
        %xor3A_260 = vector.broadcast %xor3A_259 : i32 to vector<16xi32>
        %xor3A_261 = arith.xori %iota3A_247, %xor3A_260 : vector<16xi32>
        %reshape3A_262 = vector.shape_cast %xor3A_261 : vector<16xi32> to vector<16x1xi32>
        %gather3A_263 = vector.shape_cast %reshape3A_262 : vector<16x1xi32> to vector<16xi32>
        %gather3A_264 = tpu.dynamic_gather %add3A_258[%gather3A_263] in [0] : vector<16xf32>, vector<16xi32> -> vector<16xf32>
        %add3A_265 = arith.addf %add3A_258, %gather3A_264 : vector<16xf32>
        %xor3A_266 = arith.constant 8 : i32
        %xor3A_267 = vector.broadcast %xor3A_266 : i32 to vector<16xi32>
        %xor3A_268 = arith.xori %iota3A_247, %xor3A_267 : vector<16xi32>
        %reshape3A_269 = vector.shape_cast %xor3A_268 : vector<16xi32> to vector<16x1xi32>
        %gather3A_270 = vector.shape_cast %reshape3A_269 : vector<16x1xi32> to vector<16xi32>
        %gather3A_271 = tpu.dynamic_gather %add3A_265[%gather3A_270] in [0] : vector<16xf32>, vector<16xi32> -> vector<16xf32>
        %add3A_272 = arith.addf %add3A_265, %gather3A_271 : vector<16xf32>
        %mul3A_273 = arith.constant 1.250000e-01 : f32
        %mul3A_274 = vector.broadcast %mul3A_273 : f32 to vector<16xf32>
        %mul3A_275 = arith.mulf %add3A_272, %mul3A_274 : vector<16xf32>
        %exp3A = math.exp %mul3A_275 : vector<16xf32>
        %get3A_276 = arith.index_cast %scan3A_207 : i32 to index
        %get3A_277 = arith.constant 0 : index
        %get3A_278 = tpu.vector_load %arg10[%get3A_276, %get3A_277] {strides = array<i32>} : memref<80x64xf32, #tpu.memory_space<vmem>>, vector<1x16xf32>,
        %get3A_279 = vector.shape_cast %get3A_278 : vector<1x16xf32> to vector<16xf32>
        %mul3A_280 = arith.mulf %exp3A, %get3A_279 : vector<16xf32>
        %swap3A_281 = arith.index_cast %scan3A_207 : i32 to index
        %swap3A_282 = arith.constant 0 : index
        %swap3A_283 = tpu.vector_load %arg12[%swap3A_281, %swap3A_282] {strides = array<i32>} : memref<80x80xf32, #tpu.memory_space<vmem>>, vector<1x16xf32>,
        %swap3A_284 = vector.shape_cast %swap3A_283 : vector<1x16xf32> to vector<16xf32>
        %swap3A_285 = vector.shape_cast %mul3A_280 : vector<16xf32> to vector<1x16xf32>
        tpu.vector_store %arg12[%swap3A_281, %swap3A_282], %swap3A_285 {strides = array<i32>} : memref<80x80xf32, #tpu.memory_space<vmem>>, vector<1x16xf32>,
        %get3A_286 = arith.index_cast %scan3A_207 : i32 to index
        %get3A_287 = arith.constant 16 : index
        %get3A_288 = tpu.vector_load %arg10[%get3A_286, %get3A_287] {strides = array<i32>} : memref<80x64xf32, #tpu.memory_space<vmem>>, vector<1x16xf32>,
        %get3A_289 = vector.shape_cast %get3A_288 : vector<1x16xf32> to vector<16xf32>
        %mul3A_290 = arith.mulf %exp3A, %get3A_289 : vector<16xf32>
        %swap3A_291 = arith.index_cast %scan3A_207 : i32 to index
        %swap3A_292 = arith.constant 16 : index
        %swap3A_293 = tpu.vector_load %arg12[%swap3A_291, %swap3A_292] {strides = array<i32>} : memref<80x80xf32, #tpu.memory_space<vmem>>, vector<1x16xf32>,
        %swap3A_294 = vector.shape_cast %swap3A_293 : vector<1x16xf32> to vector<16xf32>
        %swap3A_295 = vector.shape_cast %mul3A_290 : vector<16xf32> to vector<1x16xf32>
        tpu.vector_store %arg12[%swap3A_291, %swap3A_292], %swap3A_295 {strides = array<i32>} : memref<80x80xf32, #tpu.memory_space<vmem>>, vector<1x16xf32>,
        %get3A_296 = arith.index_cast %scan3A_207 : i32 to index
        %get3A_297 = arith.constant 32 : index
        %get3A_298 = tpu.vector_load %arg10[%get3A_296, %get3A_297] {strides = array<i32>} : memref<80x64xf32, #tpu.memory_space<vmem>>, vector<1x16xf32>,
        %get3A_299 = vector.shape_cast %get3A_298 : vector<1x16xf32> to vector<16xf32>
        %mul3A_300 = arith.mulf %exp3A, %get3A_299 : vector<16xf32>
        %swap3A_301 = arith.index_cast %scan3A_207 : i32 to index
        %swap3A_302 = arith.constant 32 : index
        %swap3A_303 = tpu.vector_load %arg12[%swap3A_301, %swap3A_302] {strides = array<i32>} : memref<80x80xf32, #tpu.memory_space<vmem>>, vector<1x16xf32>,
        %swap3A_304 = vector.shape_cast %swap3A_303 : vector<1x16xf32> to vector<16xf32>
        %swap3A_305 = vector.shape_cast %mul3A_300 : vector<16xf32> to vector<1x16xf32>
        tpu.vector_store %arg12[%swap3A_301, %swap3A_302], %swap3A_305 {strides = array<i32>} : memref<80x80xf32, #tpu.memory_space<vmem>>, vector<1x16xf32>,
        %get3A_306 = arith.index_cast %scan3A_207 : i32 to index
        %get3A_307 = arith.constant 48 : index
        %get3A_308 = tpu.vector_load %arg10[%get3A_306, %get3A_307] {strides = array<i32>} : memref<80x64xf32, #tpu.memory_space<vmem>>, vector<1x16xf32>,
        %get3A_309 = vector.shape_cast %get3A_308 : vector<1x16xf32> to vector<16xf32>
        %mul3A_310 = arith.mulf %exp3A, %get3A_309 : vector<16xf32>
        %swap3A_311 = arith.index_cast %scan3A_207 : i32 to index
        %swap3A_312 = arith.constant 48 : index
        %swap3A_313 = tpu.vector_load %arg12[%swap3A_311, %swap3A_312] {strides = array<i32>} : memref<80x80xf32, #tpu.memory_space<vmem>>, vector<1x16xf32>,
        %swap3A_314 = vector.shape_cast %swap3A_313 : vector<1x16xf32> to vector<16xf32>
        %swap3A_315 = vector.shape_cast %mul3A_310 : vector<16xf32> to vector<1x16xf32>
        tpu.vector_store %arg12[%swap3A_311, %swap3A_312], %swap3A_315 {strides = array<i32>} : memref<80x80xf32, #tpu.memory_space<vmem>>, vector<1x16xf32>,
        %select_n3A = arith.select %eq3A_25, %exp3A, %broadcast_in_dim3A_27 : vector<16xi1>, vector<16xf32>
        %swap3A_316 = arith.index_cast %scan3A_207 : i32 to index
        %swap3A_317 = arith.constant 64 : index
        %swap3A_318 = tpu.vector_load %arg12[%swap3A_316, %swap3A_317] {strides = array<i32>} : memref<80x80xf32, #tpu.memory_space<vmem>>, vector<1x16xf32>,
        %swap3A_319 = vector.shape_cast %swap3A_318 : vector<1x16xf32> to vector<16xf32>
        %swap3A_320 = vector.shape_cast %select_n3A : vector<16xf32> to vector<1x16xf32>
        tpu.vector_store %arg12[%swap3A_316, %swap3A_317], %swap3A_320 {strides = array<i32>} : memref<80x80xf32, #tpu.memory_space<vmem>>, vector<1x16xf32>,
      }
      %scan3A_206 = arith.constant 80 : i32
      "tpu.region"() ({
        %run_scoped3A = tpu.sem_alloc : memref<!tpu.dma_semaphore, #tpu.memory_space<semaphore_mem>>
        %dma_start3A_207 = arith.constant 0 : i32
        %dma_start3A_208 = arith.constant 0 : i32
        %dma_start3A_209 = tpu.memref_slice %arg14[%dma_start3A_207, %dma_start3A_208] : memref<10240x80xf32, #tpu.memory_space<vmem_shared>> -> memref<10240x80xf32, #tpu.memory_space<vmem_shared>>
        tpu.enqueue_indirect_dma source(%arg12 : memref<80x80xf32, #tpu.memory_space<vmem>>) target(%dma_start3A_209 : memref<10240x80xf32, #tpu.memory_space<vmem_shared>>) offsets(%arg7 : memref<80xi32, #tpu.memory_space<vmem>>) semaphore(%run_scoped3A : memref<!tpu.dma_semaphore, #tpu.memory_space<semaphore_mem>>) {add = true}
        %dma_wait3A_210 = arith.constant 0 : i32
        %dma_wait3A_211 = arith.constant 0 : i32
        %dma_wait3A_212 = tpu.memref_slice %arg14[%dma_wait3A_210, %dma_wait3A_211] : memref<10240x80xf32, #tpu.memory_space<vmem_shared>> -> memref<10240x80xf32, #tpu.memory_space<vmem_shared>>
        tpu.wait_indirect_dma semaphore(%run_scoped3A : memref<!tpu.dma_semaphore, #tpu.memory_space<semaphore_mem>>) src(%arg12 : memref<80x80xf32, #tpu.memory_space<vmem>>) dst(%dma_wait3A_212 : memref<10240x80xf32, #tpu.memory_space<vmem_shared>>)
        tpu.yield
      }) : () -> ()
    }
    %scan3A_39 = arith.constant 250 : i32
    %barrier3A_40 = arith.constant 0 : index
    tpu.barrier barrier_id(%barrier3A_40)
    %mul3A_41 = arith.constant 640 : i32
    %mul3A_42 = arith.muli %arg1, %mul3A_41 : i32
    %mul3A_43 = arith.constant 2 : i32
    %mul3A_44 = arith.muli %mul3A_43, %arg0 : i32
    %add3A_45 = arith.constant 0 : i32
    %add3A_46 = arith.addi %mul3A_44, %add3A_45 : i32
    %mul3A_47 = arith.constant 10240 : i32
    %mul3A_48 = arith.muli %add3A_46, %mul3A_47 : i32
    %mul3A_49 = arith.constant 640 : i32
    %mul3A_50 = arith.muli %arg1, %mul3A_49 : i32
    %add3A_51 = arith.addi %mul3A_48, %mul3A_50 : i32
    "tpu.region"() ({
      %run_scoped3A = tpu.sem_alloc : memref<!tpu.dma_semaphore, #tpu.memory_space<semaphore_mem>>
      %dma_start3A = arith.constant 0 : i32
      %dma_start3A_97 = tpu.memref_slice %arg5[%add3A_51, %dma_start3A] : memref<40960x80xf32, #tpu.memory_space<hbm>> -> memref<640x80xf32, #tpu.memory_space<hbm>>
      %dma_start3A_98 = arith.constant 0 : i32
      %dma_start3A_99 = tpu.memref_slice %arg14[%mul3A_42, %dma_start3A_98] : memref<10240x80xf32, #tpu.memory_space<vmem_shared>> -> memref<640x80xf32, #tpu.memory_space<vmem_shared>>
      tpu.enqueue_dma source(%dma_start3A_99 : memref<640x80xf32, #tpu.memory_space<vmem_shared>>) target(%dma_start3A_97 : memref<640x80xf32, #tpu.memory_space<hbm>>) target_semaphore(%run_scoped3A : memref<!tpu.dma_semaphore, #tpu.memory_space<semaphore_mem>>)
      %dma_wait3A = arith.constant 0 : i32
      %dma_wait3A_100 = tpu.memref_slice %arg5[%add3A_51, %dma_wait3A] : memref<40960x80xf32, #tpu.memory_space<hbm>> -> memref<640x80xf32, #tpu.memory_space<hbm>>
      %dma_wait3A_101 = arith.constant 0 : i32
      %dma_wait3A_102 = tpu.memref_slice %arg14[%mul3A_42, %dma_wait3A_101] : memref<10240x80xf32, #tpu.memory_space<vmem_shared>> -> memref<640x80xf32, #tpu.memory_space<vmem_shared>>
      tpu.wait_dma2 semaphore(%run_scoped3A : memref<!tpu.dma_semaphore, #tpu.memory_space<semaphore_mem>>) src(%dma_wait3A_102 : memref<640x80xf32, #tpu.memory_space<vmem_shared>>) dst(%dma_wait3A_100 : memref<640x80xf32, #tpu.memory_space<hbm>>)
      tpu.yield
    }) : () -> ()
    %mul3A_52 = arith.constant 640 : i32
    %mul3A_53 = arith.muli %arg1, %mul3A_52 : i32
    %add3A_54 = arith.constant 0 : i32
    %add3A_55 = arith.addi %mul3A_53, %add3A_54 : i32
    "tpu.region"() ({
      %run_scoped3A = tpu.sem_alloc : memref<!tpu.dma_semaphore, #tpu.memory_space<semaphore_mem>>
      %dma_start3A = arith.constant 0 : i32
      %dma_start3A_97 = tpu.memref_slice %arg14[%add3A_55, %dma_start3A] : memref<10240x80xf32, #tpu.memory_space<vmem_shared>> -> memref<128x80xf32, #tpu.memory_space<vmem_shared>>
      %dma_start3A_98 = arith.constant 0 : i32
      %dma_start3A_99 = tpu.memref_slice %arg14[%add3A_55, %dma_start3A_98] : memref<10240x80xf32, #tpu.memory_space<vmem_shared>> -> memref<128x80xf32, #tpu.memory_space<vmem_shared>>
      tpu.enqueue_dma source(%arg13 : memref<128x80xf32, #tpu.memory_space<vmem>>) target(%dma_start3A_99 : memref<128x80xf32, #tpu.memory_space<vmem_shared>>) target_semaphore(%run_scoped3A : memref<!tpu.dma_semaphore, #tpu.memory_space<semaphore_mem>>)
      %dma_wait3A = arith.constant 0 : i32
      %dma_wait3A_100 = tpu.memref_slice %arg14[%add3A_55, %dma_wait3A] : memref<10240x80xf32, #tpu.memory_space<vmem_shared>> -> memref<128x80xf32, #tpu.memory_space<vmem_shared>>
      %dma_wait3A_101 = arith.constant 0 : i32
      %dma_wait3A_102 = tpu.memref_slice %arg14[%add3A_55, %dma_wait3A_101] : memref<10240x80xf32, #tpu.memory_space<vmem_shared>> -> memref<128x80xf32, #tpu.memory_space<vmem_shared>>
      tpu.wait_dma2 semaphore(%run_scoped3A : memref<!tpu.dma_semaphore, #tpu.memory_space<semaphore_mem>>) src(%arg13 : memref<128x80xf32, #tpu.memory_space<vmem>>) dst(%dma_wait3A_102 : memref<128x80xf32, #tpu.memory_space<vmem_shared>>)
      tpu.yield
    }) : () -> ()
    %mul3A_56 = arith.constant 640 : i32
    %mul3A_57 = arith.muli %arg1, %mul3A_56 : i32
    %add3A_58 = arith.constant 128 : i32
    %add3A_59 = arith.addi %mul3A_57, %add3A_58 : i32
    "tpu.region"() ({
      %run_scoped3A = tpu.sem_alloc : memref<!tpu.dma_semaphore, #tpu.memory_space<semaphore_mem>>
      %dma_start3A = arith.constant 0 : i32
      %dma_start3A_97 = tpu.memref_slice %arg14[%add3A_59, %dma_start3A] : memref<10240x80xf32, #tpu.memory_space<vmem_shared>> -> memref<128x80xf32, #tpu.memory_space<vmem_shared>>
      %dma_start3A_98 = arith.constant 0 : i32
      %dma_start3A_99 = tpu.memref_slice %arg14[%add3A_59, %dma_start3A_98] : memref<10240x80xf32, #tpu.memory_space<vmem_shared>> -> memref<128x80xf32, #tpu.memory_space<vmem_shared>>
      tpu.enqueue_dma source(%arg13 : memref<128x80xf32, #tpu.memory_space<vmem>>) target(%dma_start3A_99 : memref<128x80xf32, #tpu.memory_space<vmem_shared>>) target_semaphore(%run_scoped3A : memref<!tpu.dma_semaphore, #tpu.memory_space<semaphore_mem>>)
      %dma_wait3A = arith.constant 0 : i32
      %dma_wait3A_100 = tpu.memref_slice %arg14[%add3A_59, %dma_wait3A] : memref<10240x80xf32, #tpu.memory_space<vmem_shared>> -> memref<128x80xf32, #tpu.memory_space<vmem_shared>>
      %dma_wait3A_101 = arith.constant 0 : i32
      %dma_wait3A_102 = tpu.memref_slice %arg14[%add3A_59, %dma_wait3A_101] : memref<10240x80xf32, #tpu.memory_space<vmem_shared>> -> memref<128x80xf32, #tpu.memory_space<vmem_shared>>
      tpu.wait_dma2 semaphore(%run_scoped3A : memref<!tpu.dma_semaphore, #tpu.memory_space<semaphore_mem>>) src(%arg13 : memref<128x80xf32, #tpu.memory_space<vmem>>) dst(%dma_wait3A_102 : memref<128x80xf32, #tpu.memory_space<vmem_shared>>)
      tpu.yield
    }) : () -> ()
    %mul3A_60 = arith.constant 640 : i32
    %mul3A_61 = arith.muli %arg1, %mul3A_60 : i32
    %add3A_62 = arith.constant 256 : i32
    %add3A_63 = arith.addi %mul3A_61, %add3A_62 : i32
    "tpu.region"() ({
      %run_scoped3A = tpu.sem_alloc : memref<!tpu.dma_semaphore, #tpu.memory_space<semaphore_mem>>
      %dma_start3A = arith.constant 0 : i32
      %dma_start3A_97 = tpu.memref_slice %arg14[%add3A_63, %dma_start3A] : memref<10240x80xf32, #tpu.memory_space<vmem_shared>> -> memref<128x80xf32, #tpu.memory_space<vmem_shared>>
      %dma_start3A_98 = arith.constant 0 : i32
      %dma_start3A_99 = tpu.memref_slice %arg14[%add3A_63, %dma_start3A_98] : memref<10240x80xf32, #tpu.memory_space<vmem_shared>> -> memref<128x80xf32, #tpu.memory_space<vmem_shared>>
      tpu.enqueue_dma source(%arg13 : memref<128x80xf32, #tpu.memory_space<vmem>>) target(%dma_start3A_99 : memref<128x80xf32, #tpu.memory_space<vmem_shared>>) target_semaphore(%run_scoped3A : memref<!tpu.dma_semaphore, #tpu.memory_space<semaphore_mem>>)
      %dma_wait3A = arith.constant 0 : i32
      %dma_wait3A_100 = tpu.memref_slice %arg14[%add3A_63, %dma_wait3A] : memref<10240x80xf32, #tpu.memory_space<vmem_shared>> -> memref<128x80xf32, #tpu.memory_space<vmem_shared>>
      %dma_wait3A_101 = arith.constant 0 : i32
      %dma_wait3A_102 = tpu.memref_slice %arg14[%add3A_63, %dma_wait3A_101] : memref<10240x80xf32, #tpu.memory_space<vmem_shared>> -> memref<128x80xf32, #tpu.memory_space<vmem_shared>>
      tpu.wait_dma2 semaphore(%run_scoped3A : memref<!tpu.dma_semaphore, #tpu.memory_space<semaphore_mem>>) src(%arg13 : memref<128x80xf32, #tpu.memory_space<vmem>>) dst(%dma_wait3A_102 : memref<128x80xf32, #tpu.memory_space<vmem_shared>>)
      tpu.yield
    }) : () -> ()
    %mul3A_64 = arith.constant 640 : i32
    %mul3A_65 = arith.muli %arg1, %mul3A_64 : i32
    %add3A_66 = arith.constant 384 : i32
    %add3A_67 = arith.addi %mul3A_65, %add3A_66 : i32
    "tpu.region"() ({
      %run_scoped3A = tpu.sem_alloc : memref<!tpu.dma_semaphore, #tpu.memory_space<semaphore_mem>>
      %dma_start3A = arith.constant 0 : i32
      %dma_start3A_97 = tpu.memref_slice %arg14[%add3A_67, %dma_start3A] : memref<10240x80xf32, #tpu.memory_space<vmem_shared>> -> memref<128x80xf32, #tpu.memory_space<vmem_shared>>
      %dma_start3A_98 = arith.constant 0 : i32
      %dma_start3A_99 = tpu.memref_slice %arg14[%add3A_67, %dma_start3A_98] : memref<10240x80xf32, #tpu.memory_space<vmem_shared>> -> memref<128x80xf32, #tpu.memory_space<vmem_shared>>
      tpu.enqueue_dma source(%arg13 : memref<128x80xf32, #tpu.memory_space<vmem>>) target(%dma_start3A_99 : memref<128x80xf32, #tpu.memory_space<vmem_shared>>) target_semaphore(%run_scoped3A : memref<!tpu.dma_semaphore, #tpu.memory_space<semaphore_mem>>)
      %dma_wait3A = arith.constant 0 : i32
      %dma_wait3A_100 = tpu.memref_slice %arg14[%add3A_67, %dma_wait3A] : memref<10240x80xf32, #tpu.memory_space<vmem_shared>> -> memref<128x80xf32, #tpu.memory_space<vmem_shared>>
      %dma_wait3A_101 = arith.constant 0 : i32
      %dma_wait3A_102 = tpu.memref_slice %arg14[%add3A_67, %dma_wait3A_101] : memref<10240x80xf32, #tpu.memory_space<vmem_shared>> -> memref<128x80xf32, #tpu.memory_space<vmem_shared>>
      tpu.wait_dma2 semaphore(%run_scoped3A : memref<!tpu.dma_semaphore, #tpu.memory_space<semaphore_mem>>) src(%arg13 : memref<128x80xf32, #tpu.memory_space<vmem>>) dst(%dma_wait3A_102 : memref<128x80xf32, #tpu.memory_space<vmem_shared>>)
      tpu.yield
    }) : () -> ()
    %mul3A_68 = arith.constant 640 : i32
    %mul3A_69 = arith.muli %arg1, %mul3A_68 : i32
    %add3A_70 = arith.constant 512 : i32
    %add3A_71 = arith.addi %mul3A_69, %add3A_70 : i32
    "tpu.region"() ({
      %run_scoped3A = tpu.sem_alloc : memref<!tpu.dma_semaphore, #tpu.memory_space<semaphore_mem>>
      %dma_start3A = arith.constant 0 : i32
      %dma_start3A_97 = tpu.memref_slice %arg14[%add3A_71, %dma_start3A] : memref<10240x80xf32, #tpu.memory_space<vmem_shared>> -> memref<128x80xf32, #tpu.memory_space<vmem_shared>>
      %dma_start3A_98 = arith.constant 0 : i32
      %dma_start3A_99 = tpu.memref_slice %arg14[%add3A_71, %dma_start3A_98] : memref<10240x80xf32, #tpu.memory_space<vmem_shared>> -> memref<128x80xf32, #tpu.memory_space<vmem_shared>>
      tpu.enqueue_dma source(%arg13 : memref<128x80xf32, #tpu.memory_space<vmem>>) target(%dma_start3A_99 : memref<128x80xf32, #tpu.memory_space<vmem_shared>>) target_semaphore(%run_scoped3A : memref<!tpu.dma_semaphore, #tpu.memory_space<semaphore_mem>>)
      %dma_wait3A = arith.constant 0 : i32
      %dma_wait3A_100 = tpu.memref_slice %arg14[%add3A_71, %dma_wait3A] : memref<10240x80xf32, #tpu.memory_space<vmem_shared>> -> memref<128x80xf32, #tpu.memory_space<vmem_shared>>
      %dma_wait3A_101 = arith.constant 0 : i32
      %dma_wait3A_102 = tpu.memref_slice %arg14[%add3A_71, %dma_wait3A_101] : memref<10240x80xf32, #tpu.memory_space<vmem_shared>> -> memref<128x80xf32, #tpu.memory_space<vmem_shared>>
      tpu.wait_dma2 semaphore(%run_scoped3A : memref<!tpu.dma_semaphore, #tpu.memory_space<semaphore_mem>>) src(%arg13 : memref<128x80xf32, #tpu.memory_space<vmem>>) dst(%dma_wait3A_102 : memref<128x80xf32, #tpu.memory_space<vmem_shared>>)
      tpu.yield
    }) : () -> ()
    %barrier3A_72 = arith.constant 0 : index
    tpu.barrier barrier_id(%barrier3A_72)
    %mul3A_73 = arith.constant 2 : i32
    %mul3A_74 = arith.muli %mul3A_73, %arg0 : i32
    %add3A_75 = arith.constant 1 : i32
    %add3A_76 = arith.addi %mul3A_74, %add3A_75 : i32
    %mul3A_77 = arith.constant 10000 : i32
    %mul3A_78 = arith.muli %add3A_76, %mul3A_77 : i32
    %scan3A_79 = arith.constant 0 : i32
    %scan3A_80 = arith.constant 0 : i32
    %scan3A_81 = arith.constant 250 : i32
    %scan3A_82 = arith.addi %scan3A_80, %scan3A_81 : i32
    %scan3A_83 = arith.constant 1 : i32
    scf.for %scan3A_97 = %scan3A_80 to %scan3A_82 step %scan3A_83  : i32 {
      %mul3A_98 = arith.constant 20000 : i32
      %mul3A_99 = arith.muli %arg1, %mul3A_98 : i32
      %mul3A_100 = arith.constant 80 : i32
      %mul3A_101 = arith.muli %scan3A_97, %mul3A_100 : i32
      %add3A_102 = arith.addi %mul3A_99, %mul3A_101 : i32
      "tpu.region"() ({
        %run_scoped3A = tpu.sem_alloc : memref<!tpu.dma_semaphore, #tpu.memory_space<semaphore_mem>>
        %dma_start3A_207 = tpu.memref_slice %arg3[%add3A_102] : memref<320000xi32, #tpu.memory_space<hbm>> -> memref<80xi32, #tpu.memory_space<hbm>>
        %dma_start3A_208 = tpu.memref_slice %arg3[%add3A_102] : memref<320000xi32, #tpu.memory_space<hbm>> -> memref<80xi32, #tpu.memory_space<hbm>>
        tpu.enqueue_dma source(%dma_start3A_208 : memref<80xi32, #tpu.memory_space<hbm>>) target(%arg6 : memref<80xi32, #tpu.memory_space<vmem>>) target_semaphore(%run_scoped3A : memref<!tpu.dma_semaphore, #tpu.memory_space<semaphore_mem>>)
        %dma_wait3A_209 = tpu.memref_slice %arg3[%add3A_102] : memref<320000xi32, #tpu.memory_space<hbm>> -> memref<80xi32, #tpu.memory_space<hbm>>
        %dma_wait3A_210 = tpu.memref_slice %arg3[%add3A_102] : memref<320000xi32, #tpu.memory_space<hbm>> -> memref<80xi32, #tpu.memory_space<hbm>>
        tpu.wait_dma2 semaphore(%run_scoped3A : memref<!tpu.dma_semaphore, #tpu.memory_space<semaphore_mem>>) src(%dma_wait3A_210 : memref<80xi32, #tpu.memory_space<hbm>>) dst(%arg6 : memref<80xi32, #tpu.memory_space<vmem>>)
        tpu.yield
      }) : () -> ()
      "tpu.region"() ({
        %run_scoped3A = tpu.sem_alloc : memref<!tpu.dma_semaphore, #tpu.memory_space<semaphore_mem>>
        %dma_start3A_207 = tpu.memref_slice %arg4[%add3A_102] : memref<320000xi32, #tpu.memory_space<hbm>> -> memref<80xi32, #tpu.memory_space<hbm>>
        %dma_start3A_208 = tpu.memref_slice %arg4[%add3A_102] : memref<320000xi32, #tpu.memory_space<hbm>> -> memref<80xi32, #tpu.memory_space<hbm>>
        tpu.enqueue_dma source(%dma_start3A_208 : memref<80xi32, #tpu.memory_space<hbm>>) target(%arg7 : memref<80xi32, #tpu.memory_space<vmem>>) target_semaphore(%run_scoped3A : memref<!tpu.dma_semaphore, #tpu.memory_space<semaphore_mem>>)
        %dma_wait3A_209 = tpu.memref_slice %arg4[%add3A_102] : memref<320000xi32, #tpu.memory_space<hbm>> -> memref<80xi32, #tpu.memory_space<hbm>>
        %dma_wait3A_210 = tpu.memref_slice %arg4[%add3A_102] : memref<320000xi32, #tpu.memory_space<hbm>> -> memref<80xi32, #tpu.memory_space<hbm>>
        tpu.wait_dma2 semaphore(%run_scoped3A : memref<!tpu.dma_semaphore, #tpu.memory_space<semaphore_mem>>) src(%dma_wait3A_210 : memref<80xi32, #tpu.memory_space<hbm>>) dst(%arg7 : memref<80xi32, #tpu.memory_space<vmem>>)
        tpu.yield
      }) : () -> ()
      %get3A = arith.constant 0 : index
      %get3A_103 = tpu.vector_load %arg6[%get3A] {strides = array<i32>} : memref<80xi32, #tpu.memory_space<vmem>>, vector<16xi32>,
      %get3A_104 = vector.shape_cast %get3A_103 : vector<16xi32> to vector<16xi32>
      %add3A_105 = vector.broadcast %mul3A_78 : i32 to vector<16xi32>
      %add3A_106 = arith.addi %get3A_104, %add3A_105 : vector<16xi32>
      %swap3A = arith.constant 0 : index
      %swap3A_107 = tpu.vector_load %arg8[%swap3A] {strides = array<i32>} : memref<80xi32, #tpu.memory_space<vmem>>, vector<16xi32>,
      %swap3A_108 = vector.shape_cast %swap3A_107 : vector<16xi32> to vector<16xi32>
      %swap3A_109 = vector.shape_cast %add3A_106 : vector<16xi32> to vector<16xi32>
      tpu.vector_store %arg8[%swap3A], %swap3A_109 {strides = array<i32>} : memref<80xi32, #tpu.memory_space<vmem>>, vector<16xi32>,
      %get3A_110 = arith.constant 0 : index
      %get3A_111 = tpu.vector_load %arg7[%get3A_110] {strides = array<i32>} : memref<80xi32, #tpu.memory_space<vmem>>, vector<16xi32>,
      %get3A_112 = vector.shape_cast %get3A_111 : vector<16xi32> to vector<16xi32>
      %add3A_113 = vector.broadcast %mul3A_78 : i32 to vector<16xi32>
      %add3A_114 = arith.addi %get3A_112, %add3A_113 : vector<16xi32>
      %swap3A_115 = arith.constant 0 : index
      %swap3A_116 = tpu.vector_load %arg9[%swap3A_115] {strides = array<i32>} : memref<80xi32, #tpu.memory_space<vmem>>, vector<16xi32>,
      %swap3A_117 = vector.shape_cast %swap3A_116 : vector<16xi32> to vector<16xi32>
      %swap3A_118 = vector.shape_cast %add3A_114 : vector<16xi32> to vector<16xi32>
      tpu.vector_store %arg9[%swap3A_115], %swap3A_118 {strides = array<i32>} : memref<80xi32, #tpu.memory_space<vmem>>, vector<16xi32>,
      %get3A_119 = arith.constant 16 : index
      %get3A_120 = tpu.vector_load %arg6[%get3A_119] {strides = array<i32>} : memref<80xi32, #tpu.memory_space<vmem>>, vector<16xi32>,
      %get3A_121 = vector.shape_cast %get3A_120 : vector<16xi32> to vector<16xi32>
      %add3A_122 = vector.broadcast %mul3A_78 : i32 to vector<16xi32>
      %add3A_123 = arith.addi %get3A_121, %add3A_122 : vector<16xi32>
      %swap3A_124 = arith.constant 16 : index
      %swap3A_125 = tpu.vector_load %arg8[%swap3A_124] {strides = array<i32>} : memref<80xi32, #tpu.memory_space<vmem>>, vector<16xi32>,
      %swap3A_126 = vector.shape_cast %swap3A_125 : vector<16xi32> to vector<16xi32>
      %swap3A_127 = vector.shape_cast %add3A_123 : vector<16xi32> to vector<16xi32>
      tpu.vector_store %arg8[%swap3A_124], %swap3A_127 {strides = array<i32>} : memref<80xi32, #tpu.memory_space<vmem>>, vector<16xi32>,
      %get3A_128 = arith.constant 16 : index
      %get3A_129 = tpu.vector_load %arg7[%get3A_128] {strides = array<i32>} : memref<80xi32, #tpu.memory_space<vmem>>, vector<16xi32>,
      %get3A_130 = vector.shape_cast %get3A_129 : vector<16xi32> to vector<16xi32>
      %add3A_131 = vector.broadcast %mul3A_78 : i32 to vector<16xi32>
      %add3A_132 = arith.addi %get3A_130, %add3A_131 : vector<16xi32>
      %swap3A_133 = arith.constant 16 : index
      %swap3A_134 = tpu.vector_load %arg9[%swap3A_133] {strides = array<i32>} : memref<80xi32, #tpu.memory_space<vmem>>, vector<16xi32>,
      %swap3A_135 = vector.shape_cast %swap3A_134 : vector<16xi32> to vector<16xi32>
      %swap3A_136 = vector.shape_cast %add3A_132 : vector<16xi32> to vector<16xi32>
      tpu.vector_store %arg9[%swap3A_133], %swap3A_136 {strides = array<i32>} : memref<80xi32, #tpu.memory_space<vmem>>, vector<16xi32>,
      %get3A_137 = arith.constant 32 : index
      %get3A_138 = tpu.vector_load %arg6[%get3A_137] {strides = array<i32>} : memref<80xi32, #tpu.memory_space<vmem>>, vector<16xi32>,
      %get3A_139 = vector.shape_cast %get3A_138 : vector<16xi32> to vector<16xi32>
      %add3A_140 = vector.broadcast %mul3A_78 : i32 to vector<16xi32>
      %add3A_141 = arith.addi %get3A_139, %add3A_140 : vector<16xi32>
      %swap3A_142 = arith.constant 32 : index
      %swap3A_143 = tpu.vector_load %arg8[%swap3A_142] {strides = array<i32>} : memref<80xi32, #tpu.memory_space<vmem>>, vector<16xi32>,
      %swap3A_144 = vector.shape_cast %swap3A_143 : vector<16xi32> to vector<16xi32>
      %swap3A_145 = vector.shape_cast %add3A_141 : vector<16xi32> to vector<16xi32>
      tpu.vector_store %arg8[%swap3A_142], %swap3A_145 {strides = array<i32>} : memref<80xi32, #tpu.memory_space<vmem>>, vector<16xi32>,
      %get3A_146 = arith.constant 32 : index
      %get3A_147 = tpu.vector_load %arg7[%get3A_146] {strides = array<i32>} : memref<80xi32, #tpu.memory_space<vmem>>, vector<16xi32>,
      %get3A_148 = vector.shape_cast %get3A_147 : vector<16xi32> to vector<16xi32>
      %add3A_149 = vector.broadcast %mul3A_78 : i32 to vector<16xi32>
      %add3A_150 = arith.addi %get3A_148, %add3A_149 : vector<16xi32>
      %swap3A_151 = arith.constant 32 : index
      %swap3A_152 = tpu.vector_load %arg9[%swap3A_151] {strides = array<i32>} : memref<80xi32, #tpu.memory_space<vmem>>, vector<16xi32>,
      %swap3A_153 = vector.shape_cast %swap3A_152 : vector<16xi32> to vector<16xi32>
      %swap3A_154 = vector.shape_cast %add3A_150 : vector<16xi32> to vector<16xi32>
      tpu.vector_store %arg9[%swap3A_151], %swap3A_154 {strides = array<i32>} : memref<80xi32, #tpu.memory_space<vmem>>, vector<16xi32>,
      %get3A_155 = arith.constant 48 : index
      %get3A_156 = tpu.vector_load %arg6[%get3A_155] {strides = array<i32>} : memref<80xi32, #tpu.memory_space<vmem>>, vector<16xi32>,
      %get3A_157 = vector.shape_cast %get3A_156 : vector<16xi32> to vector<16xi32>
      %add3A_158 = vector.broadcast %mul3A_78 : i32 to vector<16xi32>
      %add3A_159 = arith.addi %get3A_157, %add3A_158 : vector<16xi32>
      %swap3A_160 = arith.constant 48 : index
      %swap3A_161 = tpu.vector_load %arg8[%swap3A_160] {strides = array<i32>} : memref<80xi32, #tpu.memory_space<vmem>>, vector<16xi32>,
      %swap3A_162 = vector.shape_cast %swap3A_161 : vector<16xi32> to vector<16xi32>
      %swap3A_163 = vector.shape_cast %add3A_159 : vector<16xi32> to vector<16xi32>
      tpu.vector_store %arg8[%swap3A_160], %swap3A_163 {strides = array<i32>} : memref<80xi32, #tpu.memory_space<vmem>>, vector<16xi32>,
      %get3A_164 = arith.constant 48 : index
      %get3A_165 = tpu.vector_load %arg7[%get3A_164] {strides = array<i32>} : memref<80xi32, #tpu.memory_space<vmem>>, vector<16xi32>,
      %get3A_166 = vector.shape_cast %get3A_165 : vector<16xi32> to vector<16xi32>
      %add3A_167 = vector.broadcast %mul3A_78 : i32 to vector<16xi32>
      %add3A_168 = arith.addi %get3A_166, %add3A_167 : vector<16xi32>
      %swap3A_169 = arith.constant 48 : index
      %swap3A_170 = tpu.vector_load %arg9[%swap3A_169] {strides = array<i32>} : memref<80xi32, #tpu.memory_space<vmem>>, vector<16xi32>,
      %swap3A_171 = vector.shape_cast %swap3A_170 : vector<16xi32> to vector<16xi32>
      %swap3A_172 = vector.shape_cast %add3A_168 : vector<16xi32> to vector<16xi32>
      tpu.vector_store %arg9[%swap3A_169], %swap3A_172 {strides = array<i32>} : memref<80xi32, #tpu.memory_space<vmem>>, vector<16xi32>,
      %get3A_173 = arith.constant 64 : index
      %get3A_174 = tpu.vector_load %arg6[%get3A_173] {strides = array<i32>} : memref<80xi32, #tpu.memory_space<vmem>>, vector<16xi32>,
      %get3A_175 = vector.shape_cast %get3A_174 : vector<16xi32> to vector<16xi32>
      %add3A_176 = vector.broadcast %mul3A_78 : i32 to vector<16xi32>
      %add3A_177 = arith.addi %get3A_175, %add3A_176 : vector<16xi32>
      %swap3A_178 = arith.constant 64 : index
      %swap3A_179 = tpu.vector_load %arg8[%swap3A_178] {strides = array<i32>} : memref<80xi32, #tpu.memory_space<vmem>>, vector<16xi32>,
      %swap3A_180 = vector.shape_cast %swap3A_179 : vector<16xi32> to vector<16xi32>
      %swap3A_181 = vector.shape_cast %add3A_177 : vector<16xi32> to vector<16xi32>
      tpu.vector_store %arg8[%swap3A_178], %swap3A_181 {strides = array<i32>} : memref<80xi32, #tpu.memory_space<vmem>>, vector<16xi32>,
      %get3A_182 = arith.constant 64 : index
      %get3A_183 = tpu.vector_load %arg7[%get3A_182] {strides = array<i32>} : memref<80xi32, #tpu.memory_space<vmem>>, vector<16xi32>,
      %get3A_184 = vector.shape_cast %get3A_183 : vector<16xi32> to vector<16xi32>
      %add3A_185 = vector.broadcast %mul3A_78 : i32 to vector<16xi32>
      %add3A_186 = arith.addi %get3A_184, %add3A_185 : vector<16xi32>
      %swap3A_187 = arith.constant 64 : index
      %swap3A_188 = tpu.vector_load %arg9[%swap3A_187] {strides = array<i32>} : memref<80xi32, #tpu.memory_space<vmem>>, vector<16xi32>,
      %swap3A_189 = vector.shape_cast %swap3A_188 : vector<16xi32> to vector<16xi32>
      %swap3A_190 = vector.shape_cast %add3A_186 : vector<16xi32> to vector<16xi32>
      tpu.vector_store %arg9[%swap3A_187], %swap3A_190 {strides = array<i32>} : memref<80xi32, #tpu.memory_space<vmem>>, vector<16xi32>,
      %dma_start3A = arith.constant 0 : i32
      %dma_start3A_191 = arith.constant 0 : i32
      %dma_start3A_192 = tpu.memref_slice %arg2[%dma_start3A, %dma_start3A_191] : memref<40000x64xf32, #tpu.memory_space<hbm>> -> memref<40000x64xf32, #tpu.memory_space<hbm>>
      tpu.enqueue_indirect_dma source(%dma_start3A_192 : memref<40000x64xf32, #tpu.memory_space<hbm>>) target(%arg10 : memref<80x64xf32, #tpu.memory_space<vmem>>) offsets(%arg8 : memref<80xi32, #tpu.memory_space<vmem>>) semaphore(%arg15 : memref<!tpu.dma_semaphore, #tpu.memory_space<semaphore_mem>>)
      %dma_start3A_193 = arith.constant 0 : i32
      %dma_start3A_194 = arith.constant 0 : i32
      %dma_start3A_195 = tpu.memref_slice %arg2[%dma_start3A_193, %dma_start3A_194] : memref<40000x64xf32, #tpu.memory_space<hbm>> -> memref<40000x64xf32, #tpu.memory_space<hbm>>
      tpu.enqueue_indirect_dma source(%dma_start3A_195 : memref<40000x64xf32, #tpu.memory_space<hbm>>) target(%arg11 : memref<80x64xf32, #tpu.memory_space<vmem>>) offsets(%arg9 : memref<80xi32, #tpu.memory_space<vmem>>) semaphore(%arg16 : memref<!tpu.dma_semaphore, #tpu.memory_space<semaphore_mem>>)
      %dma_wait3A = arith.constant 0 : i32
      %dma_wait3A_196 = arith.constant 0 : i32
      %dma_wait3A_197 = tpu.memref_slice %arg2[%dma_wait3A, %dma_wait3A_196] : memref<40000x64xf32, #tpu.memory_space<hbm>> -> memref<40000x64xf32, #tpu.memory_space<hbm>>
      tpu.wait_indirect_dma semaphore(%arg15 : memref<!tpu.dma_semaphore, #tpu.memory_space<semaphore_mem>>) src(%dma_wait3A_197 : memref<40000x64xf32, #tpu.memory_space<hbm>>) dst(%arg10 : memref<80x64xf32, #tpu.memory_space<vmem>>)
      %dma_wait3A_198 = arith.constant 0 : i32
      %dma_wait3A_199 = arith.constant 0 : i32
      %dma_wait3A_200 = tpu.memref_slice %arg2[%dma_wait3A_198, %dma_wait3A_199] : memref<40000x64xf32, #tpu.memory_space<hbm>> -> memref<40000x64xf32, #tpu.memory_space<hbm>>
      tpu.wait_indirect_dma semaphore(%arg16 : memref<!tpu.dma_semaphore, #tpu.memory_space<semaphore_mem>>) src(%dma_wait3A_200 : memref<40000x64xf32, #tpu.memory_space<hbm>>) dst(%arg11 : memref<80x64xf32, #tpu.memory_space<vmem>>)
      %scan3A_201 = arith.constant 0 : i32
      %scan3A_202 = arith.constant 0 : i32
      %scan3A_203 = arith.constant 80 : i32
      %scan3A_204 = arith.addi %scan3A_202, %scan3A_203 : i32
      %scan3A_205 = arith.constant 1 : i32
      scf.for %scan3A_207 = %scan3A_202 to %scan3A_204 step %scan3A_205  : i32 {
        %get3A_208 = arith.index_cast %scan3A_207 : i32 to index
        %get3A_209 = arith.constant 0 : index
        %get3A_210 = tpu.vector_load %arg10[%get3A_208, %get3A_209] {strides = array<i32>} : memref<80x64xf32, #tpu.memory_space<vmem>>, vector<1x16xf32>,
        %get3A_211 = vector.shape_cast %get3A_210 : vector<1x16xf32> to vector<16xf32>
        %get3A_212 = arith.index_cast %scan3A_207 : i32 to index
        %get3A_213 = arith.constant 0 : index
        %get3A_214 = tpu.vector_load %arg11[%get3A_212, %get3A_213] {strides = array<i32>} : memref<80x64xf32, #tpu.memory_space<vmem>>, vector<1x16xf32>,
        %get3A_215 = vector.shape_cast %get3A_214 : vector<1x16xf32> to vector<16xf32>
        %mul3A_216 = arith.mulf %get3A_211, %get3A_215 : vector<16xf32>
        %get3A_217 = arith.index_cast %scan3A_207 : i32 to index
        %get3A_218 = arith.constant 16 : index
        %get3A_219 = tpu.vector_load %arg10[%get3A_217, %get3A_218] {strides = array<i32>} : memref<80x64xf32, #tpu.memory_space<vmem>>, vector<1x16xf32>,
        %get3A_220 = vector.shape_cast %get3A_219 : vector<1x16xf32> to vector<16xf32>
        %get3A_221 = arith.index_cast %scan3A_207 : i32 to index
        %get3A_222 = arith.constant 16 : index
        %get3A_223 = tpu.vector_load %arg11[%get3A_221, %get3A_222] {strides = array<i32>} : memref<80x64xf32, #tpu.memory_space<vmem>>, vector<1x16xf32>,
        %get3A_224 = vector.shape_cast %get3A_223 : vector<1x16xf32> to vector<16xf32>
        %mul3A_225 = arith.mulf %get3A_220, %get3A_224 : vector<16xf32>
        %add3A_226 = arith.addf %mul3A_216, %mul3A_225 : vector<16xf32>
        %get3A_227 = arith.index_cast %scan3A_207 : i32 to index
        %get3A_228 = arith.constant 32 : index
        %get3A_229 = tpu.vector_load %arg10[%get3A_227, %get3A_228] {strides = array<i32>} : memref<80x64xf32, #tpu.memory_space<vmem>>, vector<1x16xf32>,
        %get3A_230 = vector.shape_cast %get3A_229 : vector<1x16xf32> to vector<16xf32>
        %get3A_231 = arith.index_cast %scan3A_207 : i32 to index
        %get3A_232 = arith.constant 32 : index
        %get3A_233 = tpu.vector_load %arg11[%get3A_231, %get3A_232] {strides = array<i32>} : memref<80x64xf32, #tpu.memory_space<vmem>>, vector<1x16xf32>,
        %get3A_234 = vector.shape_cast %get3A_233 : vector<1x16xf32> to vector<16xf32>
        %mul3A_235 = arith.mulf %get3A_230, %get3A_234 : vector<16xf32>
        %add3A_236 = arith.addf %add3A_226, %mul3A_235 : vector<16xf32>
        %get3A_237 = arith.index_cast %scan3A_207 : i32 to index
        %get3A_238 = arith.constant 48 : index
        %get3A_239 = tpu.vector_load %arg10[%get3A_237, %get3A_238] {strides = array<i32>} : memref<80x64xf32, #tpu.memory_space<vmem>>, vector<1x16xf32>,
        %get3A_240 = vector.shape_cast %get3A_239 : vector<1x16xf32> to vector<16xf32>
        %get3A_241 = arith.index_cast %scan3A_207 : i32 to index
        %get3A_242 = arith.constant 48 : index
        %get3A_243 = tpu.vector_load %arg11[%get3A_241, %get3A_242] {strides = array<i32>} : memref<80x64xf32, #tpu.memory_space<vmem>>, vector<1x16xf32>,
        %get3A_244 = vector.shape_cast %get3A_243 : vector<1x16xf32> to vector<16xf32>
        %mul3A_245 = arith.mulf %get3A_240, %get3A_244 : vector<16xf32>
        %add3A_246 = arith.addf %add3A_236, %mul3A_245 : vector<16xf32>
        %iota3A_247 = tpu.iota {dimensions = array<i32: 0>} : vector<16xi32>
        %xor3A = arith.constant 1 : i32
        %xor3A_248 = vector.broadcast %xor3A : i32 to vector<16xi32>
        %xor3A_249 = arith.xori %iota3A_247, %xor3A_248 : vector<16xi32>
        %reshape3A = vector.shape_cast %xor3A_249 : vector<16xi32> to vector<16x1xi32>
        %gather3A = vector.shape_cast %reshape3A : vector<16x1xi32> to vector<16xi32>
        %gather3A_250 = tpu.dynamic_gather %add3A_246[%gather3A] in [0] : vector<16xf32>, vector<16xi32> -> vector<16xf32>
        %add3A_251 = arith.addf %add3A_246, %gather3A_250 : vector<16xf32>
        %xor3A_252 = arith.constant 2 : i32
        %xor3A_253 = vector.broadcast %xor3A_252 : i32 to vector<16xi32>
        %xor3A_254 = arith.xori %iota3A_247, %xor3A_253 : vector<16xi32>
        %reshape3A_255 = vector.shape_cast %xor3A_254 : vector<16xi32> to vector<16x1xi32>
        %gather3A_256 = vector.shape_cast %reshape3A_255 : vector<16x1xi32> to vector<16xi32>
        %gather3A_257 = tpu.dynamic_gather %add3A_251[%gather3A_256] in [0] : vector<16xf32>, vector<16xi32> -> vector<16xf32>
        %add3A_258 = arith.addf %add3A_251, %gather3A_257 : vector<16xf32>
        %xor3A_259 = arith.constant 4 : i32
        %xor3A_260 = vector.broadcast %xor3A_259 : i32 to vector<16xi32>
        %xor3A_261 = arith.xori %iota3A_247, %xor3A_260 : vector<16xi32>
        %reshape3A_262 = vector.shape_cast %xor3A_261 : vector<16xi32> to vector<16x1xi32>
        %gather3A_263 = vector.shape_cast %reshape3A_262 : vector<16x1xi32> to vector<16xi32>
        %gather3A_264 = tpu.dynamic_gather %add3A_258[%gather3A_263] in [0] : vector<16xf32>, vector<16xi32> -> vector<16xf32>
        %add3A_265 = arith.addf %add3A_258, %gather3A_264 : vector<16xf32>
        %xor3A_266 = arith.constant 8 : i32
        %xor3A_267 = vector.broadcast %xor3A_266 : i32 to vector<16xi32>
        %xor3A_268 = arith.xori %iota3A_247, %xor3A_267 : vector<16xi32>
        %reshape3A_269 = vector.shape_cast %xor3A_268 : vector<16xi32> to vector<16x1xi32>
        %gather3A_270 = vector.shape_cast %reshape3A_269 : vector<16x1xi32> to vector<16xi32>
        %gather3A_271 = tpu.dynamic_gather %add3A_265[%gather3A_270] in [0] : vector<16xf32>, vector<16xi32> -> vector<16xf32>
        %add3A_272 = arith.addf %add3A_265, %gather3A_271 : vector<16xf32>
        %mul3A_273 = arith.constant 1.250000e-01 : f32
        %mul3A_274 = vector.broadcast %mul3A_273 : f32 to vector<16xf32>
        %mul3A_275 = arith.mulf %add3A_272, %mul3A_274 : vector<16xf32>
        %exp3A = math.exp %mul3A_275 : vector<16xf32>
        %get3A_276 = arith.index_cast %scan3A_207 : i32 to index
        %get3A_277 = arith.constant 0 : index
        %get3A_278 = tpu.vector_load %arg10[%get3A_276, %get3A_277] {strides = array<i32>} : memref<80x64xf32, #tpu.memory_space<vmem>>, vector<1x16xf32>,
        %get3A_279 = vector.shape_cast %get3A_278 : vector<1x16xf32> to vector<16xf32>
        %mul3A_280 = arith.mulf %exp3A, %get3A_279 : vector<16xf32>
        %swap3A_281 = arith.index_cast %scan3A_207 : i32 to index
        %swap3A_282 = arith.constant 0 : index
        %swap3A_283 = tpu.vector_load %arg12[%swap3A_281, %swap3A_282] {strides = array<i32>} : memref<80x80xf32, #tpu.memory_space<vmem>>, vector<1x16xf32>,
        %swap3A_284 = vector.shape_cast %swap3A_283 : vector<1x16xf32> to vector<16xf32>
        %swap3A_285 = vector.shape_cast %mul3A_280 : vector<16xf32> to vector<1x16xf32>
        tpu.vector_store %arg12[%swap3A_281, %swap3A_282], %swap3A_285 {strides = array<i32>} : memref<80x80xf32, #tpu.memory_space<vmem>>, vector<1x16xf32>,
        %get3A_286 = arith.index_cast %scan3A_207 : i32 to index
        %get3A_287 = arith.constant 16 : index
        %get3A_288 = tpu.vector_load %arg10[%get3A_286, %get3A_287] {strides = array<i32>} : memref<80x64xf32, #tpu.memory_space<vmem>>, vector<1x16xf32>,
        %get3A_289 = vector.shape_cast %get3A_288 : vector<1x16xf32> to vector<16xf32>
        %mul3A_290 = arith.mulf %exp3A, %get3A_289 : vector<16xf32>
        %swap3A_291 = arith.index_cast %scan3A_207 : i32 to index
        %swap3A_292 = arith.constant 16 : index
        %swap3A_293 = tpu.vector_load %arg12[%swap3A_291, %swap3A_292] {strides = array<i32>} : memref<80x80xf32, #tpu.memory_space<vmem>>, vector<1x16xf32>,
        %swap3A_294 = vector.shape_cast %swap3A_293 : vector<1x16xf32> to vector<16xf32>
        %swap3A_295 = vector.shape_cast %mul3A_290 : vector<16xf32> to vector<1x16xf32>
        tpu.vector_store %arg12[%swap3A_291, %swap3A_292], %swap3A_295 {strides = array<i32>} : memref<80x80xf32, #tpu.memory_space<vmem>>, vector<1x16xf32>,
        %get3A_296 = arith.index_cast %scan3A_207 : i32 to index
        %get3A_297 = arith.constant 32 : index
        %get3A_298 = tpu.vector_load %arg10[%get3A_296, %get3A_297] {strides = array<i32>} : memref<80x64xf32, #tpu.memory_space<vmem>>, vector<1x16xf32>,
        %get3A_299 = vector.shape_cast %get3A_298 : vector<1x16xf32> to vector<16xf32>
        %mul3A_300 = arith.mulf %exp3A, %get3A_299 : vector<16xf32>
        %swap3A_301 = arith.index_cast %scan3A_207 : i32 to index
        %swap3A_302 = arith.constant 32 : index
        %swap3A_303 = tpu.vector_load %arg12[%swap3A_301, %swap3A_302] {strides = array<i32>} : memref<80x80xf32, #tpu.memory_space<vmem>>, vector<1x16xf32>,
        %swap3A_304 = vector.shape_cast %swap3A_303 : vector<1x16xf32> to vector<16xf32>
        %swap3A_305 = vector.shape_cast %mul3A_300 : vector<16xf32> to vector<1x16xf32>
        tpu.vector_store %arg12[%swap3A_301, %swap3A_302], %swap3A_305 {strides = array<i32>} : memref<80x80xf32, #tpu.memory_space<vmem>>, vector<1x16xf32>,
        %get3A_306 = arith.index_cast %scan3A_207 : i32 to index
        %get3A_307 = arith.constant 48 : index
        %get3A_308 = tpu.vector_load %arg10[%get3A_306, %get3A_307] {strides = array<i32>} : memref<80x64xf32, #tpu.memory_space<vmem>>, vector<1x16xf32>,
        %get3A_309 = vector.shape_cast %get3A_308 : vector<1x16xf32> to vector<16xf32>
        %mul3A_310 = arith.mulf %exp3A, %get3A_309 : vector<16xf32>
        %swap3A_311 = arith.index_cast %scan3A_207 : i32 to index
        %swap3A_312 = arith.constant 48 : index
        %swap3A_313 = tpu.vector_load %arg12[%swap3A_311, %swap3A_312] {strides = array<i32>} : memref<80x80xf32, #tpu.memory_space<vmem>>, vector<1x16xf32>,
        %swap3A_314 = vector.shape_cast %swap3A_313 : vector<1x16xf32> to vector<16xf32>
        %swap3A_315 = vector.shape_cast %mul3A_310 : vector<16xf32> to vector<1x16xf32>
        tpu.vector_store %arg12[%swap3A_311, %swap3A_312], %swap3A_315 {strides = array<i32>} : memref<80x80xf32, #tpu.memory_space<vmem>>, vector<1x16xf32>,
        %select_n3A = arith.select %eq3A_25, %exp3A, %broadcast_in_dim3A_27 : vector<16xi1>, vector<16xf32>
        %swap3A_316 = arith.index_cast %scan3A_207 : i32 to index
        %swap3A_317 = arith.constant 64 : index
        %swap3A_318 = tpu.vector_load %arg12[%swap3A_316, %swap3A_317] {strides = array<i32>} : memref<80x80xf32, #tpu.memory_space<vmem>>, vector<1x16xf32>,
        %swap3A_319 = vector.shape_cast %swap3A_318 : vector<1x16xf32> to vector<16xf32>
        %swap3A_320 = vector.shape_cast %select_n3A : vector<16xf32> to vector<1x16xf32>
        tpu.vector_store %arg12[%swap3A_316, %swap3A_317], %swap3A_320 {strides = array<i32>} : memref<80x80xf32, #tpu.memory_space<vmem>>, vector<1x16xf32>,
      }
      %scan3A_206 = arith.constant 80 : i32
      "tpu.region"() ({
        %run_scoped3A = tpu.sem_alloc : memref<!tpu.dma_semaphore, #tpu.memory_space<semaphore_mem>>
        %dma_start3A_207 = arith.constant 0 : i32
        %dma_start3A_208 = arith.constant 0 : i32
        %dma_start3A_209 = tpu.memref_slice %arg14[%dma_start3A_207, %dma_start3A_208] : memref<10240x80xf32, #tpu.memory_space<vmem_shared>> -> memref<10240x80xf32, #tpu.memory_space<vmem_shared>>
        tpu.enqueue_indirect_dma source(%arg12 : memref<80x80xf32, #tpu.memory_space<vmem>>) target(%dma_start3A_209 : memref<10240x80xf32, #tpu.memory_space<vmem_shared>>) offsets(%arg7 : memref<80xi32, #tpu.memory_space<vmem>>) semaphore(%run_scoped3A : memref<!tpu.dma_semaphore, #tpu.memory_space<semaphore_mem>>) {add = true}
        %dma_wait3A_210 = arith.constant 0 : i32
        %dma_wait3A_211 = arith.constant 0 : i32
        %dma_wait3A_212 = tpu.memref_slice %arg14[%dma_wait3A_210, %dma_wait3A_211] : memref<10240x80xf32, #tpu.memory_space<vmem_shared>> -> memref<10240x80xf32, #tpu.memory_space<vmem_shared>>
        tpu.wait_indirect_dma semaphore(%run_scoped3A : memref<!tpu.dma_semaphore, #tpu.memory_space<semaphore_mem>>) src(%arg12 : memref<80x80xf32, #tpu.memory_space<vmem>>) dst(%dma_wait3A_212 : memref<10240x80xf32, #tpu.memory_space<vmem_shared>>)
        tpu.yield
      }) : () -> ()
    }
    %scan3A_84 = arith.constant 250 : i32
    %barrier3A_85 = arith.constant 0 : index
    tpu.barrier barrier_id(%barrier3A_85)
    %mul3A_86 = arith.constant 640 : i32
    %mul3A_87 = arith.muli %arg1, %mul3A_86 : i32
    %mul3A_88 = arith.constant 2 : i32
    %mul3A_89 = arith.muli %mul3A_88, %arg0 : i32
    %add3A_90 = arith.constant 1 : i32
    %add3A_91 = arith.addi %mul3A_89, %add3A_90 : i32
    %mul3A_92 = arith.constant 10240 : i32
    %mul3A_93 = arith.muli %add3A_91, %mul3A_92 : i32
    %mul3A_94 = arith.constant 640 : i32
    %mul3A_95 = arith.muli %arg1, %mul3A_94 : i32
    %add3A_96 = arith.addi %mul3A_93, %mul3A_95 : i32
    "tpu.region"() ({
      %run_scoped3A = tpu.sem_alloc : memref<!tpu.dma_semaphore, #tpu.memory_space<semaphore_mem>>
      %dma_start3A = arith.constant 0 : i32
      %dma_start3A_97 = tpu.memref_slice %arg5[%add3A_96, %dma_start3A] : memref<40960x80xf32, #tpu.memory_space<hbm>> -> memref<640x80xf32, #tpu.memory_space<hbm>>
      %dma_start3A_98 = arith.constant 0 : i32
      %dma_start3A_99 = tpu.memref_slice %arg14[%mul3A_87, %dma_start3A_98] : memref<10240x80xf32, #tpu.memory_space<vmem_shared>> -> memref<640x80xf32, #tpu.memory_space<vmem_shared>>
      tpu.enqueue_dma source(%dma_start3A_99 : memref<640x80xf32, #tpu.memory_space<vmem_shared>>) target(%dma_start3A_97 : memref<640x80xf32, #tpu.memory_space<hbm>>) target_semaphore(%run_scoped3A : memref<!tpu.dma_semaphore, #tpu.memory_space<semaphore_mem>>)
      %dma_wait3A = arith.constant 0 : i32
      %dma_wait3A_100 = tpu.memref_slice %arg5[%add3A_96, %dma_wait3A] : memref<40960x80xf32, #tpu.memory_space<hbm>> -> memref<640x80xf32, #tpu.memory_space<hbm>>
      %dma_wait3A_101 = arith.constant 0 : i32
      %dma_wait3A_102 = tpu.memref_slice %arg14[%mul3A_87, %dma_wait3A_101] : memref<10240x80xf32, #tpu.memory_space<vmem_shared>> -> memref<640x80xf32, #tpu.memory_space<vmem_shared>>
      tpu.wait_dma2 semaphore(%run_scoped3A : memref<!tpu.dma_semaphore, #tpu.memory_space<semaphore_mem>>) src(%dma_wait3A_102 : memref<640x80xf32, #tpu.memory_space<vmem_shared>>) dst(%dma_wait3A_100 : memref<640x80xf32, #tpu.memory_space<hbm>>)
      tpu.yield
    }) : () -> ()
    return
  }
}

#map = affine_map<(d0, d1) -> (0, 0)>
#map1 = affine_map<(d0, d1) -> (0)>
module attributes {stable_mosaic.version = 14 : i64} {
  func.func @_conv_sc_body(%arg0: i32, %arg1: i32, %arg2: memref<40000x64xf32, #tpu.memory_space<hbm>>, %arg3: memref<320000xi32, #tpu.memory_space<hbm>>, %arg4: memref<320000xi32, #tpu.memory_space<hbm>>, %arg5: memref<40960x80xf32, #tpu.memory_space<hbm>>, %arg6: memref<80xi32, #tpu.memory_space<vmem>>, %arg7: memref<80xi32, #tpu.memory_space<vmem>>, %arg8: memref<80xi32, #tpu.memory_space<vmem>>, %arg9: memref<80xi32, #tpu.memory_space<vmem>>, %arg10: memref<80x64xf32, #tpu.memory_space<vmem>>, %arg11: memref<80x64xf32, #tpu.memory_space<vmem>>, %arg12: memref<80x80xf32, #tpu.memory_space<vmem>>, %arg13: memref<128x80xf32, #tpu.memory_space<vmem>>, %arg14: memref<10240x80xf32, #tpu.memory_space<vmem_shared>>, %arg15: memref<!tpu.dma_semaphore, #tpu.memory_space<semaphore_mem>>, %arg16: memref<!tpu.dma_semaphore, #tpu.memory_space<semaphore_mem>>) attributes {dimension_semantics = [#tpu.dimension_semantics<core_parallel>, #tpu.dimension_semantics<subcore_parallel>], iteration_bounds = array<i64: 2, 16>, scalar_prefetch = 0 : i64, scratch_operands = 11 : i64, tpu.core_type = #tpu.core_type<sc_vector_subcore>, window_params = [{transform_indices = #map}, {transform_indices = #map1}, {transform_indices = #map1}, {transform_indices = #map}]} {
    %broadcast_in_dim3A = arith.constant 0.000000e+00 : f32
    %broadcast_in_dim3A_0 = vector.broadcast %broadcast_in_dim3A : f32 to vector<16xf32>
    %scan3A = arith.constant 0 : i32
    %scan3A_1 = arith.constant 0 : i32
    %scan3A_2 = arith.constant 128 : i32
    %scan3A_3 = arith.addi %scan3A_1, %scan3A_2 : i32
    %scan3A_4 = arith.constant 1 : i32
    scf.for %scan3A_97 = %scan3A_1 to %scan3A_3 step %scan3A_4  : i32 {
      %swap3A = arith.index_cast %scan3A_97 : i32 to index
      %swap3A_98 = arith.constant 0 : index
      %swap3A_99 = tpu.vector_load %arg13[%swap3A, %swap3A_98] {strides = array<i32>} : memref<128x80xf32, #tpu.memory_space<vmem>>, vector<1x16xf32>,
      %swap3A_100 = vector.shape_cast %swap3A_99 : vector<1x16xf32> to vector<16xf32>
      %swap3A_101 = vector.shape_cast %broadcast_in_dim3A_0 : vector<16xf32> to vector<1x16xf32>
      tpu.vector_store %arg13[%swap3A, %swap3A_98], %swap3A_101 {strides = array<i32>} : memref<128x80xf32, #tpu.memory_space<vmem>>, vector<1x16xf32>,
      %swap3A_102 = arith.index_cast %scan3A_97 : i32 to index
      %swap3A_103 = arith.constant 16 : index
      %swap3A_104 = tpu.vector_load %arg13[%swap3A_102, %swap3A_103] {strides = array<i32>} : memref<128x80xf32, #tpu.memory_space<vmem>>, vector<1x16xf32>,
      %swap3A_105 = vector.shape_cast %swap3A_104 : vector<1x16xf32> to vector<16xf32>
      %swap3A_106 = vector.shape_cast %broadcast_in_dim3A_0 : vector<16xf32> to vector<1x16xf32>
      tpu.vector_store %arg13[%swap3A_102, %swap3A_103], %swap3A_106 {strides = array<i32>} : memref<128x80xf32, #tpu.memory_space<vmem>>, vector<1x16xf32>,
      %swap3A_107 = arith.index_cast %scan3A_97 : i32 to index
      %swap3A_108 = arith.constant 32 : index
      %swap3A_109 = tpu.vector_load %arg13[%swap3A_107, %swap3A_108] {strides = array<i32>} : memref<128x80xf32, #tpu.memory_space<vmem>>, vector<1x16xf32>,
      %swap3A_110 = vector.shape_cast %swap3A_109 : vector<1x16xf32> to vector<16xf32>
      %swap3A_111 = vector.shape_cast %broadcast_in_dim3A_0 : vector<16xf32> to vector<1x16xf32>
      tpu.vector_store %arg13[%swap3A_107, %swap3A_108], %swap3A_111 {strides = array<i32>} : memref<128x80xf32, #tpu.memory_space<vmem>>, vector<1x16xf32>,
      %swap3A_112 = arith.index_cast %scan3A_97 : i32 to index
      %swap3A_113 = arith.constant 48 : index
      %swap3A_114 = tpu.vector_load %arg13[%swap3A_112, %swap3A_113] {strides = array<i32>} : memref<128x80xf32, #tpu.memory_space<vmem>>, vector<1x16xf32>,
      %swap3A_115 = vector.shape_cast %swap3A_114 : vector<1x16xf32> to vector<16xf32>
      %swap3A_116 = vector.shape_cast %broadcast_in_dim3A_0 : vector<16xf32> to vector<1x16xf32>
      tpu.vector_store %arg13[%swap3A_112, %swap3A_113], %swap3A_116 {strides = array<i32>} : memref<128x80xf32, #tpu.memory_space<vmem>>, vector<1x16xf32>,
      %swap3A_117 = arith.index_cast %scan3A_97 : i32 to index
      %swap3A_118 = arith.constant 64 : index
      %swap3A_119 = tpu.vector_load %arg13[%swap3A_117, %swap3A_118] {strides = array<i32>} : memref<128x80xf32, #tpu.memory_space<vmem>>, vector<1x16xf32>,
      %swap3A_120 = vector.shape_cast %swap3A_119 : vector<1x16xf32> to vector<16xf32>
      %swap3A_121 = vector.shape_cast %broadcast_in_dim3A_0 : vector<16xf32> to vector<1x16xf32>
      tpu.vector_store %arg13[%swap3A_117, %swap3A_118], %swap3A_121 {strides = array<i32>} : memref<128x80xf32, #tpu.memory_space<vmem>>, vector<1x16xf32>,
    }
    %scan3A_5 = arith.constant 128 : i32
    %mul3A = arith.constant 640 : i32
    %mul3A_6 = arith.muli %arg1, %mul3A : i32
    %add3A = arith.constant 0 : i32
    %add3A_7 = arith.addi %mul3A_6, %add3A : i32
    "tpu.region"() ({
      %run_scoped3A = tpu.sem_alloc : memref<!tpu.dma_semaphore, #tpu.memory_space<semaphore_mem>>
      %dma_start3A = arith.constant 0 : i32
      %dma_start3A_97 = tpu.memref_slice %arg14[%add3A_7, %dma_start3A] : memref<10240x80xf32, #tpu.memory_space<vmem_shared>> -> memref<128x80xf32, #tpu.memory_space<vmem_shared>>
      %dma_start3A_98 = arith.constant 0 : i32
      %dma_start3A_99 = tpu.memref_slice %arg14[%add3A_7, %dma_start3A_98] : memref<10240x80xf32, #tpu.memory_space<vmem_shared>> -> memref<128x80xf32, #tpu.memory_space<vmem_shared>>
      tpu.enqueue_dma source(%arg13 : memref<128x80xf32, #tpu.memory_space<vmem>>) target(%dma_start3A_99 : memref<128x80xf32, #tpu.memory_space<vmem_shared>>) target_semaphore(%run_scoped3A : memref<!tpu.dma_semaphore, #tpu.memory_space<semaphore_mem>>)
      %dma_wait3A = arith.constant 0 : i32
      %dma_wait3A_100 = tpu.memref_slice %arg14[%add3A_7, %dma_wait3A] : memref<10240x80xf32, #tpu.memory_space<vmem_shared>> -> memref<128x80xf32, #tpu.memory_space<vmem_shared>>
      %dma_wait3A_101 = arith.constant 0 : i32
      %dma_wait3A_102 = tpu.memref_slice %arg14[%add3A_7, %dma_wait3A_101] : memref<10240x80xf32, #tpu.memory_space<vmem_shared>> -> memref<128x80xf32, #tpu.memory_space<vmem_shared>>
      tpu.wait_dma2 semaphore(%run_scoped3A : memref<!tpu.dma_semaphore, #tpu.memory_space<semaphore_mem>>) src(%arg13 : memref<128x80xf32, #tpu.memory_space<vmem>>) dst(%dma_wait3A_102 : memref<128x80xf32, #tpu.memory_space<vmem_shared>>)
      tpu.yield
    }) : () -> ()
    %mul3A_8 = arith.constant 640 : i32
    %mul3A_9 = arith.muli %arg1, %mul3A_8 : i32
    %add3A_10 = arith.constant 128 : i32
    %add3A_11 = arith.addi %mul3A_9, %add3A_10 : i32
    "tpu.region"() ({
      %run_scoped3A = tpu.sem_alloc : memref<!tpu.dma_semaphore, #tpu.memory_space<semaphore_mem>>
      %dma_start3A = arith.constant 0 : i32
      %dma_start3A_97 = tpu.memref_slice %arg14[%add3A_11, %dma_start3A] : memref<10240x80xf32, #tpu.memory_space<vmem_shared>> -> memref<128x80xf32, #tpu.memory_space<vmem_shared>>
      %dma_start3A_98 = arith.constant 0 : i32
      %dma_start3A_99 = tpu.memref_slice %arg14[%add3A_11, %dma_start3A_98] : memref<10240x80xf32, #tpu.memory_space<vmem_shared>> -> memref<128x80xf32, #tpu.memory_space<vmem_shared>>
      tpu.enqueue_dma source(%arg13 : memref<128x80xf32, #tpu.memory_space<vmem>>) target(%dma_start3A_99 : memref<128x80xf32, #tpu.memory_space<vmem_shared>>) target_semaphore(%run_scoped3A : memref<!tpu.dma_semaphore, #tpu.memory_space<semaphore_mem>>)
      %dma_wait3A = arith.constant 0 : i32
      %dma_wait3A_100 = tpu.memref_slice %arg14[%add3A_11, %dma_wait3A] : memref<10240x80xf32, #tpu.memory_space<vmem_shared>> -> memref<128x80xf32, #tpu.memory_space<vmem_shared>>
      %dma_wait3A_101 = arith.constant 0 : i32
      %dma_wait3A_102 = tpu.memref_slice %arg14[%add3A_11, %dma_wait3A_101] : memref<10240x80xf32, #tpu.memory_space<vmem_shared>> -> memref<128x80xf32, #tpu.memory_space<vmem_shared>>
      tpu.wait_dma2 semaphore(%run_scoped3A : memref<!tpu.dma_semaphore, #tpu.memory_space<semaphore_mem>>) src(%arg13 : memref<128x80xf32, #tpu.memory_space<vmem>>) dst(%dma_wait3A_102 : memref<128x80xf32, #tpu.memory_space<vmem_shared>>)
      tpu.yield
    }) : () -> ()
    %mul3A_12 = arith.constant 640 : i32
    %mul3A_13 = arith.muli %arg1, %mul3A_12 : i32
    %add3A_14 = arith.constant 256 : i32
    %add3A_15 = arith.addi %mul3A_13, %add3A_14 : i32
    "tpu.region"() ({
      %run_scoped3A = tpu.sem_alloc : memref<!tpu.dma_semaphore, #tpu.memory_space<semaphore_mem>>
      %dma_start3A = arith.constant 0 : i32
      %dma_start3A_97 = tpu.memref_slice %arg14[%add3A_15, %dma_start3A] : memref<10240x80xf32, #tpu.memory_space<vmem_shared>> -> memref<128x80xf32, #tpu.memory_space<vmem_shared>>
      %dma_start3A_98 = arith.constant 0 : i32
      %dma_start3A_99 = tpu.memref_slice %arg14[%add3A_15, %dma_start3A_98] : memref<10240x80xf32, #tpu.memory_space<vmem_shared>> -> memref<128x80xf32, #tpu.memory_space<vmem_shared>>
      tpu.enqueue_dma source(%arg13 : memref<128x80xf32, #tpu.memory_space<vmem>>) target(%dma_start3A_99 : memref<128x80xf32, #tpu.memory_space<vmem_shared>>) target_semaphore(%run_scoped3A : memref<!tpu.dma_semaphore, #tpu.memory_space<semaphore_mem>>)
      %dma_wait3A = arith.constant 0 : i32
      %dma_wait3A_100 = tpu.memref_slice %arg14[%add3A_15, %dma_wait3A] : memref<10240x80xf32, #tpu.memory_space<vmem_shared>> -> memref<128x80xf32, #tpu.memory_space<vmem_shared>>
      %dma_wait3A_101 = arith.constant 0 : i32
      %dma_wait3A_102 = tpu.memref_slice %arg14[%add3A_15, %dma_wait3A_101] : memref<10240x80xf32, #tpu.memory_space<vmem_shared>> -> memref<128x80xf32, #tpu.memory_space<vmem_shared>>
      tpu.wait_dma2 semaphore(%run_scoped3A : memref<!tpu.dma_semaphore, #tpu.memory_space<semaphore_mem>>) src(%arg13 : memref<128x80xf32, #tpu.memory_space<vmem>>) dst(%dma_wait3A_102 : memref<128x80xf32, #tpu.memory_space<vmem_shared>>)
      tpu.yield
    }) : () -> ()
    %mul3A_16 = arith.constant 640 : i32
    %mul3A_17 = arith.muli %arg1, %mul3A_16 : i32
    %add3A_18 = arith.constant 384 : i32
    %add3A_19 = arith.addi %mul3A_17, %add3A_18 : i32
    "tpu.region"() ({
      %run_scoped3A = tpu.sem_alloc : memref<!tpu.dma_semaphore, #tpu.memory_space<semaphore_mem>>
      %dma_start3A = arith.constant 0 : i32
      %dma_start3A_97 = tpu.memref_slice %arg14[%add3A_19, %dma_start3A] : memref<10240x80xf32, #tpu.memory_space<vmem_shared>> -> memref<128x80xf32, #tpu.memory_space<vmem_shared>>
      %dma_start3A_98 = arith.constant 0 : i32
      %dma_start3A_99 = tpu.memref_slice %arg14[%add3A_19, %dma_start3A_98] : memref<10240x80xf32, #tpu.memory_space<vmem_shared>> -> memref<128x80xf32, #tpu.memory_space<vmem_shared>>
      tpu.enqueue_dma source(%arg13 : memref<128x80xf32, #tpu.memory_space<vmem>>) target(%dma_start3A_99 : memref<128x80xf32, #tpu.memory_space<vmem_shared>>) target_semaphore(%run_scoped3A : memref<!tpu.dma_semaphore, #tpu.memory_space<semaphore_mem>>)
      %dma_wait3A = arith.constant 0 : i32
      %dma_wait3A_100 = tpu.memref_slice %arg14[%add3A_19, %dma_wait3A] : memref<10240x80xf32, #tpu.memory_space<vmem_shared>> -> memref<128x80xf32, #tpu.memory_space<vmem_shared>>
      %dma_wait3A_101 = arith.constant 0 : i32
      %dma_wait3A_102 = tpu.memref_slice %arg14[%add3A_19, %dma_wait3A_101] : memref<10240x80xf32, #tpu.memory_space<vmem_shared>> -> memref<128x80xf32, #tpu.memory_space<vmem_shared>>
      tpu.wait_dma2 semaphore(%run_scoped3A : memref<!tpu.dma_semaphore, #tpu.memory_space<semaphore_mem>>) src(%arg13 : memref<128x80xf32, #tpu.memory_space<vmem>>) dst(%dma_wait3A_102 : memref<128x80xf32, #tpu.memory_space<vmem_shared>>)
      tpu.yield
    }) : () -> ()
    %mul3A_20 = arith.constant 640 : i32
    %mul3A_21 = arith.muli %arg1, %mul3A_20 : i32
    %add3A_22 = arith.constant 512 : i32
    %add3A_23 = arith.addi %mul3A_21, %add3A_22 : i32
    "tpu.region"() ({
      %run_scoped3A = tpu.sem_alloc : memref<!tpu.dma_semaphore, #tpu.memory_space<semaphore_mem>>
      %dma_start3A = arith.constant 0 : i32
      %dma_start3A_97 = tpu.memref_slice %arg14[%add3A_23, %dma_start3A] : memref<10240x80xf32, #tpu.memory_space<vmem_shared>> -> memref<128x80xf32, #tpu.memory_space<vmem_shared>>
      %dma_start3A_98 = arith.constant 0 : i32
      %dma_start3A_99 = tpu.memref_slice %arg14[%add3A_23, %dma_start3A_98] : memref<10240x80xf32, #tpu.memory_space<vmem_shared>> -> memref<128x80xf32, #tpu.memory_space<vmem_shared>>
      tpu.enqueue_dma source(%arg13 : memref<128x80xf32, #tpu.memory_space<vmem>>) target(%dma_start3A_99 : memref<128x80xf32, #tpu.memory_space<vmem_shared>>) target_semaphore(%run_scoped3A : memref<!tpu.dma_semaphore, #tpu.memory_space<semaphore_mem>>)
      %dma_wait3A = arith.constant 0 : i32
      %dma_wait3A_100 = tpu.memref_slice %arg14[%add3A_23, %dma_wait3A] : memref<10240x80xf32, #tpu.memory_space<vmem_shared>> -> memref<128x80xf32, #tpu.memory_space<vmem_shared>>
      %dma_wait3A_101 = arith.constant 0 : i32
      %dma_wait3A_102 = tpu.memref_slice %arg14[%add3A_23, %dma_wait3A_101] : memref<10240x80xf32, #tpu.memory_space<vmem_shared>> -> memref<128x80xf32, #tpu.memory_space<vmem_shared>>
      tpu.wait_dma2 semaphore(%run_scoped3A : memref<!tpu.dma_semaphore, #tpu.memory_space<semaphore_mem>>) src(%arg13 : memref<128x80xf32, #tpu.memory_space<vmem>>) dst(%dma_wait3A_102 : memref<128x80xf32, #tpu.memory_space<vmem_shared>>)
      tpu.yield
    }) : () -> ()
    %barrier3A = arith.constant 0 : index
    tpu.barrier barrier_id(%barrier3A)
    %iota3A = tpu.iota {dimensions = array<i32: 0>} : vector<16xi32>
    %eq3A = arith.constant 0 : i32
    %eq3A_24 = vector.broadcast %eq3A : i32 to vector<16xi32>
    %eq3A_25 = arith.cmpi eq, %iota3A, %eq3A_24 : vector<16xi32>
    %broadcast_in_dim3A_26 = arith.constant 0.000000e+00 : f32
    %broadcast_in_dim3A_27 = vector.broadcast %broadcast_in_dim3A_26 : f32 to vector<16xf32>
    %mul3A_28 = arith.constant 2 : i32
    %mul3A_29 = arith.muli %mul3A_28, %arg0 : i32
    %add3A_30 = arith.constant 0 : i32
    %add3A_31 = arith.addi %mul3A_29, %add3A_30 : i32
    %mul3A_32 = arith.constant 10000 : i32
    %mul3A_33 = arith.muli %add3A_31, %mul3A_32 : i32
    %scan3A_34 = arith.constant 0 : i32
    %scan3A_35 = arith.constant 0 : i32
    %scan3A_36 = arith.constant 250 : i32
    %scan3A_37 = arith.addi %scan3A_35, %scan3A_36 : i32
    %scan3A_38 = arith.constant 1 : i32
    scf.for %scan3A_97 = %scan3A_35 to %scan3A_37 step %scan3A_38  : i32 {
      %mul3A_98 = arith.constant 20000 : i32
      %mul3A_99 = arith.muli %arg1, %mul3A_98 : i32
      %mul3A_100 = arith.constant 80 : i32
      %mul3A_101 = arith.muli %scan3A_97, %mul3A_100 : i32
      %add3A_102 = arith.addi %mul3A_99, %mul3A_101 : i32
      "tpu.region"() ({
        %run_scoped3A = tpu.sem_alloc : memref<!tpu.dma_semaphore, #tpu.memory_space<semaphore_mem>>
        %dma_start3A_207 = tpu.memref_slice %arg3[%add3A_102] : memref<320000xi32, #tpu.memory_space<hbm>> -> memref<80xi32, #tpu.memory_space<hbm>>
        %dma_start3A_208 = tpu.memref_slice %arg3[%add3A_102] : memref<320000xi32, #tpu.memory_space<hbm>> -> memref<80xi32, #tpu.memory_space<hbm>>
        tpu.enqueue_dma source(%dma_start3A_208 : memref<80xi32, #tpu.memory_space<hbm>>) target(%arg6 : memref<80xi32, #tpu.memory_space<vmem>>) target_semaphore(%run_scoped3A : memref<!tpu.dma_semaphore, #tpu.memory_space<semaphore_mem>>)
        %dma_wait3A_209 = tpu.memref_slice %arg3[%add3A_102] : memref<320000xi32, #tpu.memory_space<hbm>> -> memref<80xi32, #tpu.memory_space<hbm>>
        %dma_wait3A_210 = tpu.memref_slice %arg3[%add3A_102] : memref<320000xi32, #tpu.memory_space<hbm>> -> memref<80xi32, #tpu.memory_space<hbm>>
        tpu.wait_dma2 semaphore(%run_scoped3A : memref<!tpu.dma_semaphore, #tpu.memory_space<semaphore_mem>>) src(%dma_wait3A_210 : memref<80xi32, #tpu.memory_space<hbm>>) dst(%arg6 : memref<80xi32, #tpu.memory_space<vmem>>)
        tpu.yield
      }) : () -> ()
      "tpu.region"() ({
        %run_scoped3A = tpu.sem_alloc : memref<!tpu.dma_semaphore, #tpu.memory_space<semaphore_mem>>
        %dma_start3A_207 = tpu.memref_slice %arg4[%add3A_102] : memref<320000xi32, #tpu.memory_space<hbm>> -> memref<80xi32, #tpu.memory_space<hbm>>
        %dma_start3A_208 = tpu.memref_slice %arg4[%add3A_102] : memref<320000xi32, #tpu.memory_space<hbm>> -> memref<80xi32, #tpu.memory_space<hbm>>
        tpu.enqueue_dma source(%dma_start3A_208 : memref<80xi32, #tpu.memory_space<hbm>>) target(%arg7 : memref<80xi32, #tpu.memory_space<vmem>>) target_semaphore(%run_scoped3A : memref<!tpu.dma_semaphore, #tpu.memory_space<semaphore_mem>>)
        %dma_wait3A_209 = tpu.memref_slice %arg4[%add3A_102] : memref<320000xi32, #tpu.memory_space<hbm>> -> memref<80xi32, #tpu.memory_space<hbm>>
        %dma_wait3A_210 = tpu.memref_slice %arg4[%add3A_102] : memref<320000xi32, #tpu.memory_space<hbm>> -> memref<80xi32, #tpu.memory_space<hbm>>
        tpu.wait_dma2 semaphore(%run_scoped3A : memref<!tpu.dma_semaphore, #tpu.memory_space<semaphore_mem>>) src(%dma_wait3A_210 : memref<80xi32, #tpu.memory_space<hbm>>) dst(%arg7 : memref<80xi32, #tpu.memory_space<vmem>>)
        tpu.yield
      }) : () -> ()
      %get3A = arith.constant 0 : index
      %get3A_103 = tpu.vector_load %arg6[%get3A] {strides = array<i32>} : memref<80xi32, #tpu.memory_space<vmem>>, vector<16xi32>,
      %get3A_104 = vector.shape_cast %get3A_103 : vector<16xi32> to vector<16xi32>
      %add3A_105 = vector.broadcast %mul3A_33 : i32 to vector<16xi32>
      %add3A_106 = arith.addi %get3A_104, %add3A_105 : vector<16xi32>
      %swap3A = arith.constant 0 : index
      %swap3A_107 = tpu.vector_load %arg8[%swap3A] {strides = array<i32>} : memref<80xi32, #tpu.memory_space<vmem>>, vector<16xi32>,
      %swap3A_108 = vector.shape_cast %swap3A_107 : vector<16xi32> to vector<16xi32>
      %swap3A_109 = vector.shape_cast %add3A_106 : vector<16xi32> to vector<16xi32>
      tpu.vector_store %arg8[%swap3A], %swap3A_109 {strides = array<i32>} : memref<80xi32, #tpu.memory_space<vmem>>, vector<16xi32>,
      %get3A_110 = arith.constant 0 : index
      %get3A_111 = tpu.vector_load %arg7[%get3A_110] {strides = array<i32>} : memref<80xi32, #tpu.memory_space<vmem>>, vector<16xi32>,
      %get3A_112 = vector.shape_cast %get3A_111 : vector<16xi32> to vector<16xi32>
      %add3A_113 = vector.broadcast %mul3A_33 : i32 to vector<16xi32>
      %add3A_114 = arith.addi %get3A_112, %add3A_113 : vector<16xi32>
      %swap3A_115 = arith.constant 0 : index
      %swap3A_116 = tpu.vector_load %arg9[%swap3A_115] {strides = array<i32>} : memref<80xi32, #tpu.memory_space<vmem>>, vector<16xi32>,
      %swap3A_117 = vector.shape_cast %swap3A_116 : vector<16xi32> to vector<16xi32>
      %swap3A_118 = vector.shape_cast %add3A_114 : vector<16xi32> to vector<16xi32>
      tpu.vector_store %arg9[%swap3A_115], %swap3A_118 {strides = array<i32>} : memref<80xi32, #tpu.memory_space<vmem>>, vector<16xi32>,
      %get3A_119 = arith.constant 16 : index
      %get3A_120 = tpu.vector_load %arg6[%get3A_119] {strides = array<i32>} : memref<80xi32, #tpu.memory_space<vmem>>, vector<16xi32>,
      %get3A_121 = vector.shape_cast %get3A_120 : vector<16xi32> to vector<16xi32>
      %add3A_122 = vector.broadcast %mul3A_33 : i32 to vector<16xi32>
      %add3A_123 = arith.addi %get3A_121, %add3A_122 : vector<16xi32>
      %swap3A_124 = arith.constant 16 : index
      %swap3A_125 = tpu.vector_load %arg8[%swap3A_124] {strides = array<i32>} : memref<80xi32, #tpu.memory_space<vmem>>, vector<16xi32>,
      %swap3A_126 = vector.shape_cast %swap3A_125 : vector<16xi32> to vector<16xi32>
      %swap3A_127 = vector.shape_cast %add3A_123 : vector<16xi32> to vector<16xi32>
      tpu.vector_store %arg8[%swap3A_124], %swap3A_127 {strides = array<i32>} : memref<80xi32, #tpu.memory_space<vmem>>, vector<16xi32>,
      %get3A_128 = arith.constant 16 : index
      %get3A_129 = tpu.vector_load %arg7[%get3A_128] {strides = array<i32>} : memref<80xi32, #tpu.memory_space<vmem>>, vector<16xi32>,
      %get3A_130 = vector.shape_cast %get3A_129 : vector<16xi32> to vector<16xi32>
      %add3A_131 = vector.broadcast %mul3A_33 : i32 to vector<16xi32>
      %add3A_132 = arith.addi %get3A_130, %add3A_131 : vector<16xi32>
      %swap3A_133 = arith.constant 16 : index
      %swap3A_134 = tpu.vector_load %arg9[%swap3A_133] {strides = array<i32>} : memref<80xi32, #tpu.memory_space<vmem>>, vector<16xi32>,
      %swap3A_135 = vector.shape_cast %swap3A_134 : vector<16xi32> to vector<16xi32>
      %swap3A_136 = vector.shape_cast %add3A_132 : vector<16xi32> to vector<16xi32>
      tpu.vector_store %arg9[%swap3A_133], %swap3A_136 {strides = array<i32>} : memref<80xi32, #tpu.memory_space<vmem>>, vector<16xi32>,
      %get3A_137 = arith.constant 32 : index
      %get3A_138 = tpu.vector_load %arg6[%get3A_137] {strides = array<i32>} : memref<80xi32, #tpu.memory_space<vmem>>, vector<16xi32>,
      %get3A_139 = vector.shape_cast %get3A_138 : vector<16xi32> to vector<16xi32>
      %add3A_140 = vector.broadcast %mul3A_33 : i32 to vector<16xi32>
      %add3A_141 = arith.addi %get3A_139, %add3A_140 : vector<16xi32>
      %swap3A_142 = arith.constant 32 : index
      %swap3A_143 = tpu.vector_load %arg8[%swap3A_142] {strides = array<i32>} : memref<80xi32, #tpu.memory_space<vmem>>, vector<16xi32>,
      %swap3A_144 = vector.shape_cast %swap3A_143 : vector<16xi32> to vector<16xi32>
      %swap3A_145 = vector.shape_cast %add3A_141 : vector<16xi32> to vector<16xi32>
      tpu.vector_store %arg8[%swap3A_142], %swap3A_145 {strides = array<i32>} : memref<80xi32, #tpu.memory_space<vmem>>, vector<16xi32>,
      %get3A_146 = arith.constant 32 : index
      %get3A_147 = tpu.vector_load %arg7[%get3A_146] {strides = array<i32>} : memref<80xi32, #tpu.memory_space<vmem>>, vector<16xi32>,
      %get3A_148 = vector.shape_cast %get3A_147 : vector<16xi32> to vector<16xi32>
      %add3A_149 = vector.broadcast %mul3A_33 : i32 to vector<16xi32>
      %add3A_150 = arith.addi %get3A_148, %add3A_149 : vector<16xi32>
      %swap3A_151 = arith.constant 32 : index
      %swap3A_152 = tpu.vector_load %arg9[%swap3A_151] {strides = array<i32>} : memref<80xi32, #tpu.memory_space<vmem>>, vector<16xi32>,
      %swap3A_153 = vector.shape_cast %swap3A_152 : vector<16xi32> to vector<16xi32>
      %swap3A_154 = vector.shape_cast %add3A_150 : vector<16xi32> to vector<16xi32>
      tpu.vector_store %arg9[%swap3A_151], %swap3A_154 {strides = array<i32>} : memref<80xi32, #tpu.memory_space<vmem>>, vector<16xi32>,
      %get3A_155 = arith.constant 48 : index
      %get3A_156 = tpu.vector_load %arg6[%get3A_155] {strides = array<i32>} : memref<80xi32, #tpu.memory_space<vmem>>, vector<16xi32>,
      %get3A_157 = vector.shape_cast %get3A_156 : vector<16xi32> to vector<16xi32>
      %add3A_158 = vector.broadcast %mul3A_33 : i32 to vector<16xi32>
      %add3A_159 = arith.addi %get3A_157, %add3A_158 : vector<16xi32>
      %swap3A_160 = arith.constant 48 : index
      %swap3A_161 = tpu.vector_load %arg8[%swap3A_160] {strides = array<i32>} : memref<80xi32, #tpu.memory_space<vmem>>, vector<16xi32>,
      %swap3A_162 = vector.shape_cast %swap3A_161 : vector<16xi32> to vector<16xi32>
      %swap3A_163 = vector.shape_cast %add3A_159 : vector<16xi32> to vector<16xi32>
      tpu.vector_store %arg8[%swap3A_160], %swap3A_163 {strides = array<i32>} : memref<80xi32, #tpu.memory_space<vmem>>, vector<16xi32>,
      %get3A_164 = arith.constant 48 : index
      %get3A_165 = tpu.vector_load %arg7[%get3A_164] {strides = array<i32>} : memref<80xi32, #tpu.memory_space<vmem>>, vector<16xi32>,
      %get3A_166 = vector.shape_cast %get3A_165 : vector<16xi32> to vector<16xi32>
      %add3A_167 = vector.broadcast %mul3A_33 : i32 to vector<16xi32>
      %add3A_168 = arith.addi %get3A_166, %add3A_167 : vector<16xi32>
      %swap3A_169 = arith.constant 48 : index
      %swap3A_170 = tpu.vector_load %arg9[%swap3A_169] {strides = array<i32>} : memref<80xi32, #tpu.memory_space<vmem>>, vector<16xi32>,
      %swap3A_171 = vector.shape_cast %swap3A_170 : vector<16xi32> to vector<16xi32>
      %swap3A_172 = vector.shape_cast %add3A_168 : vector<16xi32> to vector<16xi32>
      tpu.vector_store %arg9[%swap3A_169], %swap3A_172 {strides = array<i32>} : memref<80xi32, #tpu.memory_space<vmem>>, vector<16xi32>,
      %get3A_173 = arith.constant 64 : index
      %get3A_174 = tpu.vector_load %arg6[%get3A_173] {strides = array<i32>} : memref<80xi32, #tpu.memory_space<vmem>>, vector<16xi32>,
      %get3A_175 = vector.shape_cast %get3A_174 : vector<16xi32> to vector<16xi32>
      %add3A_176 = vector.broadcast %mul3A_33 : i32 to vector<16xi32>
      %add3A_177 = arith.addi %get3A_175, %add3A_176 : vector<16xi32>
      %swap3A_178 = arith.constant 64 : index
      %swap3A_179 = tpu.vector_load %arg8[%swap3A_178] {strides = array<i32>} : memref<80xi32, #tpu.memory_space<vmem>>, vector<16xi32>,
      %swap3A_180 = vector.shape_cast %swap3A_179 : vector<16xi32> to vector<16xi32>
      %swap3A_181 = vector.shape_cast %add3A_177 : vector<16xi32> to vector<16xi32>
      tpu.vector_store %arg8[%swap3A_178], %swap3A_181 {strides = array<i32>} : memref<80xi32, #tpu.memory_space<vmem>>, vector<16xi32>,
      %get3A_182 = arith.constant 64 : index
      %get3A_183 = tpu.vector_load %arg7[%get3A_182] {strides = array<i32>} : memref<80xi32, #tpu.memory_space<vmem>>, vector<16xi32>,
      %get3A_184 = vector.shape_cast %get3A_183 : vector<16xi32> to vector<16xi32>
      %add3A_185 = vector.broadcast %mul3A_33 : i32 to vector<16xi32>
      %add3A_186 = arith.addi %get3A_184, %add3A_185 : vector<16xi32>
      %swap3A_187 = arith.constant 64 : index
      %swap3A_188 = tpu.vector_load %arg9[%swap3A_187] {strides = array<i32>} : memref<80xi32, #tpu.memory_space<vmem>>, vector<16xi32>,
      %swap3A_189 = vector.shape_cast %swap3A_188 : vector<16xi32> to vector<16xi32>
      %swap3A_190 = vector.shape_cast %add3A_186 : vector<16xi32> to vector<16xi32>
      tpu.vector_store %arg9[%swap3A_187], %swap3A_190 {strides = array<i32>} : memref<80xi32, #tpu.memory_space<vmem>>, vector<16xi32>,
      %dma_start3A = arith.constant 0 : i32
      %dma_start3A_191 = arith.constant 0 : i32
      %dma_start3A_192 = tpu.memref_slice %arg2[%dma_start3A, %dma_start3A_191] : memref<40000x64xf32, #tpu.memory_space<hbm>> -> memref<40000x64xf32, #tpu.memory_space<hbm>>
      tpu.enqueue_indirect_dma source(%dma_start3A_192 : memref<40000x64xf32, #tpu.memory_space<hbm>>) target(%arg10 : memref<80x64xf32, #tpu.memory_space<vmem>>) offsets(%arg8 : memref<80xi32, #tpu.memory_space<vmem>>) semaphore(%arg15 : memref<!tpu.dma_semaphore, #tpu.memory_space<semaphore_mem>>)
      %dma_start3A_193 = arith.constant 0 : i32
      %dma_start3A_194 = arith.constant 0 : i32
      %dma_start3A_195 = tpu.memref_slice %arg2[%dma_start3A_193, %dma_start3A_194] : memref<40000x64xf32, #tpu.memory_space<hbm>> -> memref<40000x64xf32, #tpu.memory_space<hbm>>
      tpu.enqueue_indirect_dma source(%dma_start3A_195 : memref<40000x64xf32, #tpu.memory_space<hbm>>) target(%arg11 : memref<80x64xf32, #tpu.memory_space<vmem>>) offsets(%arg9 : memref<80xi32, #tpu.memory_space<vmem>>) semaphore(%arg16 : memref<!tpu.dma_semaphore, #tpu.memory_space<semaphore_mem>>)
      %dma_wait3A = arith.constant 0 : i32
      %dma_wait3A_196 = arith.constant 0 : i32
      %dma_wait3A_197 = tpu.memref_slice %arg2[%dma_wait3A, %dma_wait3A_196] : memref<40000x64xf32, #tpu.memory_space<hbm>> -> memref<40000x64xf32, #tpu.memory_space<hbm>>
      tpu.wait_indirect_dma semaphore(%arg15 : memref<!tpu.dma_semaphore, #tpu.memory_space<semaphore_mem>>) src(%dma_wait3A_197 : memref<40000x64xf32, #tpu.memory_space<hbm>>) dst(%arg10 : memref<80x64xf32, #tpu.memory_space<vmem>>)
      %dma_wait3A_198 = arith.constant 0 : i32
      %dma_wait3A_199 = arith.constant 0 : i32
      %dma_wait3A_200 = tpu.memref_slice %arg2[%dma_wait3A_198, %dma_wait3A_199] : memref<40000x64xf32, #tpu.memory_space<hbm>> -> memref<40000x64xf32, #tpu.memory_space<hbm>>
      tpu.wait_indirect_dma semaphore(%arg16 : memref<!tpu.dma_semaphore, #tpu.memory_space<semaphore_mem>>) src(%dma_wait3A_200 : memref<40000x64xf32, #tpu.memory_space<hbm>>) dst(%arg11 : memref<80x64xf32, #tpu.memory_space<vmem>>)
      %scan3A_201 = arith.constant 0 : i32
      %scan3A_202 = arith.constant 0 : i32
      %scan3A_203 = arith.constant 80 : i32
      %scan3A_204 = arith.addi %scan3A_202, %scan3A_203 : i32
      %scan3A_205 = arith.constant 1 : i32
      scf.for %scan3A_207 = %scan3A_202 to %scan3A_204 step %scan3A_205  : i32 {
        %get3A_208 = arith.index_cast %scan3A_207 : i32 to index
        %get3A_209 = arith.constant 0 : index
        %get3A_210 = tpu.vector_load %arg10[%get3A_208, %get3A_209] {strides = array<i32>} : memref<80x64xf32, #tpu.memory_space<vmem>>, vector<1x16xf32>,
        %get3A_211 = vector.shape_cast %get3A_210 : vector<1x16xf32> to vector<16xf32>
        %get3A_212 = arith.index_cast %scan3A_207 : i32 to index
        %get3A_213 = arith.constant 0 : index
        %get3A_214 = tpu.vector_load %arg11[%get3A_212, %get3A_213] {strides = array<i32>} : memref<80x64xf32, #tpu.memory_space<vmem>>, vector<1x16xf32>,
        %get3A_215 = vector.shape_cast %get3A_214 : vector<1x16xf32> to vector<16xf32>
        %mul3A_216 = arith.mulf %get3A_211, %get3A_215 : vector<16xf32>
        %get3A_217 = arith.index_cast %scan3A_207 : i32 to index
        %get3A_218 = arith.constant 16 : index
        %get3A_219 = tpu.vector_load %arg10[%get3A_217, %get3A_218] {strides = array<i32>} : memref<80x64xf32, #tpu.memory_space<vmem>>, vector<1x16xf32>,
        %get3A_220 = vector.shape_cast %get3A_219 : vector<1x16xf32> to vector<16xf32>
        %get3A_221 = arith.index_cast %scan3A_207 : i32 to index
        %get3A_222 = arith.constant 16 : index
        %get3A_223 = tpu.vector_load %arg11[%get3A_221, %get3A_222] {strides = array<i32>} : memref<80x64xf32, #tpu.memory_space<vmem>>, vector<1x16xf32>,
        %get3A_224 = vector.shape_cast %get3A_223 : vector<1x16xf32> to vector<16xf32>
        %mul3A_225 = arith.mulf %get3A_220, %get3A_224 : vector<16xf32>
        %add3A_226 = arith.addf %mul3A_216, %mul3A_225 : vector<16xf32>
        %get3A_227 = arith.index_cast %scan3A_207 : i32 to index
        %get3A_228 = arith.constant 32 : index
        %get3A_229 = tpu.vector_load %arg10[%get3A_227, %get3A_228] {strides = array<i32>} : memref<80x64xf32, #tpu.memory_space<vmem>>, vector<1x16xf32>,
        %get3A_230 = vector.shape_cast %get3A_229 : vector<1x16xf32> to vector<16xf32>
        %get3A_231 = arith.index_cast %scan3A_207 : i32 to index
        %get3A_232 = arith.constant 32 : index
        %get3A_233 = tpu.vector_load %arg11[%get3A_231, %get3A_232] {strides = array<i32>} : memref<80x64xf32, #tpu.memory_space<vmem>>, vector<1x16xf32>,
        %get3A_234 = vector.shape_cast %get3A_233 : vector<1x16xf32> to vector<16xf32>
        %mul3A_235 = arith.mulf %get3A_230, %get3A_234 : vector<16xf32>
        %add3A_236 = arith.addf %add3A_226, %mul3A_235 : vector<16xf32>
        %get3A_237 = arith.index_cast %scan3A_207 : i32 to index
        %get3A_238 = arith.constant 48 : index
        %get3A_239 = tpu.vector_load %arg10[%get3A_237, %get3A_238] {strides = array<i32>} : memref<80x64xf32, #tpu.memory_space<vmem>>, vector<1x16xf32>,
        %get3A_240 = vector.shape_cast %get3A_239 : vector<1x16xf32> to vector<16xf32>
        %get3A_241 = arith.index_cast %scan3A_207 : i32 to index
        %get3A_242 = arith.constant 48 : index
        %get3A_243 = tpu.vector_load %arg11[%get3A_241, %get3A_242] {strides = array<i32>} : memref<80x64xf32, #tpu.memory_space<vmem>>, vector<1x16xf32>,
        %get3A_244 = vector.shape_cast %get3A_243 : vector<1x16xf32> to vector<16xf32>
        %mul3A_245 = arith.mulf %get3A_240, %get3A_244 : vector<16xf32>
        %add3A_246 = arith.addf %add3A_236, %mul3A_245 : vector<16xf32>
        %iota3A_247 = tpu.iota {dimensions = array<i32: 0>} : vector<16xi32>
        %xor3A = arith.constant 1 : i32
        %xor3A_248 = vector.broadcast %xor3A : i32 to vector<16xi32>
        %xor3A_249 = arith.xori %iota3A_247, %xor3A_248 : vector<16xi32>
        %reshape3A = vector.shape_cast %xor3A_249 : vector<16xi32> to vector<16x1xi32>
        %gather3A = vector.shape_cast %reshape3A : vector<16x1xi32> to vector<16xi32>
        %gather3A_250 = tpu.dynamic_gather %add3A_246[%gather3A] in [0] : vector<16xf32>, vector<16xi32> -> vector<16xf32>
        %add3A_251 = arith.addf %add3A_246, %gather3A_250 : vector<16xf32>
        %xor3A_252 = arith.constant 2 : i32
        %xor3A_253 = vector.broadcast %xor3A_252 : i32 to vector<16xi32>
        %xor3A_254 = arith.xori %iota3A_247, %xor3A_253 : vector<16xi32>
        %reshape3A_255 = vector.shape_cast %xor3A_254 : vector<16xi32> to vector<16x1xi32>
        %gather3A_256 = vector.shape_cast %reshape3A_255 : vector<16x1xi32> to vector<16xi32>
        %gather3A_257 = tpu.dynamic_gather %add3A_251[%gather3A_256] in [0] : vector<16xf32>, vector<16xi32> -> vector<16xf32>
        %add3A_258 = arith.addf %add3A_251, %gather3A_257 : vector<16xf32>
        %xor3A_259 = arith.constant 4 : i32
        %xor3A_260 = vector.broadcast %xor3A_259 : i32 to vector<16xi32>
        %xor3A_261 = arith.xori %iota3A_247, %xor3A_260 : vector<16xi32>
        %reshape3A_262 = vector.shape_cast %xor3A_261 : vector<16xi32> to vector<16x1xi32>
        %gather3A_263 = vector.shape_cast %reshape3A_262 : vector<16x1xi32> to vector<16xi32>
        %gather3A_264 = tpu.dynamic_gather %add3A_258[%gather3A_263] in [0] : vector<16xf32>, vector<16xi32> -> vector<16xf32>
        %add3A_265 = arith.addf %add3A_258, %gather3A_264 : vector<16xf32>
        %xor3A_266 = arith.constant 8 : i32
        %xor3A_267 = vector.broadcast %xor3A_266 : i32 to vector<16xi32>
        %xor3A_268 = arith.xori %iota3A_247, %xor3A_267 : vector<16xi32>
        %reshape3A_269 = vector.shape_cast %xor3A_268 : vector<16xi32> to vector<16x1xi32>
        %gather3A_270 = vector.shape_cast %reshape3A_269 : vector<16x1xi32> to vector<16xi32>
        %gather3A_271 = tpu.dynamic_gather %add3A_265[%gather3A_270] in [0] : vector<16xf32>, vector<16xi32> -> vector<16xf32>
        %add3A_272 = arith.addf %add3A_265, %gather3A_271 : vector<16xf32>
        %mul3A_273 = arith.constant 1.250000e-01 : f32
        %mul3A_274 = vector.broadcast %mul3A_273 : f32 to vector<16xf32>
        %mul3A_275 = arith.mulf %add3A_272, %mul3A_274 : vector<16xf32>
        %exp3A = math.exp %mul3A_275 : vector<16xf32>
        %get3A_276 = arith.index_cast %scan3A_207 : i32 to index
        %get3A_277 = arith.constant 0 : index
        %get3A_278 = tpu.vector_load %arg10[%get3A_276, %get3A_277] {strides = array<i32>} : memref<80x64xf32, #tpu.memory_space<vmem>>, vector<1x16xf32>,
        %get3A_279 = vector.shape_cast %get3A_278 : vector<1x16xf32> to vector<16xf32>
        %mul3A_280 = arith.mulf %exp3A, %get3A_279 : vector<16xf32>
        %swap3A_281 = arith.index_cast %scan3A_207 : i32 to index
        %swap3A_282 = arith.constant 0 : index
        %swap3A_283 = tpu.vector_load %arg12[%swap3A_281, %swap3A_282] {strides = array<i32>} : memref<80x80xf32, #tpu.memory_space<vmem>>, vector<1x16xf32>,
        %swap3A_284 = vector.shape_cast %swap3A_283 : vector<1x16xf32> to vector<16xf32>
        %swap3A_285 = vector.shape_cast %mul3A_280 : vector<16xf32> to vector<1x16xf32>
        tpu.vector_store %arg12[%swap3A_281, %swap3A_282], %swap3A_285 {strides = array<i32>} : memref<80x80xf32, #tpu.memory_space<vmem>>, vector<1x16xf32>,
        %get3A_286 = arith.index_cast %scan3A_207 : i32 to index
        %get3A_287 = arith.constant 16 : index
        %get3A_288 = tpu.vector_load %arg10[%get3A_286, %get3A_287] {strides = array<i32>} : memref<80x64xf32, #tpu.memory_space<vmem>>, vector<1x16xf32>,
        %get3A_289 = vector.shape_cast %get3A_288 : vector<1x16xf32> to vector<16xf32>
        %mul3A_290 = arith.mulf %exp3A, %get3A_289 : vector<16xf32>
        %swap3A_291 = arith.index_cast %scan3A_207 : i32 to index
        %swap3A_292 = arith.constant 16 : index
        %swap3A_293 = tpu.vector_load %arg12[%swap3A_291, %swap3A_292] {strides = array<i32>} : memref<80x80xf32, #tpu.memory_space<vmem>>, vector<1x16xf32>,
        %swap3A_294 = vector.shape_cast %swap3A_293 : vector<1x16xf32> to vector<16xf32>
        %swap3A_295 = vector.shape_cast %mul3A_290 : vector<16xf32> to vector<1x16xf32>
        tpu.vector_store %arg12[%swap3A_291, %swap3A_292], %swap3A_295 {strides = array<i32>} : memref<80x80xf32, #tpu.memory_space<vmem>>, vector<1x16xf32>,
        %get3A_296 = arith.index_cast %scan3A_207 : i32 to index
        %get3A_297 = arith.constant 32 : index
        %get3A_298 = tpu.vector_load %arg10[%get3A_296, %get3A_297] {strides = array<i32>} : memref<80x64xf32, #tpu.memory_space<vmem>>, vector<1x16xf32>,
        %get3A_299 = vector.shape_cast %get3A_298 : vector<1x16xf32> to vector<16xf32>
        %mul3A_300 = arith.mulf %exp3A, %get3A_299 : vector<16xf32>
        %swap3A_301 = arith.index_cast %scan3A_207 : i32 to index
        %swap3A_302 = arith.constant 32 : index
        %swap3A_303 = tpu.vector_load %arg12[%swap3A_301, %swap3A_302] {strides = array<i32>} : memref<80x80xf32, #tpu.memory_space<vmem>>, vector<1x16xf32>,
        %swap3A_304 = vector.shape_cast %swap3A_303 : vector<1x16xf32> to vector<16xf32>
        %swap3A_305 = vector.shape_cast %mul3A_300 : vector<16xf32> to vector<1x16xf32>
        tpu.vector_store %arg12[%swap3A_301, %swap3A_302], %swap3A_305 {strides = array<i32>} : memref<80x80xf32, #tpu.memory_space<vmem>>, vector<1x16xf32>,
        %get3A_306 = arith.index_cast %scan3A_207 : i32 to index
        %get3A_307 = arith.constant 48 : index
        %get3A_308 = tpu.vector_load %arg10[%get3A_306, %get3A_307] {strides = array<i32>} : memref<80x64xf32, #tpu.memory_space<vmem>>, vector<1x16xf32>,
        %get3A_309 = vector.shape_cast %get3A_308 : vector<1x16xf32> to vector<16xf32>
        %mul3A_310 = arith.mulf %exp3A, %get3A_309 : vector<16xf32>
        %swap3A_311 = arith.index_cast %scan3A_207 : i32 to index
        %swap3A_312 = arith.constant 48 : index
        %swap3A_313 = tpu.vector_load %arg12[%swap3A_311, %swap3A_312] {strides = array<i32>} : memref<80x80xf32, #tpu.memory_space<vmem>>, vector<1x16xf32>,
        %swap3A_314 = vector.shape_cast %swap3A_313 : vector<1x16xf32> to vector<16xf32>
        %swap3A_315 = vector.shape_cast %mul3A_310 : vector<16xf32> to vector<1x16xf32>
        tpu.vector_store %arg12[%swap3A_311, %swap3A_312], %swap3A_315 {strides = array<i32>} : memref<80x80xf32, #tpu.memory_space<vmem>>, vector<1x16xf32>,
        %select_n3A = arith.select %eq3A_25, %exp3A, %broadcast_in_dim3A_27 : vector<16xi1>, vector<16xf32>
        %swap3A_316 = arith.index_cast %scan3A_207 : i32 to index
        %swap3A_317 = arith.constant 64 : index
        %swap3A_318 = tpu.vector_load %arg12[%swap3A_316, %swap3A_317] {strides = array<i32>} : memref<80x80xf32, #tpu.memory_space<vmem>>, vector<1x16xf32>,
        %swap3A_319 = vector.shape_cast %swap3A_318 : vector<1x16xf32> to vector<16xf32>
        %swap3A_320 = vector.shape_cast %select_n3A : vector<16xf32> to vector<1x16xf32>
        tpu.vector_store %arg12[%swap3A_316, %swap3A_317], %swap3A_320 {strides = array<i32>} : memref<80x80xf32, #tpu.memory_space<vmem>>, vector<1x16xf32>,
      }
      %scan3A_206 = arith.constant 80 : i32
      "tpu.region"() ({
        %run_scoped3A = tpu.sem_alloc : memref<!tpu.dma_semaphore, #tpu.memory_space<semaphore_mem>>
        %dma_start3A_207 = arith.constant 0 : i32
        %dma_start3A_208 = arith.constant 0 : i32
        %dma_start3A_209 = tpu.memref_slice %arg14[%dma_start3A_207, %dma_start3A_208] : memref<10240x80xf32, #tpu.memory_space<vmem_shared>> -> memref<10240x80xf32, #tpu.memory_space<vmem_shared>>
        tpu.enqueue_indirect_dma source(%arg12 : memref<80x80xf32, #tpu.memory_space<vmem>>) target(%dma_start3A_209 : memref<10240x80xf32, #tpu.memory_space<vmem_shared>>) offsets(%arg7 : memref<80xi32, #tpu.memory_space<vmem>>) semaphore(%run_scoped3A : memref<!tpu.dma_semaphore, #tpu.memory_space<semaphore_mem>>) {add = true}
        %dma_wait3A_210 = arith.constant 0 : i32
        %dma_wait3A_211 = arith.constant 0 : i32
        %dma_wait3A_212 = tpu.memref_slice %arg14[%dma_wait3A_210, %dma_wait3A_211] : memref<10240x80xf32, #tpu.memory_space<vmem_shared>> -> memref<10240x80xf32, #tpu.memory_space<vmem_shared>>
        tpu.wait_indirect_dma semaphore(%run_scoped3A : memref<!tpu.dma_semaphore, #tpu.memory_space<semaphore_mem>>) src(%arg12 : memref<80x80xf32, #tpu.memory_space<vmem>>) dst(%dma_wait3A_212 : memref<10240x80xf32, #tpu.memory_space<vmem_shared>>)
        tpu.yield
      }) : () -> ()
    }
    %scan3A_39 = arith.constant 250 : i32
    %barrier3A_40 = arith.constant 0 : index
    tpu.barrier barrier_id(%barrier3A_40)
    %mul3A_41 = arith.constant 640 : i32
    %mul3A_42 = arith.muli %arg1, %mul3A_41 : i32
    %mul3A_43 = arith.constant 2 : i32
    %mul3A_44 = arith.muli %mul3A_43, %arg0 : i32
    %add3A_45 = arith.constant 0 : i32
    %add3A_46 = arith.addi %mul3A_44, %add3A_45 : i32
    %mul3A_47 = arith.constant 10240 : i32
    %mul3A_48 = arith.muli %add3A_46, %mul3A_47 : i32
    %mul3A_49 = arith.constant 640 : i32
    %mul3A_50 = arith.muli %arg1, %mul3A_49 : i32
    %add3A_51 = arith.addi %mul3A_48, %mul3A_50 : i32
    "tpu.region"() ({
      %run_scoped3A = tpu.sem_alloc : memref<!tpu.dma_semaphore, #tpu.memory_space<semaphore_mem>>
      %dma_start3A = arith.constant 0 : i32
      %dma_start3A_97 = tpu.memref_slice %arg5[%add3A_51, %dma_start3A] : memref<40960x80xf32, #tpu.memory_space<hbm>> -> memref<640x80xf32, #tpu.memory_space<hbm>>
      %dma_start3A_98 = arith.constant 0 : i32
      %dma_start3A_99 = tpu.memref_slice %arg14[%mul3A_42, %dma_start3A_98] : memref<10240x80xf32, #tpu.memory_space<vmem_shared>> -> memref<640x80xf32, #tpu.memory_space<vmem_shared>>
      tpu.enqueue_dma source(%dma_start3A_99 : memref<640x80xf32, #tpu.memory_space<vmem_shared>>) target(%dma_start3A_97 : memref<640x80xf32, #tpu.memory_space<hbm>>) target_semaphore(%run_scoped3A : memref<!tpu.dma_semaphore, #tpu.memory_space<semaphore_mem>>)
      %dma_wait3A = arith.constant 0 : i32
      %dma_wait3A_100 = tpu.memref_slice %arg5[%add3A_51, %dma_wait3A] : memref<40960x80xf32, #tpu.memory_space<hbm>> -> memref<640x80xf32, #tpu.memory_space<hbm>>
      %dma_wait3A_101 = arith.constant 0 : i32
      %dma_wait3A_102 = tpu.memref_slice %arg14[%mul3A_42, %dma_wait3A_101] : memref<10240x80xf32, #tpu.memory_space<vmem_shared>> -> memref<640x80xf32, #tpu.memory_space<vmem_shared>>
      tpu.wait_dma2 semaphore(%run_scoped3A : memref<!tpu.dma_semaphore, #tpu.memory_space<semaphore_mem>>) src(%dma_wait3A_102 : memref<640x80xf32, #tpu.memory_space<vmem_shared>>) dst(%dma_wait3A_100 : memref<640x80xf32, #tpu.memory_space<hbm>>)
      tpu.yield
    }) : () -> ()
    %mul3A_52 = arith.constant 640 : i32
    %mul3A_53 = arith.muli %arg1, %mul3A_52 : i32
    %add3A_54 = arith.constant 0 : i32
    %add3A_55 = arith.addi %mul3A_53, %add3A_54 : i32
    "tpu.region"() ({
      %run_scoped3A = tpu.sem_alloc : memref<!tpu.dma_semaphore, #tpu.memory_space<semaphore_mem>>
      %dma_start3A = arith.constant 0 : i32
      %dma_start3A_97 = tpu.memref_slice %arg14[%add3A_55, %dma_start3A] : memref<10240x80xf32, #tpu.memory_space<vmem_shared>> -> memref<128x80xf32, #tpu.memory_space<vmem_shared>>
      %dma_start3A_98 = arith.constant 0 : i32
      %dma_start3A_99 = tpu.memref_slice %arg14[%add3A_55, %dma_start3A_98] : memref<10240x80xf32, #tpu.memory_space<vmem_shared>> -> memref<128x80xf32, #tpu.memory_space<vmem_shared>>
      tpu.enqueue_dma source(%arg13 : memref<128x80xf32, #tpu.memory_space<vmem>>) target(%dma_start3A_99 : memref<128x80xf32, #tpu.memory_space<vmem_shared>>) target_semaphore(%run_scoped3A : memref<!tpu.dma_semaphore, #tpu.memory_space<semaphore_mem>>)
      %dma_wait3A = arith.constant 0 : i32
      %dma_wait3A_100 = tpu.memref_slice %arg14[%add3A_55, %dma_wait3A] : memref<10240x80xf32, #tpu.memory_space<vmem_shared>> -> memref<128x80xf32, #tpu.memory_space<vmem_shared>>
      %dma_wait3A_101 = arith.constant 0 : i32
      %dma_wait3A_102 = tpu.memref_slice %arg14[%add3A_55, %dma_wait3A_101] : memref<10240x80xf32, #tpu.memory_space<vmem_shared>> -> memref<128x80xf32, #tpu.memory_space<vmem_shared>>
      tpu.wait_dma2 semaphore(%run_scoped3A : memref<!tpu.dma_semaphore, #tpu.memory_space<semaphore_mem>>) src(%arg13 : memref<128x80xf32, #tpu.memory_space<vmem>>) dst(%dma_wait3A_102 : memref<128x80xf32, #tpu.memory_space<vmem_shared>>)
      tpu.yield
    }) : () -> ()
    %mul3A_56 = arith.constant 640 : i32
    %mul3A_57 = arith.muli %arg1, %mul3A_56 : i32
    %add3A_58 = arith.constant 128 : i32
    %add3A_59 = arith.addi %mul3A_57, %add3A_58 : i32
    "tpu.region"() ({
      %run_scoped3A = tpu.sem_alloc : memref<!tpu.dma_semaphore, #tpu.memory_space<semaphore_mem>>
      %dma_start3A = arith.constant 0 : i32
      %dma_start3A_97 = tpu.memref_slice %arg14[%add3A_59, %dma_start3A] : memref<10240x80xf32, #tpu.memory_space<vmem_shared>> -> memref<128x80xf32, #tpu.memory_space<vmem_shared>>
      %dma_start3A_98 = arith.constant 0 : i32
      %dma_start3A_99 = tpu.memref_slice %arg14[%add3A_59, %dma_start3A_98] : memref<10240x80xf32, #tpu.memory_space<vmem_shared>> -> memref<128x80xf32, #tpu.memory_space<vmem_shared>>
      tpu.enqueue_dma source(%arg13 : memref<128x80xf32, #tpu.memory_space<vmem>>) target(%dma_start3A_99 : memref<128x80xf32, #tpu.memory_space<vmem_shared>>) target_semaphore(%run_scoped3A : memref<!tpu.dma_semaphore, #tpu.memory_space<semaphore_mem>>)
      %dma_wait3A = arith.constant 0 : i32
      %dma_wait3A_100 = tpu.memref_slice %arg14[%add3A_59, %dma_wait3A] : memref<10240x80xf32, #tpu.memory_space<vmem_shared>> -> memref<128x80xf32, #tpu.memory_space<vmem_shared>>
      %dma_wait3A_101 = arith.constant 0 : i32
      %dma_wait3A_102 = tpu.memref_slice %arg14[%add3A_59, %dma_wait3A_101] : memref<10240x80xf32, #tpu.memory_space<vmem_shared>> -> memref<128x80xf32, #tpu.memory_space<vmem_shared>>
      tpu.wait_dma2 semaphore(%run_scoped3A : memref<!tpu.dma_semaphore, #tpu.memory_space<semaphore_mem>>) src(%arg13 : memref<128x80xf32, #tpu.memory_space<vmem>>) dst(%dma_wait3A_102 : memref<128x80xf32, #tpu.memory_space<vmem_shared>>)
      tpu.yield
    }) : () -> ()
    %mul3A_60 = arith.constant 640 : i32
    %mul3A_61 = arith.muli %arg1, %mul3A_60 : i32
    %add3A_62 = arith.constant 256 : i32
    %add3A_63 = arith.addi %mul3A_61, %add3A_62 : i32
    "tpu.region"() ({
      %run_scoped3A = tpu.sem_alloc : memref<!tpu.dma_semaphore, #tpu.memory_space<semaphore_mem>>
      %dma_start3A = arith.constant 0 : i32
      %dma_start3A_97 = tpu.memref_slice %arg14[%add3A_63, %dma_start3A] : memref<10240x80xf32, #tpu.memory_space<vmem_shared>> -> memref<128x80xf32, #tpu.memory_space<vmem_shared>>
      %dma_start3A_98 = arith.constant 0 : i32
      %dma_start3A_99 = tpu.memref_slice %arg14[%add3A_63, %dma_start3A_98] : memref<10240x80xf32, #tpu.memory_space<vmem_shared>> -> memref<128x80xf32, #tpu.memory_space<vmem_shared>>
      tpu.enqueue_dma source(%arg13 : memref<128x80xf32, #tpu.memory_space<vmem>>) target(%dma_start3A_99 : memref<128x80xf32, #tpu.memory_space<vmem_shared>>) target_semaphore(%run_scoped3A : memref<!tpu.dma_semaphore, #tpu.memory_space<semaphore_mem>>)
      %dma_wait3A = arith.constant 0 : i32
      %dma_wait3A_100 = tpu.memref_slice %arg14[%add3A_63, %dma_wait3A] : memref<10240x80xf32, #tpu.memory_space<vmem_shared>> -> memref<128x80xf32, #tpu.memory_space<vmem_shared>>
      %dma_wait3A_101 = arith.constant 0 : i32
      %dma_wait3A_102 = tpu.memref_slice %arg14[%add3A_63, %dma_wait3A_101] : memref<10240x80xf32, #tpu.memory_space<vmem_shared>> -> memref<128x80xf32, #tpu.memory_space<vmem_shared>>
      tpu.wait_dma2 semaphore(%run_scoped3A : memref<!tpu.dma_semaphore, #tpu.memory_space<semaphore_mem>>) src(%arg13 : memref<128x80xf32, #tpu.memory_space<vmem>>) dst(%dma_wait3A_102 : memref<128x80xf32, #tpu.memory_space<vmem_shared>>)
      tpu.yield
    }) : () -> ()
    %mul3A_64 = arith.constant 640 : i32
    %mul3A_65 = arith.muli %arg1, %mul3A_64 : i32
    %add3A_66 = arith.constant 384 : i32
    %add3A_67 = arith.addi %mul3A_65, %add3A_66 : i32
    "tpu.region"() ({
      %run_scoped3A = tpu.sem_alloc : memref<!tpu.dma_semaphore, #tpu.memory_space<semaphore_mem>>
      %dma_start3A = arith.constant 0 : i32
      %dma_start3A_97 = tpu.memref_slice %arg14[%add3A_67, %dma_start3A] : memref<10240x80xf32, #tpu.memory_space<vmem_shared>> -> memref<128x80xf32, #tpu.memory_space<vmem_shared>>
      %dma_start3A_98 = arith.constant 0 : i32
      %dma_start3A_99 = tpu.memref_slice %arg14[%add3A_67, %dma_start3A_98] : memref<10240x80xf32, #tpu.memory_space<vmem_shared>> -> memref<128x80xf32, #tpu.memory_space<vmem_shared>>
      tpu.enqueue_dma source(%arg13 : memref<128x80xf32, #tpu.memory_space<vmem>>) target(%dma_start3A_99 : memref<128x80xf32, #tpu.memory_space<vmem_shared>>) target_semaphore(%run_scoped3A : memref<!tpu.dma_semaphore, #tpu.memory_space<semaphore_mem>>)
      %dma_wait3A = arith.constant 0 : i32
      %dma_wait3A_100 = tpu.memref_slice %arg14[%add3A_67, %dma_wait3A] : memref<10240x80xf32, #tpu.memory_space<vmem_shared>> -> memref<128x80xf32, #tpu.memory_space<vmem_shared>>
      %dma_wait3A_101 = arith.constant 0 : i32
      %dma_wait3A_102 = tpu.memref_slice %arg14[%add3A_67, %dma_wait3A_101] : memref<10240x80xf32, #tpu.memory_space<vmem_shared>> -> memref<128x80xf32, #tpu.memory_space<vmem_shared>>
      tpu.wait_dma2 semaphore(%run_scoped3A : memref<!tpu.dma_semaphore, #tpu.memory_space<semaphore_mem>>) src(%arg13 : memref<128x80xf32, #tpu.memory_space<vmem>>) dst(%dma_wait3A_102 : memref<128x80xf32, #tpu.memory_space<vmem_shared>>)
      tpu.yield
    }) : () -> ()
    %mul3A_68 = arith.constant 640 : i32
    %mul3A_69 = arith.muli %arg1, %mul3A_68 : i32
    %add3A_70 = arith.constant 512 : i32
    %add3A_71 = arith.addi %mul3A_69, %add3A_70 : i32
    "tpu.region"() ({
      %run_scoped3A = tpu.sem_alloc : memref<!tpu.dma_semaphore, #tpu.memory_space<semaphore_mem>>
      %dma_start3A = arith.constant 0 : i32
      %dma_start3A_97 = tpu.memref_slice %arg14[%add3A_71, %dma_start3A] : memref<10240x80xf32, #tpu.memory_space<vmem_shared>> -> memref<128x80xf32, #tpu.memory_space<vmem_shared>>
      %dma_start3A_98 = arith.constant 0 : i32
      %dma_start3A_99 = tpu.memref_slice %arg14[%add3A_71, %dma_start3A_98] : memref<10240x80xf32, #tpu.memory_space<vmem_shared>> -> memref<128x80xf32, #tpu.memory_space<vmem_shared>>
      tpu.enqueue_dma source(%arg13 : memref<128x80xf32, #tpu.memory_space<vmem>>) target(%dma_start3A_99 : memref<128x80xf32, #tpu.memory_space<vmem_shared>>) target_semaphore(%run_scoped3A : memref<!tpu.dma_semaphore, #tpu.memory_space<semaphore_mem>>)
      %dma_wait3A = arith.constant 0 : i32
      %dma_wait3A_100 = tpu.memref_slice %arg14[%add3A_71, %dma_wait3A] : memref<10240x80xf32, #tpu.memory_space<vmem_shared>> -> memref<128x80xf32, #tpu.memory_space<vmem_shared>>
      %dma_wait3A_101 = arith.constant 0 : i32
      %dma_wait3A_102 = tpu.memref_slice %arg14[%add3A_71, %dma_wait3A_101] : memref<10240x80xf32, #tpu.memory_space<vmem_shared>> -> memref<128x80xf32, #tpu.memory_space<vmem_shared>>
      tpu.wait_dma2 semaphore(%run_scoped3A : memref<!tpu.dma_semaphore, #tpu.memory_space<semaphore_mem>>) src(%arg13 : memref<128x80xf32, #tpu.memory_space<vmem>>) dst(%dma_wait3A_102 : memref<128x80xf32, #tpu.memory_space<vmem_shared>>)
      tpu.yield
    }) : () -> ()
    %barrier3A_72 = arith.constant 0 : index
    tpu.barrier barrier_id(%barrier3A_72)
    %mul3A_73 = arith.constant 2 : i32
    %mul3A_74 = arith.muli %mul3A_73, %arg0 : i32
    %add3A_75 = arith.constant 1 : i32
    %add3A_76 = arith.addi %mul3A_74, %add3A_75 : i32
    %mul3A_77 = arith.constant 10000 : i32
    %mul3A_78 = arith.muli %add3A_76, %mul3A_77 : i32
    %scan3A_79 = arith.constant 0 : i32
    %scan3A_80 = arith.constant 0 : i32
    %scan3A_81 = arith.constant 250 : i32
    %scan3A_82 = arith.addi %scan3A_80, %scan3A_81 : i32
    %scan3A_83 = arith.constant 1 : i32
    scf.for %scan3A_97 = %scan3A_80 to %scan3A_82 step %scan3A_83  : i32 {
      %mul3A_98 = arith.constant 20000 : i32
      %mul3A_99 = arith.muli %arg1, %mul3A_98 : i32
      %mul3A_100 = arith.constant 80 : i32
      %mul3A_101 = arith.muli %scan3A_97, %mul3A_100 : i32
      %add3A_102 = arith.addi %mul3A_99, %mul3A_101 : i32
      "tpu.region"() ({
        %run_scoped3A = tpu.sem_alloc : memref<!tpu.dma_semaphore, #tpu.memory_space<semaphore_mem>>
        %dma_start3A_207 = tpu.memref_slice %arg3[%add3A_102] : memref<320000xi32, #tpu.memory_space<hbm>> -> memref<80xi32, #tpu.memory_space<hbm>>
        %dma_start3A_208 = tpu.memref_slice %arg3[%add3A_102] : memref<320000xi32, #tpu.memory_space<hbm>> -> memref<80xi32, #tpu.memory_space<hbm>>
        tpu.enqueue_dma source(%dma_start3A_208 : memref<80xi32, #tpu.memory_space<hbm>>) target(%arg6 : memref<80xi32, #tpu.memory_space<vmem>>) target_semaphore(%run_scoped3A : memref<!tpu.dma_semaphore, #tpu.memory_space<semaphore_mem>>)
        %dma_wait3A_209 = tpu.memref_slice %arg3[%add3A_102] : memref<320000xi32, #tpu.memory_space<hbm>> -> memref<80xi32, #tpu.memory_space<hbm>>
        %dma_wait3A_210 = tpu.memref_slice %arg3[%add3A_102] : memref<320000xi32, #tpu.memory_space<hbm>> -> memref<80xi32, #tpu.memory_space<hbm>>
        tpu.wait_dma2 semaphore(%run_scoped3A : memref<!tpu.dma_semaphore, #tpu.memory_space<semaphore_mem>>) src(%dma_wait3A_210 : memref<80xi32, #tpu.memory_space<hbm>>) dst(%arg6 : memref<80xi32, #tpu.memory_space<vmem>>)
        tpu.yield
      }) : () -> ()
      "tpu.region"() ({
        %run_scoped3A = tpu.sem_alloc : memref<!tpu.dma_semaphore, #tpu.memory_space<semaphore_mem>>
        %dma_start3A_207 = tpu.memref_slice %arg4[%add3A_102] : memref<320000xi32, #tpu.memory_space<hbm>> -> memref<80xi32, #tpu.memory_space<hbm>>
        %dma_start3A_208 = tpu.memref_slice %arg4[%add3A_102] : memref<320000xi32, #tpu.memory_space<hbm>> -> memref<80xi32, #tpu.memory_space<hbm>>
        tpu.enqueue_dma source(%dma_start3A_208 : memref<80xi32, #tpu.memory_space<hbm>>) target(%arg7 : memref<80xi32, #tpu.memory_space<vmem>>) target_semaphore(%run_scoped3A : memref<!tpu.dma_semaphore, #tpu.memory_space<semaphore_mem>>)
        %dma_wait3A_209 = tpu.memref_slice %arg4[%add3A_102] : memref<320000xi32, #tpu.memory_space<hbm>> -> memref<80xi32, #tpu.memory_space<hbm>>
        %dma_wait3A_210 = tpu.memref_slice %arg4[%add3A_102] : memref<320000xi32, #tpu.memory_space<hbm>> -> memref<80xi32, #tpu.memory_space<hbm>>
        tpu.wait_dma2 semaphore(%run_scoped3A : memref<!tpu.dma_semaphore, #tpu.memory_space<semaphore_mem>>) src(%dma_wait3A_210 : memref<80xi32, #tpu.memory_space<hbm>>) dst(%arg7 : memref<80xi32, #tpu.memory_space<vmem>>)
        tpu.yield
      }) : () -> ()
      %get3A = arith.constant 0 : index
      %get3A_103 = tpu.vector_load %arg6[%get3A] {strides = array<i32>} : memref<80xi32, #tpu.memory_space<vmem>>, vector<16xi32>,
      %get3A_104 = vector.shape_cast %get3A_103 : vector<16xi32> to vector<16xi32>
      %add3A_105 = vector.broadcast %mul3A_78 : i32 to vector<16xi32>
      %add3A_106 = arith.addi %get3A_104, %add3A_105 : vector<16xi32>
      %swap3A = arith.constant 0 : index
      %swap3A_107 = tpu.vector_load %arg8[%swap3A] {strides = array<i32>} : memref<80xi32, #tpu.memory_space<vmem>>, vector<16xi32>,
      %swap3A_108 = vector.shape_cast %swap3A_107 : vector<16xi32> to vector<16xi32>
      %swap3A_109 = vector.shape_cast %add3A_106 : vector<16xi32> to vector<16xi32>
      tpu.vector_store %arg8[%swap3A], %swap3A_109 {strides = array<i32>} : memref<80xi32, #tpu.memory_space<vmem>>, vector<16xi32>,
      %get3A_110 = arith.constant 0 : index
      %get3A_111 = tpu.vector_load %arg7[%get3A_110] {strides = array<i32>} : memref<80xi32, #tpu.memory_space<vmem>>, vector<16xi32>,
      %get3A_112 = vector.shape_cast %get3A_111 : vector<16xi32> to vector<16xi32>
      %add3A_113 = vector.broadcast %mul3A_78 : i32 to vector<16xi32>
      %add3A_114 = arith.addi %get3A_112, %add3A_113 : vector<16xi32>
      %swap3A_115 = arith.constant 0 : index
      %swap3A_116 = tpu.vector_load %arg9[%swap3A_115] {strides = array<i32>} : memref<80xi32, #tpu.memory_space<vmem>>, vector<16xi32>,
      %swap3A_117 = vector.shape_cast %swap3A_116 : vector<16xi32> to vector<16xi32>
      %swap3A_118 = vector.shape_cast %add3A_114 : vector<16xi32> to vector<16xi32>
      tpu.vector_store %arg9[%swap3A_115], %swap3A_118 {strides = array<i32>} : memref<80xi32, #tpu.memory_space<vmem>>, vector<16xi32>,
      %get3A_119 = arith.constant 16 : index
      %get3A_120 = tpu.vector_load %arg6[%get3A_119] {strides = array<i32>} : memref<80xi32, #tpu.memory_space<vmem>>, vector<16xi32>,
      %get3A_121 = vector.shape_cast %get3A_120 : vector<16xi32> to vector<16xi32>
      %add3A_122 = vector.broadcast %mul3A_78 : i32 to vector<16xi32>
      %add3A_123 = arith.addi %get3A_121, %add3A_122 : vector<16xi32>
      %swap3A_124 = arith.constant 16 : index
      %swap3A_125 = tpu.vector_load %arg8[%swap3A_124] {strides = array<i32>} : memref<80xi32, #tpu.memory_space<vmem>>, vector<16xi32>,
      %swap3A_126 = vector.shape_cast %swap3A_125 : vector<16xi32> to vector<16xi32>
      %swap3A_127 = vector.shape_cast %add3A_123 : vector<16xi32> to vector<16xi32>
      tpu.vector_store %arg8[%swap3A_124], %swap3A_127 {strides = array<i32>} : memref<80xi32, #tpu.memory_space<vmem>>, vector<16xi32>,
      %get3A_128 = arith.constant 16 : index
      %get3A_129 = tpu.vector_load %arg7[%get3A_128] {strides = array<i32>} : memref<80xi32, #tpu.memory_space<vmem>>, vector<16xi32>,
      %get3A_130 = vector.shape_cast %get3A_129 : vector<16xi32> to vector<16xi32>
      %add3A_131 = vector.broadcast %mul3A_78 : i32 to vector<16xi32>
      %add3A_132 = arith.addi %get3A_130, %add3A_131 : vector<16xi32>
      %swap3A_133 = arith.constant 16 : index
      %swap3A_134 = tpu.vector_load %arg9[%swap3A_133] {strides = array<i32>} : memref<80xi32, #tpu.memory_space<vmem>>, vector<16xi32>,
      %swap3A_135 = vector.shape_cast %swap3A_134 : vector<16xi32> to vector<16xi32>
      %swap3A_136 = vector.shape_cast %add3A_132 : vector<16xi32> to vector<16xi32>
      tpu.vector_store %arg9[%swap3A_133], %swap3A_136 {strides = array<i32>} : memref<80xi32, #tpu.memory_space<vmem>>, vector<16xi32>,
      %get3A_137 = arith.constant 32 : index
      %get3A_138 = tpu.vector_load %arg6[%get3A_137] {strides = array<i32>} : memref<80xi32, #tpu.memory_space<vmem>>, vector<16xi32>,
      %get3A_139 = vector.shape_cast %get3A_138 : vector<16xi32> to vector<16xi32>
      %add3A_140 = vector.broadcast %mul3A_78 : i32 to vector<16xi32>
      %add3A_141 = arith.addi %get3A_139, %add3A_140 : vector<16xi32>
      %swap3A_142 = arith.constant 32 : index
      %swap3A_143 = tpu.vector_load %arg8[%swap3A_142] {strides = array<i32>} : memref<80xi32, #tpu.memory_space<vmem>>, vector<16xi32>,
      %swap3A_144 = vector.shape_cast %swap3A_143 : vector<16xi32> to vector<16xi32>
      %swap3A_145 = vector.shape_cast %add3A_141 : vector<16xi32> to vector<16xi32>
      tpu.vector_store %arg8[%swap3A_142], %swap3A_145 {strides = array<i32>} : memref<80xi32, #tpu.memory_space<vmem>>, vector<16xi32>,
      %get3A_146 = arith.constant 32 : index
      %get3A_147 = tpu.vector_load %arg7[%get3A_146] {strides = array<i32>} : memref<80xi32, #tpu.memory_space<vmem>>, vector<16xi32>,
      %get3A_148 = vector.shape_cast %get3A_147 : vector<16xi32> to vector<16xi32>
      %add3A_149 = vector.broadcast %mul3A_78 : i32 to vector<16xi32>
      %add3A_150 = arith.addi %get3A_148, %add3A_149 : vector<16xi32>
      %swap3A_151 = arith.constant 32 : index
      %swap3A_152 = tpu.vector_load %arg9[%swap3A_151] {strides = array<i32>} : memref<80xi32, #tpu.memory_space<vmem>>, vector<16xi32>,
      %swap3A_153 = vector.shape_cast %swap3A_152 : vector<16xi32> to vector<16xi32>
      %swap3A_154 = vector.shape_cast %add3A_150 : vector<16xi32> to vector<16xi32>
      tpu.vector_store %arg9[%swap3A_151], %swap3A_154 {strides = array<i32>} : memref<80xi32, #tpu.memory_space<vmem>>, vector<16xi32>,
      %get3A_155 = arith.constant 48 : index
      %get3A_156 = tpu.vector_load %arg6[%get3A_155] {strides = array<i32>} : memref<80xi32, #tpu.memory_space<vmem>>, vector<16xi32>,
      %get3A_157 = vector.shape_cast %get3A_156 : vector<16xi32> to vector<16xi32>
      %add3A_158 = vector.broadcast %mul3A_78 : i32 to vector<16xi32>
      %add3A_159 = arith.addi %get3A_157, %add3A_158 : vector<16xi32>
      %swap3A_160 = arith.constant 48 : index
      %swap3A_161 = tpu.vector_load %arg8[%swap3A_160] {strides = array<i32>} : memref<80xi32, #tpu.memory_space<vmem>>, vector<16xi32>,
      %swap3A_162 = vector.shape_cast %swap3A_161 : vector<16xi32> to vector<16xi32>
      %swap3A_163 = vector.shape_cast %add3A_159 : vector<16xi32> to vector<16xi32>
      tpu.vector_store %arg8[%swap3A_160], %swap3A_163 {strides = array<i32>} : memref<80xi32, #tpu.memory_space<vmem>>, vector<16xi32>,
      %get3A_164 = arith.constant 48 : index
      %get3A_165 = tpu.vector_load %arg7[%get3A_164] {strides = array<i32>} : memref<80xi32, #tpu.memory_space<vmem>>, vector<16xi32>,
      %get3A_166 = vector.shape_cast %get3A_165 : vector<16xi32> to vector<16xi32>
      %add3A_167 = vector.broadcast %mul3A_78 : i32 to vector<16xi32>
      %add3A_168 = arith.addi %get3A_166, %add3A_167 : vector<16xi32>
      %swap3A_169 = arith.constant 48 : index
      %swap3A_170 = tpu.vector_load %arg9[%swap3A_169] {strides = array<i32>} : memref<80xi32, #tpu.memory_space<vmem>>, vector<16xi32>,
      %swap3A_171 = vector.shape_cast %swap3A_170 : vector<16xi32> to vector<16xi32>
      %swap3A_172 = vector.shape_cast %add3A_168 : vector<16xi32> to vector<16xi32>
      tpu.vector_store %arg9[%swap3A_169], %swap3A_172 {strides = array<i32>} : memref<80xi32, #tpu.memory_space<vmem>>, vector<16xi32>,
      %get3A_173 = arith.constant 64 : index
      %get3A_174 = tpu.vector_load %arg6[%get3A_173] {strides = array<i32>} : memref<80xi32, #tpu.memory_space<vmem>>, vector<16xi32>,
      %get3A_175 = vector.shape_cast %get3A_174 : vector<16xi32> to vector<16xi32>
      %add3A_176 = vector.broadcast %mul3A_78 : i32 to vector<16xi32>
      %add3A_177 = arith.addi %get3A_175, %add3A_176 : vector<16xi32>
      %swap3A_178 = arith.constant 64 : index
      %swap3A_179 = tpu.vector_load %arg8[%swap3A_178] {strides = array<i32>} : memref<80xi32, #tpu.memory_space<vmem>>, vector<16xi32>,
      %swap3A_180 = vector.shape_cast %swap3A_179 : vector<16xi32> to vector<16xi32>
      %swap3A_181 = vector.shape_cast %add3A_177 : vector<16xi32> to vector<16xi32>
      tpu.vector_store %arg8[%swap3A_178], %swap3A_181 {strides = array<i32>} : memref<80xi32, #tpu.memory_space<vmem>>, vector<16xi32>,
      %get3A_182 = arith.constant 64 : index
      %get3A_183 = tpu.vector_load %arg7[%get3A_182] {strides = array<i32>} : memref<80xi32, #tpu.memory_space<vmem>>, vector<16xi32>,
      %get3A_184 = vector.shape_cast %get3A_183 : vector<16xi32> to vector<16xi32>
      %add3A_185 = vector.broadcast %mul3A_78 : i32 to vector<16xi32>
      %add3A_186 = arith.addi %get3A_184, %add3A_185 : vector<16xi32>
      %swap3A_187 = arith.constant 64 : index
      %swap3A_188 = tpu.vector_load %arg9[%swap3A_187] {strides = array<i32>} : memref<80xi32, #tpu.memory_space<vmem>>, vector<16xi32>,
      %swap3A_189 = vector.shape_cast %swap3A_188 : vector<16xi32> to vector<16xi32>
      %swap3A_190 = vector.shape_cast %add3A_186 : vector<16xi32> to vector<16xi32>
      tpu.vector_store %arg9[%swap3A_187], %swap3A_190 {strides = array<i32>} : memref<80xi32, #tpu.memory_space<vmem>>, vector<16xi32>,
      %dma_start3A = arith.constant 0 : i32
      %dma_start3A_191 = arith.constant 0 : i32
      %dma_start3A_192 = tpu.memref_slice %arg2[%dma_start3A, %dma_start3A_191] : memref<40000x64xf32, #tpu.memory_space<hbm>> -> memref<40000x64xf32, #tpu.memory_space<hbm>>
      tpu.enqueue_indirect_dma source(%dma_start3A_192 : memref<40000x64xf32, #tpu.memory_space<hbm>>) target(%arg10 : memref<80x64xf32, #tpu.memory_space<vmem>>) offsets(%arg8 : memref<80xi32, #tpu.memory_space<vmem>>) semaphore(%arg15 : memref<!tpu.dma_semaphore, #tpu.memory_space<semaphore_mem>>)
      %dma_start3A_193 = arith.constant 0 : i32
      %dma_start3A_194 = arith.constant 0 : i32
      %dma_start3A_195 = tpu.memref_slice %arg2[%dma_start3A_193, %dma_start3A_194] : memref<40000x64xf32, #tpu.memory_space<hbm>> -> memref<40000x64xf32, #tpu.memory_space<hbm>>
      tpu.enqueue_indirect_dma source(%dma_start3A_195 : memref<40000x64xf32, #tpu.memory_space<hbm>>) target(%arg11 : memref<80x64xf32, #tpu.memory_space<vmem>>) offsets(%arg9 : memref<80xi32, #tpu.memory_space<vmem>>) semaphore(%arg16 : memref<!tpu.dma_semaphore, #tpu.memory_space<semaphore_mem>>)
      %dma_wait3A = arith.constant 0 : i32
      %dma_wait3A_196 = arith.constant 0 : i32
      %dma_wait3A_197 = tpu.memref_slice %arg2[%dma_wait3A, %dma_wait3A_196] : memref<40000x64xf32, #tpu.memory_space<hbm>> -> memref<40000x64xf32, #tpu.memory_space<hbm>>
      tpu.wait_indirect_dma semaphore(%arg15 : memref<!tpu.dma_semaphore, #tpu.memory_space<semaphore_mem>>) src(%dma_wait3A_197 : memref<40000x64xf32, #tpu.memory_space<hbm>>) dst(%arg10 : memref<80x64xf32, #tpu.memory_space<vmem>>)
      %dma_wait3A_198 = arith.constant 0 : i32
      %dma_wait3A_199 = arith.constant 0 : i32
      %dma_wait3A_200 = tpu.memref_slice %arg2[%dma_wait3A_198, %dma_wait3A_199] : memref<40000x64xf32, #tpu.memory_space<hbm>> -> memref<40000x64xf32, #tpu.memory_space<hbm>>
      tpu.wait_indirect_dma semaphore(%arg16 : memref<!tpu.dma_semaphore, #tpu.memory_space<semaphore_mem>>) src(%dma_wait3A_200 : memref<40000x64xf32, #tpu.memory_space<hbm>>) dst(%arg11 : memref<80x64xf32, #tpu.memory_space<vmem>>)
      %scan3A_201 = arith.constant 0 : i32
      %scan3A_202 = arith.constant 0 : i32
      %scan3A_203 = arith.constant 80 : i32
      %scan3A_204 = arith.addi %scan3A_202, %scan3A_203 : i32
      %scan3A_205 = arith.constant 1 : i32
      scf.for %scan3A_207 = %scan3A_202 to %scan3A_204 step %scan3A_205  : i32 {
        %get3A_208 = arith.index_cast %scan3A_207 : i32 to index
        %get3A_209 = arith.constant 0 : index
        %get3A_210 = tpu.vector_load %arg10[%get3A_208, %get3A_209] {strides = array<i32>} : memref<80x64xf32, #tpu.memory_space<vmem>>, vector<1x16xf32>,
        %get3A_211 = vector.shape_cast %get3A_210 : vector<1x16xf32> to vector<16xf32>
        %get3A_212 = arith.index_cast %scan3A_207 : i32 to index
        %get3A_213 = arith.constant 0 : index
        %get3A_214 = tpu.vector_load %arg11[%get3A_212, %get3A_213] {strides = array<i32>} : memref<80x64xf32, #tpu.memory_space<vmem>>, vector<1x16xf32>,
        %get3A_215 = vector.shape_cast %get3A_214 : vector<1x16xf32> to vector<16xf32>
        %mul3A_216 = arith.mulf %get3A_211, %get3A_215 : vector<16xf32>
        %get3A_217 = arith.index_cast %scan3A_207 : i32 to index
        %get3A_218 = arith.constant 16 : index
        %get3A_219 = tpu.vector_load %arg10[%get3A_217, %get3A_218] {strides = array<i32>} : memref<80x64xf32, #tpu.memory_space<vmem>>, vector<1x16xf32>,
        %get3A_220 = vector.shape_cast %get3A_219 : vector<1x16xf32> to vector<16xf32>
        %get3A_221 = arith.index_cast %scan3A_207 : i32 to index
        %get3A_222 = arith.constant 16 : index
        %get3A_223 = tpu.vector_load %arg11[%get3A_221, %get3A_222] {strides = array<i32>} : memref<80x64xf32, #tpu.memory_space<vmem>>, vector<1x16xf32>,
        %get3A_224 = vector.shape_cast %get3A_223 : vector<1x16xf32> to vector<16xf32>
        %mul3A_225 = arith.mulf %get3A_220, %get3A_224 : vector<16xf32>
        %add3A_226 = arith.addf %mul3A_216, %mul3A_225 : vector<16xf32>
        %get3A_227 = arith.index_cast %scan3A_207 : i32 to index
        %get3A_228 = arith.constant 32 : index
        %get3A_229 = tpu.vector_load %arg10[%get3A_227, %get3A_228] {strides = array<i32>} : memref<80x64xf32, #tpu.memory_space<vmem>>, vector<1x16xf32>,
        %get3A_230 = vector.shape_cast %get3A_229 : vector<1x16xf32> to vector<16xf32>
        %get3A_231 = arith.index_cast %scan3A_207 : i32 to index
        %get3A_232 = arith.constant 32 : index
        %get3A_233 = tpu.vector_load %arg11[%get3A_231, %get3A_232] {strides = array<i32>} : memref<80x64xf32, #tpu.memory_space<vmem>>, vector<1x16xf32>,
        %get3A_234 = vector.shape_cast %get3A_233 : vector<1x16xf32> to vector<16xf32>
        %mul3A_235 = arith.mulf %get3A_230, %get3A_234 : vector<16xf32>
        %add3A_236 = arith.addf %add3A_226, %mul3A_235 : vector<16xf32>
        %get3A_237 = arith.index_cast %scan3A_207 : i32 to index
        %get3A_238 = arith.constant 48 : index
        %get3A_239 = tpu.vector_load %arg10[%get3A_237, %get3A_238] {strides = array<i32>} : memref<80x64xf32, #tpu.memory_space<vmem>>, vector<1x16xf32>,
        %get3A_240 = vector.shape_cast %get3A_239 : vector<1x16xf32> to vector<16xf32>
        %get3A_241 = arith.index_cast %scan3A_207 : i32 to index
        %get3A_242 = arith.constant 48 : index
        %get3A_243 = tpu.vector_load %arg11[%get3A_241, %get3A_242] {strides = array<i32>} : memref<80x64xf32, #tpu.memory_space<vmem>>, vector<1x16xf32>,
        %get3A_244 = vector.shape_cast %get3A_243 : vector<1x16xf32> to vector<16xf32>
        %mul3A_245 = arith.mulf %get3A_240, %get3A_244 : vector<16xf32>
        %add3A_246 = arith.addf %add3A_236, %mul3A_245 : vector<16xf32>
        %iota3A_247 = tpu.iota {dimensions = array<i32: 0>} : vector<16xi32>
        %xor3A = arith.constant 1 : i32
        %xor3A_248 = vector.broadcast %xor3A : i32 to vector<16xi32>
        %xor3A_249 = arith.xori %iota3A_247, %xor3A_248 : vector<16xi32>
        %reshape3A = vector.shape_cast %xor3A_249 : vector<16xi32> to vector<16x1xi32>
        %gather3A = vector.shape_cast %reshape3A : vector<16x1xi32> to vector<16xi32>
        %gather3A_250 = tpu.dynamic_gather %add3A_246[%gather3A] in [0] : vector<16xf32>, vector<16xi32> -> vector<16xf32>
        %add3A_251 = arith.addf %add3A_246, %gather3A_250 : vector<16xf32>
        %xor3A_252 = arith.constant 2 : i32
        %xor3A_253 = vector.broadcast %xor3A_252 : i32 to vector<16xi32>
        %xor3A_254 = arith.xori %iota3A_247, %xor3A_253 : vector<16xi32>
        %reshape3A_255 = vector.shape_cast %xor3A_254 : vector<16xi32> to vector<16x1xi32>
        %gather3A_256 = vector.shape_cast %reshape3A_255 : vector<16x1xi32> to vector<16xi32>
        %gather3A_257 = tpu.dynamic_gather %add3A_251[%gather3A_256] in [0] : vector<16xf32>, vector<16xi32> -> vector<16xf32>
        %add3A_258 = arith.addf %add3A_251, %gather3A_257 : vector<16xf32>
        %xor3A_259 = arith.constant 4 : i32
        %xor3A_260 = vector.broadcast %xor3A_259 : i32 to vector<16xi32>
        %xor3A_261 = arith.xori %iota3A_247, %xor3A_260 : vector<16xi32>
        %reshape3A_262 = vector.shape_cast %xor3A_261 : vector<16xi32> to vector<16x1xi32>
        %gather3A_263 = vector.shape_cast %reshape3A_262 : vector<16x1xi32> to vector<16xi32>
        %gather3A_264 = tpu.dynamic_gather %add3A_258[%gather3A_263] in [0] : vector<16xf32>, vector<16xi32> -> vector<16xf32>
        %add3A_265 = arith.addf %add3A_258, %gather3A_264 : vector<16xf32>
        %xor3A_266 = arith.constant 8 : i32
        %xor3A_267 = vector.broadcast %xor3A_266 : i32 to vector<16xi32>
        %xor3A_268 = arith.xori %iota3A_247, %xor3A_267 : vector<16xi32>
        %reshape3A_269 = vector.shape_cast %xor3A_268 : vector<16xi32> to vector<16x1xi32>
        %gather3A_270 = vector.shape_cast %reshape3A_269 : vector<16x1xi32> to vector<16xi32>
        %gather3A_271 = tpu.dynamic_gather %add3A_265[%gather3A_270] in [0] : vector<16xf32>, vector<16xi32> -> vector<16xf32>
        %add3A_272 = arith.addf %add3A_265, %gather3A_271 : vector<16xf32>
        %mul3A_273 = arith.constant 1.250000e-01 : f32
        %mul3A_274 = vector.broadcast %mul3A_273 : f32 to vector<16xf32>
        %mul3A_275 = arith.mulf %add3A_272, %mul3A_274 : vector<16xf32>
        %exp3A = math.exp %mul3A_275 : vector<16xf32>
        %get3A_276 = arith.index_cast %scan3A_207 : i32 to index
        %get3A_277 = arith.constant 0 : index
        %get3A_278 = tpu.vector_load %arg10[%get3A_276, %get3A_277] {strides = array<i32>} : memref<80x64xf32, #tpu.memory_space<vmem>>, vector<1x16xf32>,
        %get3A_279 = vector.shape_cast %get3A_278 : vector<1x16xf32> to vector<16xf32>
        %mul3A_280 = arith.mulf %exp3A, %get3A_279 : vector<16xf32>
        %swap3A_281 = arith.index_cast %scan3A_207 : i32 to index
        %swap3A_282 = arith.constant 0 : index
        %swap3A_283 = tpu.vector_load %arg12[%swap3A_281, %swap3A_282] {strides = array<i32>} : memref<80x80xf32, #tpu.memory_space<vmem>>, vector<1x16xf32>,
        %swap3A_284 = vector.shape_cast %swap3A_283 : vector<1x16xf32> to vector<16xf32>
        %swap3A_285 = vector.shape_cast %mul3A_280 : vector<16xf32> to vector<1x16xf32>
        tpu.vector_store %arg12[%swap3A_281, %swap3A_282], %swap3A_285 {strides = array<i32>} : memref<80x80xf32, #tpu.memory_space<vmem>>, vector<1x16xf32>,
        %get3A_286 = arith.index_cast %scan3A_207 : i32 to index
        %get3A_287 = arith.constant 16 : index
        %get3A_288 = tpu.vector_load %arg10[%get3A_286, %get3A_287] {strides = array<i32>} : memref<80x64xf32, #tpu.memory_space<vmem>>, vector<1x16xf32>,
        %get3A_289 = vector.shape_cast %get3A_288 : vector<1x16xf32> to vector<16xf32>
        %mul3A_290 = arith.mulf %exp3A, %get3A_289 : vector<16xf32>
        %swap3A_291 = arith.index_cast %scan3A_207 : i32 to index
        %swap3A_292 = arith.constant 16 : index
        %swap3A_293 = tpu.vector_load %arg12[%swap3A_291, %swap3A_292] {strides = array<i32>} : memref<80x80xf32, #tpu.memory_space<vmem>>, vector<1x16xf32>,
        %swap3A_294 = vector.shape_cast %swap3A_293 : vector<1x16xf32> to vector<16xf32>
        %swap3A_295 = vector.shape_cast %mul3A_290 : vector<16xf32> to vector<1x16xf32>
        tpu.vector_store %arg12[%swap3A_291, %swap3A_292], %swap3A_295 {strides = array<i32>} : memref<80x80xf32, #tpu.memory_space<vmem>>, vector<1x16xf32>,
        %get3A_296 = arith.index_cast %scan3A_207 : i32 to index
        %get3A_297 = arith.constant 32 : index
        %get3A_298 = tpu.vector_load %arg10[%get3A_296, %get3A_297] {strides = array<i32>} : memref<80x64xf32, #tpu.memory_space<vmem>>, vector<1x16xf32>,
        %get3A_299 = vector.shape_cast %get3A_298 : vector<1x16xf32> to vector<16xf32>
        %mul3A_300 = arith.mulf %exp3A, %get3A_299 : vector<16xf32>
        %swap3A_301 = arith.index_cast %scan3A_207 : i32 to index
        %swap3A_302 = arith.constant 32 : index
        %swap3A_303 = tpu.vector_load %arg12[%swap3A_301, %swap3A_302] {strides = array<i32>} : memref<80x80xf32, #tpu.memory_space<vmem>>, vector<1x16xf32>,
        %swap3A_304 = vector.shape_cast %swap3A_303 : vector<1x16xf32> to vector<16xf32>
        %swap3A_305 = vector.shape_cast %mul3A_300 : vector<16xf32> to vector<1x16xf32>
        tpu.vector_store %arg12[%swap3A_301, %swap3A_302], %swap3A_305 {strides = array<i32>} : memref<80x80xf32, #tpu.memory_space<vmem>>, vector<1x16xf32>,
        %get3A_306 = arith.index_cast %scan3A_207 : i32 to index
        %get3A_307 = arith.constant 48 : index
        %get3A_308 = tpu.vector_load %arg10[%get3A_306, %get3A_307] {strides = array<i32>} : memref<80x64xf32, #tpu.memory_space<vmem>>, vector<1x16xf32>,
        %get3A_309 = vector.shape_cast %get3A_308 : vector<1x16xf32> to vector<16xf32>
        %mul3A_310 = arith.mulf %exp3A, %get3A_309 : vector<16xf32>
        %swap3A_311 = arith.index_cast %scan3A_207 : i32 to index
        %swap3A_312 = arith.constant 48 : index
        %swap3A_313 = tpu.vector_load %arg12[%swap3A_311, %swap3A_312] {strides = array<i32>} : memref<80x80xf32, #tpu.memory_space<vmem>>, vector<1x16xf32>,
        %swap3A_314 = vector.shape_cast %swap3A_313 : vector<1x16xf32> to vector<16xf32>
        %swap3A_315 = vector.shape_cast %mul3A_310 : vector<16xf32> to vector<1x16xf32>
        tpu.vector_store %arg12[%swap3A_311, %swap3A_312], %swap3A_315 {strides = array<i32>} : memref<80x80xf32, #tpu.memory_space<vmem>>, vector<1x16xf32>,
        %select_n3A = arith.select %eq3A_25, %exp3A, %broadcast_in_dim3A_27 : vector<16xi1>, vector<16xf32>
        %swap3A_316 = arith.index_cast %scan3A_207 : i32 to index
        %swap3A_317 = arith.constant 64 : index
        %swap3A_318 = tpu.vector_load %arg12[%swap3A_316, %swap3A_317] {strides = array<i32>} : memref<80x80xf32, #tpu.memory_space<vmem>>, vector<1x16xf32>,
        %swap3A_319 = vector.shape_cast %swap3A_318 : vector<1x16xf32> to vector<16xf32>
        %swap3A_320 = vector.shape_cast %select_n3A : vector<16xf32> to vector<1x16xf32>
        tpu.vector_store %arg12[%swap3A_316, %swap3A_317], %swap3A_320 {strides = array<i32>} : memref<80x80xf32, #tpu.memory_space<vmem>>, vector<1x16xf32>,
      }
      %scan3A_206 = arith.constant 80 : i32
      "tpu.region"() ({
        %run_scoped3A = tpu.sem_alloc : memref<!tpu.dma_semaphore, #tpu.memory_space<semaphore_mem>>
        %dma_start3A_207 = arith.constant 0 : i32
        %dma_start3A_208 = arith.constant 0 : i32
        %dma_start3A_209 = tpu.memref_slice %arg14[%dma_start3A_207, %dma_start3A_208] : memref<10240x80xf32, #tpu.memory_space<vmem_shared>> -> memref<10240x80xf32, #tpu.memory_space<vmem_shared>>
        tpu.enqueue_indirect_dma source(%arg12 : memref<80x80xf32, #tpu.memory_space<vmem>>) target(%dma_start3A_209 : memref<10240x80xf32, #tpu.memory_space<vmem_shared>>) offsets(%arg7 : memref<80xi32, #tpu.memory_space<vmem>>) semaphore(%run_scoped3A : memref<!tpu.dma_semaphore, #tpu.memory_space<semaphore_mem>>) {add = true}
        %dma_wait3A_210 = arith.constant 0 : i32
        %dma_wait3A_211 = arith.constant 0 : i32
        %dma_wait3A_212 = tpu.memref_slice %arg14[%dma_wait3A_210, %dma_wait3A_211] : memref<10240x80xf32, #tpu.memory_space<vmem_shared>> -> memref<10240x80xf32, #tpu.memory_space<vmem_shared>>
        tpu.wait_indirect_dma semaphore(%run_scoped3A : memref<!tpu.dma_semaphore, #tpu.memory_space<semaphore_mem>>) src(%arg12 : memref<80x80xf32, #tpu.memory_space<vmem>>) dst(%dma_wait3A_212 : memref<10240x80xf32, #tpu.memory_space<vmem_shared>>)
        tpu.yield
      }) : () -> ()
    }
    %scan3A_84 = arith.constant 250 : i32
    %barrier3A_85 = arith.constant 0 : index
    tpu.barrier barrier_id(%barrier3A_85)
    %mul3A_86 = arith.constant 640 : i32
    %mul3A_87 = arith.muli %arg1, %mul3A_86 : i32
    %mul3A_88 = arith.constant 2 : i32
    %mul3A_89 = arith.muli %mul3A_88, %arg0 : i32
    %add3A_90 = arith.constant 1 : i32
    %add3A_91 = arith.addi %mul3A_89, %add3A_90 : i32
    %mul3A_92 = arith.constant 10240 : i32
    %mul3A_93 = arith.muli %add3A_91, %mul3A_92 : i32
    %mul3A_94 = arith.constant 640 : i32
    %mul3A_95 = arith.muli %arg1, %mul3A_94 : i32
    %add3A_96 = arith.addi %mul3A_93, %mul3A_95 : i32
    "tpu.region"() ({
      %run_scoped3A = tpu.sem_alloc : memref<!tpu.dma_semaphore, #tpu.memory_space<semaphore_mem>>
      %dma_start3A = arith.constant 0 : i32
      %dma_start3A_97 = tpu.memref_slice %arg5[%add3A_96, %dma_start3A] : memref<40960x80xf32, #tpu.memory_space<hbm>> -> memref<640x80xf32, #tpu.memory_space<hbm>>
      %dma_start3A_98 = arith.constant 0 : i32
      %dma_start3A_99 = tpu.memref_slice %arg14[%mul3A_87, %dma_start3A_98] : memref<10240x80xf32, #tpu.memory_space<vmem_shared>> -> memref<640x80xf32, #tpu.memory_space<vmem_shared>>
      tpu.enqueue_dma source(%dma_start3A_99 : memref<640x80xf32, #tpu.memory_space<vmem_shared>>) target(%dma_start3A_97 : memref<640x80xf32, #tpu.memory_space<hbm>>) target_semaphore(%run_scoped3A : memref<!tpu.dma_semaphore, #tpu.memory_space<semaphore_mem>>)
      %dma_wait3A = arith.constant 0 : i32
      %dma_wait3A_100 = tpu.memref_slice %arg5[%add3A_96, %dma_wait3A] : memref<40960x80xf32, #tpu.memory_space<hbm>> -> memref<640x80xf32, #tpu.memory_space<hbm>>
      %dma_wait3A_101 = arith.constant 0 : i32
      %dma_wait3A_102 = tpu.memref_slice %arg14[%mul3A_87, %dma_wait3A_101] : memref<10240x80xf32, #tpu.memory_space<vmem_shared>> -> memref<640x80xf32, #tpu.memory_space<vmem_shared>>
      tpu.wait_dma2 semaphore(%run_scoped3A : memref<!tpu.dma_semaphore, #tpu.memory_space<semaphore_mem>>) src(%dma_wait3A_102 : memref<640x80xf32, #tpu.memory_space<vmem_shared>>) dst(%dma_wait3A_100 : memref<640x80xf32, #tpu.memory_space<hbm>>)
      tpu.yield
    }) : () -> ()
    return
  }
}

module attributes {stable_mosaic.version = 14 : i64} {
  func.func @_mm_body(%arg0: i32, %arg1: memref<1000x128xf32, #tpu.memory_space<vmem>>, %arg2: memref<128x256xf32, #tpu.memory_space<vmem>>, %arg3: memref<4x1000x64xf32, #tpu.memory_space<vmem>>) attributes {dimension_semantics = [#tpu.dimension_semantics<arbitrary>], iteration_bounds = array<i64: 10>, scalar_prefetch = 0 : i64, scratch_operands = 0 : i64, tpu.core_type = #tpu.core_type<tc>, window_params = [{transform_indices = @transform_0, window_bounds = array<i64: 1000, 128>}, {pipeline_mode = #tpu.pipeline_mode<synchronous>, transform_indices = @transform_1, window_bounds = array<i64: 128, 256>}, {transform_indices = @transform_2, window_bounds = array<i64: 4, 1000, 64>}]} {
    %get3A = arith.constant 0 : index
    %get3A_0 = arith.constant 0 : index
    %get3A_1 = vector.load %arg1[%get3A, %get3A_0] : memref<1000x128xf32, #tpu.memory_space<vmem>>, vector<1000x128xf32>
    %get3A_2 = arith.constant 0 : index
    %get3A_3 = arith.constant 0 : index
    %get3A_4 = vector.load %arg2[%get3A_2, %get3A_3] : memref<128x256xf32, #tpu.memory_space<vmem>>, vector<128x256xf32>
    %dot_general3A = arith.constant dense<0.000000e+00> : vector<1000x256xf32>
    %dot_general3A_5 = tpu.matmul %get3A_1, %get3A_4, %dot_general3A {dimension_numbers = #tpu.dot_dimension_numbers<[1], [0], [0], [1], [0, 0, 1, 1], [], []>, transpose_lhs_hint = false} : vector<1000x128xf32>, vector<128x256xf32>, vector<1000x256xf32> -> vector<1000x256xf32>
    %slice3A = vector.extract_strided_slice %dot_general3A_5 {offsets = [0, 0], sizes = [1000, 64], strides = [1, 1]} : vector<1000x256xf32> to vector<1000x64xf32>
    %swap3A = arith.constant 0 : index
    %swap3A_6 = arith.constant 0 : index
    %swap3A_7 = arith.constant 0 : index
    %swap3A_8 = vector.load %arg3[%swap3A, %swap3A_6, %swap3A_7] : memref<4x1000x64xf32, #tpu.memory_space<vmem>>, vector<1x1000x64xf32>
    %swap3A_9 = vector.shape_cast %swap3A_8 : vector<1x1000x64xf32> to vector<1000x64xf32>
    %swap3A_10 = vector.shape_cast %slice3A : vector<1000x64xf32> to vector<1x1000x64xf32>
    tpu.vector_store %arg3[%swap3A, %swap3A_6, %swap3A_7], %swap3A_10 {strides = array<i32>} : memref<4x1000x64xf32, #tpu.memory_space<vmem>>, vector<1x1000x64xf32>,
    %slice3A_11 = vector.extract_strided_slice %dot_general3A_5 {offsets = [0, 64], sizes = [1000, 64], strides = [1, 1]} : vector<1000x256xf32> to vector<1000x64xf32>
    %swap3A_12 = arith.constant 1 : index
    %swap3A_13 = arith.constant 0 : index
    %swap3A_14 = arith.constant 0 : index
    %swap3A_15 = vector.load %arg3[%swap3A_12, %swap3A_13, %swap3A_14] : memref<4x1000x64xf32, #tpu.memory_space<vmem>>, vector<1x1000x64xf32>
    %swap3A_16 = vector.shape_cast %swap3A_15 : vector<1x1000x64xf32> to vector<1000x64xf32>
    %swap3A_17 = vector.shape_cast %slice3A_11 : vector<1000x64xf32> to vector<1x1000x64xf32>
    tpu.vector_store %arg3[%swap3A_12, %swap3A_13, %swap3A_14], %swap3A_17 {strides = array<i32>} : memref<4x1000x64xf32, #tpu.memory_space<vmem>>, vector<1x1000x64xf32>,
    %slice3A_18 = vector.extract_strided_slice %dot_general3A_5 {offsets = [0, 128], sizes = [1000, 64], strides = [1, 1]} : vector<1000x256xf32> to vector<1000x64xf32>
    %swap3A_19 = arith.constant 2 : index
    %swap3A_20 = arith.constant 0 : index
    %swap3A_21 = arith.constant 0 : index
    %swap3A_22 = vector.load %arg3[%swap3A_19, %swap3A_20, %swap3A_21] : memref<4x1000x64xf32, #tpu.memory_space<vmem>>, vector<1x1000x64xf32>
    %swap3A_23 = vector.shape_cast %swap3A_22 : vector<1x1000x64xf32> to vector<1000x64xf32>
    %swap3A_24 = vector.shape_cast %slice3A_18 : vector<1000x64xf32> to vector<1x1000x64xf32>
    tpu.vector_store %arg3[%swap3A_19, %swap3A_20, %swap3A_21], %swap3A_24 {strides = array<i32>} : memref<4x1000x64xf32, #tpu.memory_space<vmem>>, vector<1x1000x64xf32>,
    %slice3A_25 = vector.extract_strided_slice %dot_general3A_5 {offsets = [0, 192], sizes = [1000, 64], strides = [1, 1]} : vector<1000x256xf32> to vector<1000x64xf32>
    %swap3A_26 = arith.constant 3 : index
    %swap3A_27 = arith.constant 0 : index
    %swap3A_28 = arith.constant 0 : index
    %swap3A_29 = vector.load %arg3[%swap3A_26, %swap3A_27, %swap3A_28] : memref<4x1000x64xf32, #tpu.memory_space<vmem>>, vector<1x1000x64xf32>
    %swap3A_30 = vector.shape_cast %swap3A_29 : vector<1x1000x64xf32> to vector<1000x64xf32>
    %swap3A_31 = vector.shape_cast %slice3A_25 : vector<1000x64xf32> to vector<1x1000x64xf32>
    tpu.vector_store %arg3[%swap3A_26, %swap3A_27, %swap3A_28], %swap3A_31 {strides = array<i32>} : memref<4x1000x64xf32, #tpu.memory_space<vmem>>, vector<1x1000x64xf32>,
    return
  }
  func.func @transform_0(%arg0: i32) -> (i32, i32) {
    %c0_i32 = arith.constant 0 : i32
    %c0_i32_0 = arith.constant 0 : i32
    return %arg0, %c0_i32 : i32, i32
  }
  func.func @transform_1(%arg0: i32) -> (i32, i32) {
    %c0_i32 = arith.constant 0 : i32
    %c0_i32_0 = arith.constant 0 : i32
    %c0_i32_1 = arith.constant 0 : i32
    return %c0_i32, %c0_i32_0 : i32, i32
  }
  func.func @transform_2(%arg0: i32) -> (i32, i32, i32) {
    %c0_i32 = arith.constant 0 : i32
    %c0_i32_0 = arith.constant 0 : i32
    %c0_i32_1 = arith.constant 0 : i32
    return %c0_i32, %arg0, %c0_i32_0 : i32, i32, i32
  }
}

module attributes {stable_mosaic.version = 14 : i64} {
  func.func @_combine_body(%arg0: i32, %arg1: memref<4x1000x80xf32, #tpu.memory_space<vmem>>, %arg2: memref<64x256xf32, #tpu.memory_space<vmem>>, %arg3: memref<4x1000x64xf32, #tpu.memory_space<vmem>>) attributes {dimension_semantics = [#tpu.dimension_semantics<arbitrary>], iteration_bounds = array<i64: 10>, scalar_prefetch = 0 : i64, scratch_operands = 0 : i64, tpu.core_type = #tpu.core_type<tc>, window_params = [{transform_indices = @transform_0, window_bounds = array<i64: 4, 1000, 80>}, {pipeline_mode = #tpu.pipeline_mode<synchronous>, transform_indices = @transform_1, window_bounds = array<i64: 64, 256>}, {transform_indices = @transform_2, window_bounds = array<i64: 4, 1000, 64>}]} {
    %broadcast_in_dim3A = arith.constant 0.000000e+00 : f32
    %broadcast_in_dim3A_0 = vector.broadcast %broadcast_in_dim3A : f32 to vector<1000x64xf32>
    %get3A = arith.constant 0 : index
    %get3A_1 = arith.constant 0 : index
    %get3A_2 = arith.constant 0 : index
    %get3A_3 = vector.load %arg1[%get3A, %get3A_1, %get3A_2] : memref<4x1000x80xf32, #tpu.memory_space<vmem>>, vector<1x1000x80xf32>
    %get3A_4 = vector.shape_cast %get3A_3 : vector<1x1000x80xf32> to vector<1000x80xf32>
    %slice3A = vector.extract_strided_slice %get3A_4 {offsets = [0, 0], sizes = [1000, 64], strides = [1, 1]} : vector<1000x80xf32> to vector<1000x64xf32>
    %slice3A_5 = vector.extract_strided_slice %get3A_4 {offsets = [0, 64], sizes = [1000, 1], strides = [1, 1]} : vector<1000x80xf32> to vector<1000x1xf32>
    %max3A = arith.constant 9.99999968E-21 : f32
    %max3A_6 = vector.broadcast %max3A : f32 to vector<1000x1xf32>
    %max3A_7 = arith.maximumf %slice3A_5, %max3A_6 : vector<1000x1xf32>
    %div3A = vector.broadcast %max3A_7 : vector<1000x1xf32> to vector<1000x64xf32>
    %div3A_8 = arith.divf %slice3A, %div3A : vector<1000x64xf32>
    %max3A_9 = arith.constant 0.000000e+00 : f32
    %max3A_10 = vector.broadcast %max3A_9 : f32 to vector<1000x64xf32>
    %max3A_11 = arith.maximumf %div3A_8, %max3A_10 : vector<1000x64xf32>
    %add3A = arith.addf %broadcast_in_dim3A_0, %max3A_11 : vector<1000x64xf32>
    %get3A_12 = arith.constant 1 : index
    %get3A_13 = arith.constant 0 : index
    %get3A_14 = arith.constant 0 : index
    %get3A_15 = vector.load %arg1[%get3A_12, %get3A_13, %get3A_14] : memref<4x1000x80xf32, #tpu.memory_space<vmem>>, vector<1x1000x80xf32>
    %get3A_16 = vector.shape_cast %get3A_15 : vector<1x1000x80xf32> to vector<1000x80xf32>
    %slice3A_17 = vector.extract_strided_slice %get3A_16 {offsets = [0, 0], sizes = [1000, 64], strides = [1, 1]} : vector<1000x80xf32> to vector<1000x64xf32>
    %slice3A_18 = vector.extract_strided_slice %get3A_16 {offsets = [0, 64], sizes = [1000, 1], strides = [1, 1]} : vector<1000x80xf32> to vector<1000x1xf32>
    %max3A_19 = arith.constant 9.99999968E-21 : f32
    %max3A_20 = vector.broadcast %max3A_19 : f32 to vector<1000x1xf32>
    %max3A_21 = arith.maximumf %slice3A_18, %max3A_20 : vector<1000x1xf32>
    %div3A_22 = vector.broadcast %max3A_21 : vector<1000x1xf32> to vector<1000x64xf32>
    %div3A_23 = arith.divf %slice3A_17, %div3A_22 : vector<1000x64xf32>
    %max3A_24 = arith.constant 0.000000e+00 : f32
    %max3A_25 = vector.broadcast %max3A_24 : f32 to vector<1000x64xf32>
    %max3A_26 = arith.maximumf %div3A_23, %max3A_25 : vector<1000x64xf32>
    %add3A_27 = arith.addf %add3A, %max3A_26 : vector<1000x64xf32>
    %get3A_28 = arith.constant 2 : index
    %get3A_29 = arith.constant 0 : index
    %get3A_30 = arith.constant 0 : index
    %get3A_31 = vector.load %arg1[%get3A_28, %get3A_29, %get3A_30] : memref<4x1000x80xf32, #tpu.memory_space<vmem>>, vector<1x1000x80xf32>
    %get3A_32 = vector.shape_cast %get3A_31 : vector<1x1000x80xf32> to vector<1000x80xf32>
    %slice3A_33 = vector.extract_strided_slice %get3A_32 {offsets = [0, 0], sizes = [1000, 64], strides = [1, 1]} : vector<1000x80xf32> to vector<1000x64xf32>
    %slice3A_34 = vector.extract_strided_slice %get3A_32 {offsets = [0, 64], sizes = [1000, 1], strides = [1, 1]} : vector<1000x80xf32> to vector<1000x1xf32>
    %max3A_35 = arith.constant 9.99999968E-21 : f32
    %max3A_36 = vector.broadcast %max3A_35 : f32 to vector<1000x1xf32>
    %max3A_37 = arith.maximumf %slice3A_34, %max3A_36 : vector<1000x1xf32>
    %div3A_38 = vector.broadcast %max3A_37 : vector<1000x1xf32> to vector<1000x64xf32>
    %div3A_39 = arith.divf %slice3A_33, %div3A_38 : vector<1000x64xf32>
    %max3A_40 = arith.constant 0.000000e+00 : f32
    %max3A_41 = vector.broadcast %max3A_40 : f32 to vector<1000x64xf32>
    %max3A_42 = arith.maximumf %div3A_39, %max3A_41 : vector<1000x64xf32>
    %add3A_43 = arith.addf %add3A_27, %max3A_42 : vector<1000x64xf32>
    %get3A_44 = arith.constant 3 : index
    %get3A_45 = arith.constant 0 : index
    %get3A_46 = arith.constant 0 : index
    %get3A_47 = vector.load %arg1[%get3A_44, %get3A_45, %get3A_46] : memref<4x1000x80xf32, #tpu.memory_space<vmem>>, vector<1x1000x80xf32>
    %get3A_48 = vector.shape_cast %get3A_47 : vector<1x1000x80xf32> to vector<1000x80xf32>
    %slice3A_49 = vector.extract_strided_slice %get3A_48 {offsets = [0, 0], sizes = [1000, 64], strides = [1, 1]} : vector<1000x80xf32> to vector<1000x64xf32>
    %slice3A_50 = vector.extract_strided_slice %get3A_48 {offsets = [0, 64], sizes = [1000, 1], strides = [1, 1]} : vector<1000x80xf32> to vector<1000x1xf32>
    %max3A_51 = arith.constant 9.99999968E-21 : f32
    %max3A_52 = vector.broadcast %max3A_51 : f32 to vector<1000x1xf32>
    %max3A_53 = arith.maximumf %slice3A_50, %max3A_52 : vector<1000x1xf32>
    %div3A_54 = vector.broadcast %max3A_53 : vector<1000x1xf32> to vector<1000x64xf32>
    %div3A_55 = arith.divf %slice3A_49, %div3A_54 : vector<1000x64xf32>
    %max3A_56 = arith.constant 0.000000e+00 : f32
    %max3A_57 = vector.broadcast %max3A_56 : f32 to vector<1000x64xf32>
    %max3A_58 = arith.maximumf %div3A_55, %max3A_57 : vector<1000x64xf32>
    %add3A_59 = arith.addf %add3A_43, %max3A_58 : vector<1000x64xf32>
    %mul3A = arith.constant 2.500000e-01 : f32
    %mul3A_60 = vector.broadcast %mul3A : f32 to vector<1000x64xf32>
    %mul3A_61 = arith.mulf %add3A_59, %mul3A_60 : vector<1000x64xf32>
    %get3A_62 = arith.constant 0 : index
    %get3A_63 = arith.constant 0 : index
    %get3A_64 = vector.load %arg2[%get3A_62, %get3A_63] : memref<64x256xf32, #tpu.memory_space<vmem>>, vector<64x256xf32>
    %dot_general3A = arith.constant dense<0.000000e+00> : vector<1000x256xf32>
    %dot_general3A_65 = tpu.matmul %mul3A_61, %get3A_64, %dot_general3A {dimension_numbers = #tpu.dot_dimension_numbers<[1], [0], [0], [1], [0, 0, 1, 1], [], []>, transpose_lhs_hint = false} : vector<1000x64xf32>, vector<64x256xf32>, vector<1000x256xf32> -> vector<1000x256xf32>
    %slice3A_66 = vector.extract_strided_slice %dot_general3A_65 {offsets = [0, 0], sizes = [1000, 64], strides = [1, 1]} : vector<1000x256xf32> to vector<1000x64xf32>
    %swap3A = arith.constant 0 : index
    %swap3A_67 = arith.constant 0 : index
    %swap3A_68 = arith.constant 0 : index
    %swap3A_69 = vector.load %arg3[%swap3A, %swap3A_67, %swap3A_68] : memref<4x1000x64xf32, #tpu.memory_space<vmem>>, vector<1x1000x64xf32>
    %swap3A_70 = vector.shape_cast %swap3A_69 : vector<1x1000x64xf32> to vector<1000x64xf32>
    %swap3A_71 = vector.shape_cast %slice3A_66 : vector<1000x64xf32> to vector<1x1000x64xf32>
    tpu.vector_store %arg3[%swap3A, %swap3A_67, %swap3A_68], %swap3A_71 {strides = array<i32>} : memref<4x1000x64xf32, #tpu.memory_space<vmem>>, vector<1x1000x64xf32>,
    %slice3A_72 = vector.extract_strided_slice %dot_general3A_65 {offsets = [0, 64], sizes = [1000, 64], strides = [1, 1]} : vector<1000x256xf32> to vector<1000x64xf32>
    %swap3A_73 = arith.constant 1 : index
    %swap3A_74 = arith.constant 0 : index
    %swap3A_75 = arith.constant 0 : index
    %swap3A_76 = vector.load %arg3[%swap3A_73, %swap3A_74, %swap3A_75] : memref<4x1000x64xf32, #tpu.memory_space<vmem>>, vector<1x1000x64xf32>
    %swap3A_77 = vector.shape_cast %swap3A_76 : vector<1x1000x64xf32> to vector<1000x64xf32>
    %swap3A_78 = vector.shape_cast %slice3A_72 : vector<1000x64xf32> to vector<1x1000x64xf32>
    tpu.vector_store %arg3[%swap3A_73, %swap3A_74, %swap3A_75], %swap3A_78 {strides = array<i32>} : memref<4x1000x64xf32, #tpu.memory_space<vmem>>, vector<1x1000x64xf32>,
    %slice3A_79 = vector.extract_strided_slice %dot_general3A_65 {offsets = [0, 128], sizes = [1000, 64], strides = [1, 1]} : vector<1000x256xf32> to vector<1000x64xf32>
    %swap3A_80 = arith.constant 2 : index
    %swap3A_81 = arith.constant 0 : index
    %swap3A_82 = arith.constant 0 : index
    %swap3A_83 = vector.load %arg3[%swap3A_80, %swap3A_81, %swap3A_82] : memref<4x1000x64xf32, #tpu.memory_space<vmem>>, vector<1x1000x64xf32>
    %swap3A_84 = vector.shape_cast %swap3A_83 : vector<1x1000x64xf32> to vector<1000x64xf32>
    %swap3A_85 = vector.shape_cast %slice3A_79 : vector<1000x64xf32> to vector<1x1000x64xf32>
    tpu.vector_store %arg3[%swap3A_80, %swap3A_81, %swap3A_82], %swap3A_85 {strides = array<i32>} : memref<4x1000x64xf32, #tpu.memory_space<vmem>>, vector<1x1000x64xf32>,
    %slice3A_86 = vector.extract_strided_slice %dot_general3A_65 {offsets = [0, 192], sizes = [1000, 64], strides = [1, 1]} : vector<1000x256xf32> to vector<1000x64xf32>
    %swap3A_87 = arith.constant 3 : index
    %swap3A_88 = arith.constant 0 : index
    %swap3A_89 = arith.constant 0 : index
    %swap3A_90 = vector.load %arg3[%swap3A_87, %swap3A_88, %swap3A_89] : memref<4x1000x64xf32, #tpu.memory_space<vmem>>, vector<1x1000x64xf32>
    %swap3A_91 = vector.shape_cast %swap3A_90 : vector<1x1000x64xf32> to vector<1000x64xf32>
    %swap3A_92 = vector.shape_cast %slice3A_86 : vector<1000x64xf32> to vector<1x1000x64xf32>
    tpu.vector_store %arg3[%swap3A_87, %swap3A_88, %swap3A_89], %swap3A_92 {strides = array<i32>} : memref<4x1000x64xf32, #tpu.memory_space<vmem>>, vector<1x1000x64xf32>,
    return
  }
  func.func @transform_0(%arg0: i32) -> (i32, i32, i32) {
    %c0_i32 = arith.constant 0 : i32
    %c0_i32_0 = arith.constant 0 : i32
    %c0_i32_1 = arith.constant 0 : i32
    return %c0_i32, %arg0, %c0_i32_0 : i32, i32, i32
  }
  func.func @transform_1(%arg0: i32) -> (i32, i32) {
    %c0_i32 = arith.constant 0 : i32
    %c0_i32_0 = arith.constant 0 : i32
    %c0_i32_1 = arith.constant 0 : i32
    return %c0_i32, %c0_i32_0 : i32, i32
  }
  func.func @transform_2(%arg0: i32) -> (i32, i32, i32) {
    %c0_i32 = arith.constant 0 : i32
    %c0_i32_0 = arith.constant 0 : i32
    %c0_i32_1 = arith.constant 0 : i32
    return %c0_i32, %arg0, %c0_i32_0 : i32, i32, i32
  }
}

module attributes {stable_mosaic.version = 14 : i64} {
  func.func @_final_body(%arg0: i32, %arg1: memref<4x1000x80xf32, #tpu.memory_space<vmem>>, %arg2: memref<1x1x1000xi32, #tpu.memory_space<vmem>>, %arg3: memref<64x32xf32, #tpu.memory_space<vmem>>, %arg4: memref<96x16xf32, #tpu.memory_space<vmem>>, %arg5: memref<1x16xf32, #tpu.memory_space<vmem>>, %arg6: memref<64x16xf32, #tpu.memory_space<vmem>>, %arg7: memref<64x64xf32, #tpu.memory_space<vmem>>, %arg8: memref<64x128xf32, #tpu.memory_space<vmem>>) attributes {dimension_semantics = [#tpu.dimension_semantics<arbitrary>], iteration_bounds = array<i64: 10>, scalar_prefetch = 0 : i64, scratch_operands = 2 : i64, tpu.core_type = #tpu.core_type<tc>, window_params = [{transform_indices = @transform_0, window_bounds = array<i64: 4, 1000, 80>}, {transform_indices = @transform_1, window_bounds = array<i64: 1, 1, 1000>}, {pipeline_mode = #tpu.pipeline_mode<synchronous>, transform_indices = @transform_2, window_bounds = array<i64: 64, 32>}, {pipeline_mode = #tpu.pipeline_mode<synchronous>, transform_indices = @transform_3, window_bounds = array<i64: 96, 16>}, {pipeline_mode = #tpu.pipeline_mode<synchronous>, transform_indices = @transform_4, window_bounds = array<i64: 1, 16>}, {pipeline_mode = #tpu.pipeline_mode<synchronous>, transform_indices = @transform_5, window_bounds = array<i64: 64, 16>}]} {
    %eq3A = arith.constant 0 : i32
    %eq3A_0 = arith.cmpi eq, %arg0, %eq3A : i32
    %convert_element_type3A = arith.extui %eq3A_0 : i1 to i32
    %cond3A = arith.constant 0 : i32
    %cond3A_1 = arith.cmpi ne, %convert_element_type3A, %cond3A : i32
    scf.if %cond3A_1 {
      %broadcast_in_dim3A_85 = arith.constant 0.000000e+00 : f32
      %broadcast_in_dim3A_86 = vector.broadcast %broadcast_in_dim3A_85 : f32 to vector<64x64xf32>
      %swap3A_87 = arith.constant 0 : index
      %swap3A_88 = arith.constant 0 : index
      %swap3A_89 = vector.load %arg7[%swap3A_87, %swap3A_88] : memref<64x64xf32, #tpu.memory_space<vmem>>, vector<64x64xf32>
      tpu.vector_store %arg7[%swap3A_87, %swap3A_88], %broadcast_in_dim3A_86 {strides = array<i32>} : memref<64x64xf32, #tpu.memory_space<vmem>>, vector<64x64xf32>,
      %broadcast_in_dim3A_90 = arith.constant 0.000000e+00 : f32
      %broadcast_in_dim3A_91 = vector.broadcast %broadcast_in_dim3A_90 : f32 to vector<64x128xf32>
      %swap3A_92 = arith.constant 0 : index
      %swap3A_93 = arith.constant 0 : index
      %swap3A_94 = vector.load %arg8[%swap3A_92, %swap3A_93] : memref<64x128xf32, #tpu.memory_space<vmem>>, vector<64x128xf32>
      tpu.vector_store %arg8[%swap3A_92, %swap3A_93], %broadcast_in_dim3A_91 {strides = array<i32>} : memref<64x128xf32, #tpu.memory_space<vmem>>, vector<64x128xf32>,
    } else {
    }
    %broadcast_in_dim3A = arith.constant 0.000000e+00 : f32
    %broadcast_in_dim3A_2 = vector.broadcast %broadcast_in_dim3A : f32 to vector<1000x64xf32>
    %get3A = arith.constant 0 : index
    %get3A_3 = arith.constant 0 : index
    %get3A_4 = arith.constant 0 : index
    %get3A_5 = vector.load %arg1[%get3A, %get3A_3, %get3A_4] : memref<4x1000x80xf32, #tpu.memory_space<vmem>>, vector<1x1000x80xf32>
    %get3A_6 = vector.shape_cast %get3A_5 : vector<1x1000x80xf32> to vector<1000x80xf32>
    %slice3A = vector.extract_strided_slice %get3A_6 {offsets = [0, 0], sizes = [1000, 64], strides = [1, 1]} : vector<1000x80xf32> to vector<1000x64xf32>
    %slice3A_7 = vector.extract_strided_slice %get3A_6 {offsets = [0, 64], sizes = [1000, 1], strides = [1, 1]} : vector<1000x80xf32> to vector<1000x1xf32>
    %max3A = arith.constant 9.99999968E-21 : f32
    %max3A_8 = vector.broadcast %max3A : f32 to vector<1000x1xf32>
    %max3A_9 = arith.maximumf %slice3A_7, %max3A_8 : vector<1000x1xf32>
    %div3A = vector.broadcast %max3A_9 : vector<1000x1xf32> to vector<1000x64xf32>
    %div3A_10 = arith.divf %slice3A, %div3A : vector<1000x64xf32>
    %add3A = arith.addf %broadcast_in_dim3A_2, %div3A_10 : vector<1000x64xf32>
    %get3A_11 = arith.constant 1 : index
    %get3A_12 = arith.constant 0 : index
    %get3A_13 = arith.constant 0 : index
    %get3A_14 = vector.load %arg1[%get3A_11, %get3A_12, %get3A_13] : memref<4x1000x80xf32, #tpu.memory_space<vmem>>, vector<1x1000x80xf32>
    %get3A_15 = vector.shape_cast %get3A_14 : vector<1x1000x80xf32> to vector<1000x80xf32>
    %slice3A_16 = vector.extract_strided_slice %get3A_15 {offsets = [0, 0], sizes = [1000, 64], strides = [1, 1]} : vector<1000x80xf32> to vector<1000x64xf32>
    %slice3A_17 = vector.extract_strided_slice %get3A_15 {offsets = [0, 64], sizes = [1000, 1], strides = [1, 1]} : vector<1000x80xf32> to vector<1000x1xf32>
    %max3A_18 = arith.constant 9.99999968E-21 : f32
    %max3A_19 = vector.broadcast %max3A_18 : f32 to vector<1000x1xf32>
    %max3A_20 = arith.maximumf %slice3A_17, %max3A_19 : vector<1000x1xf32>
    %div3A_21 = vector.broadcast %max3A_20 : vector<1000x1xf32> to vector<1000x64xf32>
    %div3A_22 = arith.divf %slice3A_16, %div3A_21 : vector<1000x64xf32>
    %add3A_23 = arith.addf %add3A, %div3A_22 : vector<1000x64xf32>
    %get3A_24 = arith.constant 2 : index
    %get3A_25 = arith.constant 0 : index
    %get3A_26 = arith.constant 0 : index
    %get3A_27 = vector.load %arg1[%get3A_24, %get3A_25, %get3A_26] : memref<4x1000x80xf32, #tpu.memory_space<vmem>>, vector<1x1000x80xf32>
    %get3A_28 = vector.shape_cast %get3A_27 : vector<1x1000x80xf32> to vector<1000x80xf32>
    %slice3A_29 = vector.extract_strided_slice %get3A_28 {offsets = [0, 0], sizes = [1000, 64], strides = [1, 1]} : vector<1000x80xf32> to vector<1000x64xf32>
    %slice3A_30 = vector.extract_strided_slice %get3A_28 {offsets = [0, 64], sizes = [1000, 1], strides = [1, 1]} : vector<1000x80xf32> to vector<1000x1xf32>
    %max3A_31 = arith.constant 9.99999968E-21 : f32
    %max3A_32 = vector.broadcast %max3A_31 : f32 to vector<1000x1xf32>
    %max3A_33 = arith.maximumf %slice3A_30, %max3A_32 : vector<1000x1xf32>
    %div3A_34 = vector.broadcast %max3A_33 : vector<1000x1xf32> to vector<1000x64xf32>
    %div3A_35 = arith.divf %slice3A_29, %div3A_34 : vector<1000x64xf32>
    %add3A_36 = arith.addf %add3A_23, %div3A_35 : vector<1000x64xf32>
    %get3A_37 = arith.constant 3 : index
    %get3A_38 = arith.constant 0 : index
    %get3A_39 = arith.constant 0 : index
    %get3A_40 = vector.load %arg1[%get3A_37, %get3A_38, %get3A_39] : memref<4x1000x80xf32, #tpu.memory_space<vmem>>, vector<1x1000x80xf32>
    %get3A_41 = vector.shape_cast %get3A_40 : vector<1x1000x80xf32> to vector<1000x80xf32>
    %slice3A_42 = vector.extract_strided_slice %get3A_41 {offsets = [0, 0], sizes = [1000, 64], strides = [1, 1]} : vector<1000x80xf32> to vector<1000x64xf32>
    %slice3A_43 = vector.extract_strided_slice %get3A_41 {offsets = [0, 64], sizes = [1000, 1], strides = [1, 1]} : vector<1000x80xf32> to vector<1000x1xf32>
    %max3A_44 = arith.constant 9.99999968E-21 : f32
    %max3A_45 = vector.broadcast %max3A_44 : f32 to vector<1000x1xf32>
    %max3A_46 = arith.maximumf %slice3A_43, %max3A_45 : vector<1000x1xf32>
    %div3A_47 = vector.broadcast %max3A_46 : vector<1000x1xf32> to vector<1000x64xf32>
    %div3A_48 = arith.divf %slice3A_42, %div3A_47 : vector<1000x64xf32>
    %add3A_49 = arith.addf %add3A_36, %div3A_48 : vector<1000x64xf32>
    %mul3A = arith.constant 2.500000e-01 : f32
    %mul3A_50 = vector.broadcast %mul3A : f32 to vector<1000x64xf32>
    %mul3A_51 = arith.mulf %add3A_49, %mul3A_50 : vector<1000x64xf32>
    %get3A_52 = arith.constant 0 : index
    %get3A_53 = arith.constant 0 : index
    %get3A_54 = arith.constant 0 : index
    %get3A_55 = vector.load %arg2[%get3A_52, %get3A_53, %get3A_54] : memref<1x1x1000xi32, #tpu.memory_space<vmem>>, vector<1x1x1000xi32>
    %get3A_56 = vector.shape_cast %get3A_55 : vector<1x1x1000xi32> to vector<1000xi32>
    %iota3A = tpu.iota {dimensions = array<i32: 0>} : vector<64x1000xi32>
    %broadcast_in_dim3A_57 = vector.shape_cast %get3A_56 : vector<1000xi32> to vector<1x1000xi32>
    %eq3A_58 = vector.broadcast %broadcast_in_dim3A_57 : vector<1x1000xi32> to vector<64x1000xi32>
    %eq3A_59 = arith.cmpi eq, %eq3A_58, %iota3A : vector<64x1000xi32>
    %convert_element_type3A_60 = arith.extui %eq3A_59 : vector<64x1000xi1> to vector<64x1000xi32>
    %convert_element_type3A_61 = arith.sitofp %convert_element_type3A_60 : vector<64x1000xi32> to vector<64x1000xf32>
    %get3A_62 = arith.constant 0 : index
    %get3A_63 = arith.constant 0 : index
    %get3A_64 = vector.load %arg7[%get3A_62, %get3A_63] : memref<64x64xf32, #tpu.memory_space<vmem>>, vector<64x64xf32>
    %dot_general3A = arith.constant dense<0.000000e+00> : vector<64x64xf32>
    %dot_general3A_65 = tpu.matmul %convert_element_type3A_61, %mul3A_51, %dot_general3A {dimension_numbers = #tpu.dot_dimension_numbers<[1], [0], [0], [1], [0, 0, 1, 1], [], []>, transpose_lhs_hint = false} : vector<64x1000xf32>, vector<1000x64xf32>, vector<64x64xf32> -> vector<64x64xf32>
    %add3A_66 = arith.addf %get3A_64, %dot_general3A_65 : vector<64x64xf32>
    %swap3A = arith.constant 0 : index
    %swap3A_67 = arith.constant 0 : index
    %swap3A_68 = vector.load %arg7[%swap3A, %swap3A_67] : memref<64x64xf32, #tpu.memory_space<vmem>>, vector<64x64xf32>
    tpu.vector_store %arg7[%swap3A, %swap3A_67], %add3A_66 {strides = array<i32>} : memref<64x64xf32, #tpu.memory_space<vmem>>, vector<64x64xf32>,
    %get3A_69 = arith.constant 0 : index
    %get3A_70 = arith.constant 0 : index
    %get3A_71 = vector.load %arg8[%get3A_69, %get3A_70] : memref<64x128xf32, #tpu.memory_space<vmem>>, vector<64x128xf32>
    %reduce_sum3A = arith.constant dense<0.000000e+00> : vector<64xf32>
    %reduce_sum3A_72 = vector.multi_reduction <add>, %convert_element_type3A_61, %reduce_sum3A [1] : vector<64x1000xf32> to vector<64xf32>
    %broadcast_in_dim3A_73 = vector.shape_cast %reduce_sum3A_72 : vector<64xf32> to vector<64x1xf32>
    %broadcast_in_dim3A_74 = vector.shape_cast %broadcast_in_dim3A_73 : vector<64x1xf32> to vector<64x1xf32>
    %broadcast_in_dim3A_75 = vector.broadcast %broadcast_in_dim3A_74 : vector<64x1xf32> to vector<64x128xf32>
    %add3A_76 = arith.addf %get3A_71, %broadcast_in_dim3A_75 : vector<64x128xf32>
    %swap3A_77 = arith.constant 0 : index
    %swap3A_78 = arith.constant 0 : index
    %swap3A_79 = vector.load %arg8[%swap3A_77, %swap3A_78] : memref<64x128xf32, #tpu.memory_space<vmem>>, vector<64x128xf32>
    tpu.vector_store %arg8[%swap3A_77, %swap3A_78], %add3A_76 {strides = array<i32>} : memref<64x128xf32, #tpu.memory_space<vmem>>, vector<64x128xf32>,
    %eq3A_80 = arith.constant 9 : i32
    %eq3A_81 = arith.cmpi eq, %arg0, %eq3A_80 : i32
    %convert_element_type3A_82 = arith.extui %eq3A_81 : i1 to i32
    %cond3A_83 = arith.constant 0 : i32
    %cond3A_84 = arith.cmpi ne, %convert_element_type3A_82, %cond3A_83 : i32
    scf.if %cond3A_84 {
      %get3A_85 = arith.constant 0 : index
      %get3A_86 = arith.constant 0 : index
      %get3A_87 = vector.load %arg7[%get3A_85, %get3A_86] : memref<64x64xf32, #tpu.memory_space<vmem>>, vector<64x64xf32>
      %get3A_88 = arith.constant 0 : index
      %get3A_89 = arith.constant 0 : index
      %get3A_90 = vector.load %arg8[%get3A_88, %get3A_89] : memref<64x128xf32, #tpu.memory_space<vmem>>, vector<64x64xf32>
      %max3A_91 = arith.constant 1.000000e+00 : f32
      %max3A_92 = vector.broadcast %max3A_91 : f32 to vector<64x64xf32>
      %max3A_93 = arith.maximumf %get3A_90, %max3A_92 : vector<64x64xf32>
      %div3A_94 = arith.divf %get3A_87, %max3A_93 : vector<64x64xf32>
      %get3A_95 = arith.constant 0 : index
      %get3A_96 = arith.constant 0 : index
      %get3A_97 = vector.load %arg4[%get3A_95, %get3A_96] : memref<96x16xf32, #tpu.memory_space<vmem>>, vector<64x16xf32>
      %dot_general3A_98 = arith.constant dense<0.000000e+00> : vector<64x16xf32>
      %dot_general3A_99 = tpu.matmul %div3A_94, %get3A_97, %dot_general3A_98 {dimension_numbers = #tpu.dot_dimension_numbers<[1], [0], [0], [1], [0, 0, 1, 1], [], []>, transpose_lhs_hint = false} : vector<64x64xf32>, vector<64x16xf32>, vector<64x16xf32> -> vector<64x16xf32>
      %get3A_100 = arith.constant 0 : index
      %get3A_101 = arith.constant 0 : index
      %get3A_102 = vector.load %arg3[%get3A_100, %get3A_101] : memref<64x32xf32, #tpu.memory_space<vmem>>, vector<64x32xf32>
      %get3A_103 = arith.constant 64 : index
      %get3A_104 = arith.constant 0 : index
      %get3A_105 = vector.load %arg4[%get3A_103, %get3A_104] : memref<96x16xf32, #tpu.memory_space<vmem>>, vector<32x16xf32>
      %dot_general3A_106 = arith.constant dense<0.000000e+00> : vector<64x16xf32>
      %dot_general3A_107 = tpu.matmul %get3A_102, %get3A_105, %dot_general3A_106 {dimension_numbers = #tpu.dot_dimension_numbers<[1], [0], [0], [1], [0, 0, 1, 1], [], []>, transpose_lhs_hint = false} : vector<64x32xf32>, vector<32x16xf32>, vector<64x16xf32> -> vector<64x16xf32>
      %add3A_108 = arith.addf %dot_general3A_99, %dot_general3A_107 : vector<64x16xf32>
      %get3A_109 = arith.constant 0 : index
      %get3A_110 = arith.constant 0 : index
      %get3A_111 = vector.load %arg5[%get3A_109, %get3A_110] : memref<1x16xf32, #tpu.memory_space<vmem>>, vector<1x16xf32>
      %add3A_112 = vector.broadcast %get3A_111 : vector<1x16xf32> to vector<64x16xf32>
      %add3A_113 = arith.addf %add3A_108, %add3A_112 : vector<64x16xf32>
      %swap3A_114 = arith.constant 0 : index
      %swap3A_115 = arith.constant 0 : index
      %swap3A_116 = vector.load %arg6[%swap3A_114, %swap3A_115] : memref<64x16xf32, #tpu.memory_space<vmem>>, vector<64x16xf32>
      tpu.vector_store %arg6[%swap3A_114, %swap3A_115], %add3A_113 {strides = array<i32>} : memref<64x16xf32, #tpu.memory_space<vmem>>, vector<64x16xf32>,
    } else {
    }
    return
  }
  func.func @transform_0(%arg0: i32) -> (i32, i32, i32) {
    %c0_i32 = arith.constant 0 : i32
    %c0_i32_0 = arith.constant 0 : i32
    %c0_i32_1 = arith.constant 0 : i32
    return %c0_i32, %arg0, %c0_i32_0 : i32, i32, i32
  }
  func.func @transform_1(%arg0: i32) -> (i32, i32, i32) {
    %c0_i32 = arith.constant 0 : i32
    %c0_i32_0 = arith.constant 0 : i32
    %c0_i32_1 = arith.constant 0 : i32
    return %arg0, %c0_i32, %c0_i32_0 : i32, i32, i32
  }
  func.func @transform_2(%arg0: i32) -> (i32, i32) {
    %c0_i32 = arith.constant 0 : i32
    %c0_i32_0 = arith.constant 0 : i32
    %c0_i32_1 = arith.constant 0 : i32
    return %c0_i32, %c0_i32_0 : i32, i32
  }
  func.func @transform_3(%arg0: i32) -> (i32, i32) {
    %c0_i32 = arith.constant 0 : i32
    %c0_i32_0 = arith.constant 0 : i32
    %c0_i32_1 = arith.constant 0 : i32
    return %c0_i32, %c0_i32_0 : i32, i32
  }
  func.func @transform_4(%arg0: i32) -> (i32, i32) {
    %c0_i32 = arith.constant 0 : i32
    %c0_i32_0 = arith.constant 0 : i32
    %c0_i32_1 = arith.constant 0 : i32
    return %c0_i32, %c0_i32_0 : i32, i32
  }
  func.func @transform_5(%arg0: i32) -> (i32, i32) {
    %c0_i32 = arith.constant 0 : i32
    %c0_i32_0 = arith.constant 0 : i32
    %c0_i32_1 = arith.constant 0 : i32
    return %c0_i32, %c0_i32_0 : i32, i32
  }
}

</mosaic_0001>

<sc_bundles>
// kernel: kernel.10.cloned.1.call-start
scs
__scs_entry_jumppad:
0x0: {  	(pc) =	sbr.rel $0x88, $3  }
0x1: {  	(tag) =	ssettag $0x0;
	lr =	simm.s32 $0x1  }
0x2: {  	[smem:$0x3F99] =	sst lr;
	_ =	strace $0xD0000000  }
0x3: {  	_ = 	snop  }
0x4: {  	_ = 	snop  }
0x5: {  	_ = 	snop  }
0x6: {  	_ = 	snop  }
0x7: {  	_ = 	snop  }
__scs_overlays_trampoline_lowered:
0x8: {  	[smem:$0x3FA8] =	sst s0  }
0x9: {  	[smem:$0x3FA9] =	sst s1  }
0xa: {  	[smem:$0x3FAA] =	sst s2  }
0xb: {  	[smem:$0x3FAB] =	sst s3  }
0xc: {  	[smem:$0x3FAC] =	sst s4  }
0xd: {  	[smem:$0x3FAD] =	sst s5  }
0xe: {  	[smem:$0x3FAE] =	sst s6  }
0xf: {  	[smem:$0x3FAF] =	sst s7  }
0x10: {  	[smem:$0x3FB0] =	sst s8  }
0x11: {  	[smem:$0x3FB1] =	sst s9;
	s0 =	simm.s32 @!p0 $0x0  }
0x12: {  	s1 =	sld [smem:$0x3F97];
	s0 =	simm.s32 @p0 $0x1  }
0x13: {  	[smem:$0x3FB2] =	sst s0;
	s0 =	simm.s32 @!p1 $0x0  }
0x14: {  	s2 =	sld [smem:$0x3F96];
	s0 =	simm.s32 @p1 $0x1  }
0x15: {  	[smem:$0x3FB3] =	sst s0;
	s0 =	simm.s32 @!p2 $0x0  }
0x16: {  	s3 =	sld [smem:$0x3FDB];
	s0 =	simm.s32 @p2 $0x1  }
0x17: {  	s4 =	simm.s32 $0x1BF5;
	[smem:$0x3FB5] =	sst s0  }
0x18: {  	s0 =	sld [smem:$0x3F98];
	_ =	swait.ge [sflag:s4], $0x0  }
0x19: {  	s7 =	sld [smem:$0x3F99]  }
0x1a: {  	s8 =	sadd.s32 $0xFFFFE003, lr  }
0x1b: {  	s9 =	sadd.s32 $0xFFFFFEF7, lr;
	s5 =	simm.s32 $0xFFFFFFFF;
	p2 =	slt.u32 s8, $0xFFFFF086  }
0x1c: {  	p1 =	slt.u32 s9, $0xF7A;
	s5 =	simm.s32 @!p2 $0x0  }
0x1d: {  	s5 =	simm.s32 @p1 $0x1;
	p0 =	seq.s32 s7, s2  }
0x1e: {  	s7 =	smul.u32 @!p0 $0xF7A, s2;
	p2 =	seq.s32 @!p0 s5, $0x0  }
0x1f: {  	s9 =	smul.u32 $0xF7A, s1;
	s8 =	simm.s32 @!p0 $0x1BF5;
	p2 =	por !p2, p0  }
0x20: {  	[sflag:s8] =	ssyncset.s32 @!p0 $0xFFFFF086;
	s6 =	sadd.s32 @!p0 s3, s7;
	s7 =	simm.s32 @!p0 $0x108  }
0x21: {  	s3 =	sadd.s32 s3, s9;
	s6 =	sadd.s32 @!p0 $0x88, s6;
	s7 =	simm.s32 @p2 $0x1082  }
0x22: {  	[simem:s7], [sflag:s8] =	dma.local @!p0 [hbm:s6], $0xF7A  }
0x23: {  	s9 =	sor.u32 $0xD0000000, s2;
	s6 =	simm.s32 $0x108;
	_ =	swait.ge @!p0 [sflag:s8], $0x0  }
0x24: {  	s3 =	sadd.s32 $0x88, s3;
	s6 =	simm.s32 @!p1 $0x1082;
	[sflag:s4] =	ssyncset.s32 $0xFFFFF086  }
0x25: {  	[simem:s6], [sflag:s4] =	dma.local [hbm:s3], $0xF7A  }
0x26: {  	[smem:$0x3F99] =	sst s1;
	(tag) =	ssettag s2;
	_ =	strace s9  }
0x27: {  	s1 =	sld [smem:$0x3FA9]  }
0x28: {  	s2 =	sld [smem:$0x3FAA]  }
0x29: {  	s4 =	sld [smem:$0x3FAC]  }
0x2a: {  	p0 =	seq.s32 s5, $0x0;
	s5 =	sld [smem:$0x3FAD]  }
0x2b: {  	s6 =	sld [smem:$0x3FAE]  }
0x2c: {  	s7 =	sld [smem:$0x3FAF]  }
0x2d: {  	s3 =	simm.s32 $0x108;
	s8 =	sld [smem:$0x3FB0]  }
0x2e: {  	s3 =	simm.s32 @!p0 $0x1082;
	s9 =	sld [smem:$0x3FB1]  }
0x2f: {  	lr =	sadd.s32 s0, s3;
	s0 =	sld [smem:$0x3FA8]  }
0x30: {  	s3 =	sld [smem:$0x3FAB]  }
0x31: {  	[smem:$0x3FB4] =	sst s10  }
0x32: {  	s10 =	sld [smem:$0x3FB2];
	_ =	sdelay $0x3  }
0x33: {  	p0 =	seq.s32 s10, $0x1;
	s10 =	sld [smem:$0x3FB4];
	_ =	sdelay $0x3  }
0x34: {  	[smem:$0x3FB4] =	sst s10  }
0x35: {  	s10 =	sld [smem:$0x3FB3];
	_ =	sdelay $0x3  }
0x36: {  	p1 =	seq.s32 s10, $0x1;
	s10 =	sld [smem:$0x3FB4];
	_ =	sdelay $0x3  }
0x37: {  	[smem:$0x3FB4] =	sst s10  }
0x38: {  	s10 =	sld [smem:$0x3FB5]  }
0x39: {  	_ = 	snop;
	(pc) =	sbr.ind lr, $3  }
0x3a: {  	_ = 	snop  }
0x3b: {  	_ = 	snop  }
0x3c: {  	p2 =	seq.s32 s10, $0x1;
	s10 =	sld [smem:$0x3FB4]  }
0x3d: {  	_ =	shalt  }
0x3e: {  	_ =	shalt  }
0x3f: {  	_ =	shalt  }
0x40: {  	_ =	shalt  }
0x41: {  	_ =	shalt  }
0x42: {  	_ =	shalt  }
0x43: {  	_ =	shalt  }
0x44: {  	_ =	shalt  }
0x45: {  	_ =	shalt  }
0x46: {  	_ =	shalt  }
0x47: {  	_ =	shalt  }
0x48: {  	_ =	shalt  }
0x49: {  	_ =	shalt  }
0x4a: {  	_ =	shalt  }
0x4b: {  	_ =	shalt  }
0x4c: {  	_ =	shalt  }
0x4d: {  	_ =	shalt  }
0x4e: {  	_ =	shalt  }
0x4f: {  	_ =	shalt  }
0x50: {  	_ =	shalt  }
0x51: {  	_ =	shalt  }
0x52: {  	_ =	shalt  }
0x53: {  	_ =	shalt  }
0x54: {  	_ =	shalt  }
0x55: {  	_ =	shalt  }
0x56: {  	_ =	shalt  }
0x57: {  	_ =	shalt  }
0x58: {  	_ =	shalt  }
0x59: {  	_ =	shalt  }
0x5a: {  	_ =	shalt  }
0x5b: {  	_ =	shalt  }
0x5c: {  	_ =	shalt  }
0x5d: {  	_ =	shalt  }
0x5e: {  	_ =	shalt  }
0x5f: {  	_ =	shalt  }
0x60: {  	_ =	shalt  }
0x61: {  	_ =	shalt  }
0x62: {  	_ =	shalt  }
0x63: {  	_ =	shalt  }
0x64: {  	_ =	shalt  }
0x65: {  	_ =	shalt  }
0x66: {  	_ =	shalt  }
0x67: {  	_ =	shalt  }
0x68: {  	_ =	shalt  }
0x69: {  	_ =	shalt  }
0x6a: {  	_ =	shalt  }
0x6b: {  	_ =	shalt  }
0x6c: {  	_ =	shalt  }
0x6d: {  	_ =	shalt  }
0x6e: {  	_ =	shalt  }
0x6f: {  	_ =	shalt  }
0x70: {  	_ =	shalt  }
0x71: {  	_ =	shalt  }
0x72: {  	_ =	shalt  }
0x73: {  	_ =	shalt  }
0x74: {  	_ =	shalt  }
0x75: {  	_ =	shalt  }
0x76: {  	_ =	shalt  }
0x77: {  	_ =	shalt  }
0x78: {  	_ =	shalt  }
0x79: {  	_ =	shalt  }
0x7a: {  	_ =	shalt  }
0x7b: {  	_ =	shalt  }
0x7c: {  	_ =	shalt  }
0x7d: {  	_ =	shalt  }
0x7e: {  	_ =	shalt  }
0x7f: {  	_ =	shalt  }
0x80: {  	_ =	shalt  }
0x81: {  	_ =	shalt  }
0x82: {  	_ =	shalt  }
0x83: {  	_ =	shalt  }
0x84: {  	_ =	shalt  }
0x85: {  	_ =	shalt  }
0x86: {  	_ =	shalt  }
0x87: {  	_ =	shalt  }
.Lfunc_end0:
.L_simem_size_0:
called_computation.1_lowered:
.L_overlay_start_0:
0x88: {  	s2 =	sld [smem:$0x3FD9]  }
0x89: {  	s3 =	sld [smem:$0x3FFE];
	_ =	sdelay $0x1  }
0x8a: {  	s1 =	srdreg.scid  }
0x8b: {  	s0 =	sand.u32 $0x1, s1  }
0x8c: {  	s16 =	sshll.u32 s0, $0xA;
	s2 =	sadd.s32 s3, s2  }
0x8d: {  	s2 =	sadd.s32 s2, s16  }
0x8e: {  	[smem:$0x3FC0] =	sst s2  }
0x8f: {  	_ = 	snop  }
0x90: {  	(tm) =	ssettm $0x1  }
0x91: {  	s17 =	sld [smem:$0x3FFB];
	_ =	sdelay $0x3  }
0x92: {  	_ =	strace s17  }
0x93: {  	s2 =	sld [smem:$0x3FFC];
	_ =	sdelay $0x3  }
0x94: {  	_ =	strace s2  }
0x95: {  	s2 =	sld [smem:$0x3FFD];
	_ =	sdelay $0x3  }
0x96: {  	_ =	strace s2  }
0x97: {  	_ =	strace $0x8FFFFFFF  }
0x98: {  	s18 =	sld [smem:$0x3FDB];
	_ =	sdelay $0x1  }
0x99: {  	s19 =	simm.s32 $_scs_section_size  }
0x9a: {  	s4 =	simm.s32 $_size__tile_overlayer_lowered;
	s5 =	simm.s32 $_tile_overlayer_lowered  }
0x9b: {  	s22 =	simm.s32 $0x1BFF;
	s21 =	sshll.u32 s5, $0x1;
	s2 =	sadd.s32 s19, s18  }
0x9c: {  	s6 =	simm.s32 $0x0;
	s20 =	sshll.u32 s4, $0x1;
	s4 =	sadd.s32 s21, s2  }
0x9d: {  	[timem:s6], [sflag:s22] =	dma.local [hbm:s4], s20  }
0x9e: {  	_ =	swait.ge [sflag:s22], s20  }
0x9f: {  	s3 =	ssub.s32 $0x0, s20;
	[sflag:s22] =	ssyncset.done $0x0  }
0xa0: {  	[sflag:s22] =	ssyncadd.s32 s3;
	_ =	sdelay $0x1  }
0xa1: {  	s23 =	simm.s32 $0x1B8B  }
0xa2: {  	_ =	swait.ge [sflag:s23], $0x1  }
0xa3: {  	[sflag:s23] =	ssyncset.done $0x0  }
0xa4: {  	s25 =	simm.s32 $0x1B8E;
	s24 =	sld [smem:$0x3FFE];
	[sflag:s23] =	ssyncadd.s32 $0xFFFFFFFF  }
0xa5: {  	s26 =	simm.s32 $execute0_lowered;
	[smem:$0x3FD2] =	sst s25  }
0xa6: {  	s4 =	sshll.u32 s26, $0x1;
	_ =	strace $0x80000049;
	[dreg:$0x1] =	wrdreg $0xFFFFFFFF  }
0xa7: {  	s28 =	simm.s32 $_size_execute0_lowered;
	s2 =	sadd.s32 s2, s4;
	[dreg:$0x0] =	wrdreg $0x0  }
0xa8: {  	s4 =	sshll.u32 s28, $0x1;
	[dreg:$0x2] =	wrdreg s2  }
0xa9: {  	[dreg:$0x3] =	wrdreg s4  }
0xaa: {  	[dreg:$0x4] =	wrdreg $0xC0  }
0xab: {  	_ =	task [dreg:s6], $0x5FFFF  }
0xac: {  	[dreg:$0x1] =	wrdreg $0xFFFFFFFF  }
0xad: {  	[dreg:$0x0] =	wrdreg $0x60  }
0xae: {  	[dreg:$0x2] =	wrdreg s24  }
0xaf: {  	[dreg:$0x3] =	wrdreg $0x6A400  }
0xb0: {  	[dreg:$0x4] =	wrdreg $0x9  }
0xb1: {  	_ =	task.clear_ibuf [dreg:s6], $0x5FFFF;
	_ =	strace $0x90000049  }
0xb2: {  	s29 =	simm.s32 $0x9;
	_ =	strace $0x8000004B  }
0xb3: {  	_ =	swait.ge [sflag:s29], $0x1  }
0xb4: {  	[sflag:s29] =	ssyncadd.s32 $0xFFFFFFFF  }
0xb5: {  	_ =	strace $0x9000004B  }
0xb6: {  	_ =	sfence  }
0xb7: {  	s30 =	sld [smem:$0x0];
	_ =	sdelay $0x2  }
0xb8: {  	s31 =	sshll.u32 s1, $0xD;
	s1 =	sshrl.u32 s1, $0x2  }
0xb9: {  	s3 =	sand.u32 $0x4000, s31;
	s1 =	sadd.s32 s1, s30  }
0xba: {  	s0 =	sor.u32 s3, s0;
	s1 =	sshll.u32 s1, $0x11  }
0xbb: {  	s0 =	sor.u32 s1, s0  }
0xbc: {  	s0 =	sadd.s32 $0x8F2B, s0  }
0xbd: {  	[sflag:s0] =	ssyncadd.remote.s32 $0x1  }
0xbe: {  	_ =	sfence.sel $0xFFFF  }
0xbf: {  	[dreg:$0x0] =	wrdreg $0xFFFFFFFF;
	(pc) =	sbr.abs _section_cstart, $3  }
0xc0: {  	[dreg:$0x1] =	wrdreg $0xFFFFFFFF  }
0xc1: {  	_ =	task.clear_ibuf [dreg:s6], $0x2FFFF;
	_ =	strace $0x9FFFFFFF  }
0xc2: {  	(tm) =	ssettm $0x7FFFFFFF  }
0xc3: {  	_ =	shalt  }
tec
execute0_lowered:
.L_overlay_start_1:
0x0: {  	(tag) =	ssettag $0x1  }
0x1: {  	s0 =	rddreg [dreg:$0x0]  }
0x2: {  	s1 =	rddreg [dreg:$0x1];
	s3 =	simm.s32 $0x0;
	s13 =	stileid.u32  }
0x3: {  	s2 =	srdreg.scid;
	s16 =	simm.s32 $0x4240;
	s18 =	simm.s32 $0x50  }
0x4: {  	s19 =	simm.s32 $0xA0;
	s20 =	simm.s32 $0x140;
	s21 =	simm.s32 $0xF0  }
0x5: {  	v0 =	vimm.s32 $0xEFCDAB89;
	v1 =	vimm.s32 $0x67452301;
	s22 =	simm.s32 $0x1540;
	s23 =	simm.s32 $0x1;
	s24 =	simm.s32 $0x2  }
0x6: {  	s25 =	simm.s32 $0x2940;
	[smem:$0x7FF] =	sst s3;
	s10 =	smul.u32 $0x280, s13;
	v0 =	vunpack.c.l.s4.s8 v0;
	v1 =	vunpack.c.l.s4.s8 v1  }
0x7: {  	v2 =	vimm.s32 $0x54761032;
	v3 =	vimm.s32 $0xBA98FEDC;
	s4 =	sadd.s32 $0x14A00, s0;
	s2 =	sand.u32 $0x1, s2;
	s7 =	smul.u32 $0x32000, s13  }
0x8: {  	v4 =	vimm.s32 $0x32107654;
	s5 =	sadd.s32 $0xAC00, s0;
	s6 =	sadd.s32 $0xE00, s0;
	s17 =	smul.u32 $0x4E20, s2;
	v0 =	vunpack.c.0.s8.s32 v0;
	v1 =	vunpack.c.0.s8.s32 v1  }
0x9: {  	v5 =	vimm.s32 $0xFEDCBA98;
	v6 =	vimm.s32 $0x76543210;
	v2 =	vunpack.c.l.s4.s8 v2;
	s8 =	ssub.s32 $0x2, s2;
	s11 =	smul.u32 $0x5000, s2;
	s2 =	sshllo.u32 s2, $0x1  }
0xa: {  	s0 =	sadd.s32 $0x62C00, s0;
	v3 =	vunpack.c.l.s4.s8 v3;
	_ =	strace $0x8000004A;
	s12 =	smul.u32 $0x2800, s2;
	v0 =	vcombine.low v1, v0;
	v1 =	vimm.s32 $0xDCFE98BA  }
0xb: {  	v4 =	vunpack.c.l.s4.s8 v4;
	v5 =	vunpack.c.l.s4.s8 v5;
	s9 =	sshrl.u32 s8, $0x1;
	s7 =	sshrl.u32 s7, $0x2;
	s2 =	smul.u32 $0x2710, s2;
	v1 =	vunpack.c.l.s4.s8 v1  }
0xc: {  	v6 =	vunpack.c.l.s4.s8 v6;
	v2 =	vunpack.c.0.s8.s32 v2;
	v8 =	vunpack.c.0.s8.s32 v3;
	s15 =	ssub.s32 s8, s9;
	s8 =	smul.u32 $0x4E20, s13;
	s11 =	sadd.s32 s10, s11  }
0xd: {  	v4 =	vunpack.c.0.s8.s32 v4;
	v5 =	vunpack.c.0.s8.s32 v5;
	s7 =	sadd.s32 s7, s1;
	s31 =	smul.u32 $0xA, s11;
	s12 =	sadd.s32 s10, s12;
	v7 =	vunpack.c.0.s8.s32 v1  }
0xe: {  	vm0 =	vmmov $0x1;
	v6 =	vunpack.c.0.s8.s32 v6;
	s9 =	sadd.s32 $0x2800, s7;
	s10 =	sadd.s32 $0x5000, s7;
	v3 =	vmov s2;
	s14 =	smul.u32 $0xA, s12  }
0xf: {  	s11 =	sadd.s32 $0x7800, s7;
	s15 =	smax.u32 s15, $0x1;
	v4 =	vcombine.low v4, v8;
	s12 =	sadd.s32 $0xA000, s7;
	v2 =	vcombine.low v2, v7;
	v7 =	vand.u32 $0xF, v5  }
0x10: {  	s13 =	sadd.s32 s0, s31;
	s14 =	sadd.s32 s0, s14;
	v1 =	vmov s17;
	s17 =	simm.s32 $0x3;
	v5 =	vimm.f32 $0.0e+00;
	v6 =	vcombine.low v7, v6  }
.LBB2_1:
0x11: {  	s2 =	simm.s32 $0x140;
	s0 =	simm.s32 $0x0  }
.LBB2_2:
0x12: {  	p0 =	sne.s32 s2, $0x9EC0;
	[tilespmem:s0+$0x4280] =	vst v5;
	s26 =	smov.u32 s2;
	s2 =	sadd.s32 $0x140, s2  }
.Ltmp0:
0x13: {  	[tilespmem:s0+$0x4270] =	vst v5;
	(pc) =	sbr.rel @p0 .LBB2_2-.Ltmp0, $4  }
0x14: {  	[tilespmem:s0+$0x4260] =	vst v5  }
0x15: {  	[tilespmem:s0+$0x4240] =	vst v5  }
0x16: {  	[tilespmem:s0+$0x4250] =	vst v5  }
0x17: {  	s0 =	sshra.s32 s26, $0x2  }
0x18: {  	[tilespmem:s0+$0x4280] =	vst v5  }
0x19: {  	[tilespmem:s0+$0x4270] =	vst v5  }
0x1a: {  	[tilespmem:s0+$0x4260] =	vst v5  }
0x1b: {  	[tilespmem:s0+$0x4240] =	vst v5  }
0x1c: {  	[tilespmem:s0+$0x4250] =	vst v5  }
0x1d: {  	[spmem:s7] =	stream.linear.scatter [tilespmem:s16], [sflag:$0x3], $0x2800, $0x38;
	[tilespmem:$0x13240] =	vst v63  }
0x1e: {  	_ =	swait.ge [sflag:s17], $0x2800  }
0x1f: {  	[sflag:s17] =	ssyncset.done $0x0  }
0x20: {  	[sflag:s17] =	ssyncadd.s32 $0xFFFFD800  }
0x21: {  	[spmem:s9] =	stream.linear.scatter [tilespmem:s16], [sflag:$0x3], $0x2800, $0x38;
	[tilespmem:$0x13240] =	vst v63  }
0x22: {  	_ =	swait.ge [sflag:s17], $0x2800  }
0x23: {  	[sflag:s17] =	ssyncset.done $0x0  }
0x24: {  	[sflag:s17] =	ssyncadd.s32 $0xFFFFD800  }
0x25: {  	[spmem:s10] =	stream.linear.scatter [tilespmem:s16], [sflag:$0x3], $0x2800, $0x38;
	[tilespmem:$0x13240] =	vst v63  }
0x26: {  	_ =	swait.ge [sflag:s17], $0x2800  }
0x27: {  	[sflag:s17] =	ssyncset.done $0x0  }
0x28: {  	[sflag:s17] =	ssyncadd.s32 $0xFFFFD800  }
0x29: {  	[spmem:s11] =	stream.linear.scatter [tilespmem:s16], [sflag:$0x3], $0x2800, $0x38;
	[tilespmem:$0x13240] =	vst v63  }
0x2a: {  	_ =	swait.ge [sflag:s17], $0x2800  }
0x2b: {  	[sflag:s17] =	ssyncset.done $0x0  }
0x2c: {  	[sflag:s17] =	ssyncadd.s32 $0xFFFFD800  }
0x2d: {  	[spmem:s12] =	stream.linear.scatter [tilespmem:s16], [sflag:$0x3], $0x2800, $0x38;
	[tilespmem:$0x13240] =	vst v63  }
0x2e: {  	_ =	swait.ge [sflag:s17], $0x2800  }
0x2f: {  	[sflag:s17] =	ssyncset.done $0x0  }
0x30: {  	[sflag:s17] =	ssyncadd.s32 $0xFFFFD800  }
0x31: {  	s26 =	simm.s32 $0x0;
	s28 =	simm.s32 $0x0;
	[bflag:$0x0] =	sbarrier.arrive $0xFFFF  }
.LBB2_4:
0x32: {  	s0 =	smul.u32 $0x50, s28;
	_ =	sdelay $0x1  }
0x33: {  	s0 =	sadd.s32 s8, s0  }
0x34: {  	s0 =	sshrl.u32 s0, $0x3  }
0x35: {  	s2 =	sadd.s32 s5, s0  }
0x36: {  	[tilespmem:s26], [sflag:$0x3] =	stream.linear.gather [hbm4b:s2+s26], $0x50, $0x38;
	[tilespmem:$0x13240] =	vst v63  }
0x37: {  	_ =	swait.ge [sflag:s17], $0x50  }
0x38: {  	[sflag:s17] =	ssyncset.done $0x0  }
0x39: {  	s0 =	sadd.s32 s6, s0;
	[sflag:s17] =	ssyncadd.s32 $0xFFFFFFB0  }
0x3a: {  	[tilespmem:s18], [sflag:$0x3] =	stream.linear.gather [hbm4b:s0+s26], $0x50, $0x38;
	[tilespmem:$0x13240] =	vst v63  }
0x3b: {  	_ =	swait.ge [sflag:s17], $0x50  }
0x3c: {  	[sflag:s17] =	ssyncset.done $0x0  }
0x3d: {  	[sflag:s17] =	ssyncadd.s32 $0xFFFFFFB0  }
0x3e: {  	v7 =	vld [tilespmem:$0x0]  }
0x3f: {  	v8 =	vld [tilespmem:$0x50]  }
0x40: {  	v9 =	vld [tilespmem:$0x10]  }
0x41: {  	v10 =	vld [tilespmem:$0x60]  }
0x42: {  	v11 =	vld [tilespmem:$0x20]  }
0x43: {  	v12 =	vld [tilespmem:$0x70];
	v7 =	vadd.s32 v1, v7  }
0x44: {  	[tilespmem:$0xA0] =	vst v7;
	v7 =	vadd.s32 v1, v8;
	v8 =	vld [tilespmem:$0x30]  }
0x45: {  	[tilespmem:$0xF0] =	vst v7;
	v7 =	vadd.s32 v1, v9;
	v9 =	vld [tilespmem:$0x80]  }
0x46: {  	[tilespmem:$0xB0] =	vst v7;
	v7 =	vadd.s32 v1, v10;
	v10 =	vld [tilespmem:$0x40]  }
0x47: {  	[tilespmem:$0x100] =	vst v7;
	v7 =	vadd.s32 v1, v11;
	v11 =	vld [tilespmem:$0x90]  }
0x48: {  	[tilespmem:$0xC0] =	vst v7;
	v7 =	vadd.s32 v1, v12  }
0x49: {  	[tilespmem:$0x110] =	vst v7;
	v7 =	vadd.s32 v1, v8  }
0x4a: {  	[tilespmem:$0xD0] =	vst v7;
	v7 =	vadd.s32 v1, v9  }
0x4b: {  	[tilespmem:$0x120] =	vst v7;
	v7 =	vadd.s32 v1, v10  }
0x4c: {  	[tilespmem:$0xE0] =	vst v7;
	v7 =	vadd.s32 v1, v11  }
0x4d: {  	[tilespmem:$0x130] =	vst v7  }
0x4e: {  	[tilespmem:s20], [sflag:$0x1] =	stream.indirect.gather [hbm4b:s4+s18], $0x40, s19, s18, $0xb8;
	[tilespmem:$0x13240] =	vst v63  }
0x4f: {  	_ = 	snop  }
0x50: {  	[tilespmem:s22], [sflag:$0x2] =	stream.indirect.gather [hbm4b:s4+s18], $0x40, s21, s18, $0xb8;
	[tilespmem:$0x13240] =	vst v63  }
0x51: {  	_ =	swait.ge [sflag:s23], $0x1400  }
0x52: {  	[sflag:s23] =	ssyncset.done $0x0  }
0x53: {  	[sflag:s23] =	ssyncadd.s32 $0xFFFFEC00  }
0x54: {  	_ =	swait.ge [sflag:s24], $0x1400  }
0x55: {  	[sflag:s24] =	ssyncset.done $0x0  }
0x56: {  	s31 =	simm.s32 $0x0;
	[sflag:s24] =	ssyncadd.s32 $0xFFFFEC00  }
0x57: {  	v7 =	vld [tilespmem:s31+$0x1540]  }
0x58: {  	v8 =	vld [tilespmem:s31+$0x140]  }
0x59: {  	v9 =	vld [tilespmem:s31+$0x150]  }
0x5a: {  	v10 =	vld [tilespmem:s31+$0x1550]  }
0x5b: {  	v11 =	vld [tilespmem:s31+$0x160]  }
0x5c: {  	v63 =	vld [tilespmem:s31+$0x1560]  }
0x5d: {  	v13 =	vld [tilespmem:s31+$0x1570]  }
0x5e: {  	v14 =	vld [tilespmem:s31+$0x170]  }
0x5f: {  	v7 =	vmul.f32 v7, v8;
	v9 =	vmul.f32 v10, v9;
	_ =	sdelay $0x1  }
0x60: {  	v7 =	vadd.f32 v9, v7;
	v9 =	vmul.f32 v63, v11;
	_ =	sdelay $0x1  }
0x61: {  	v7 =	vadd.f32 v9, v7;
	v9 =	vmul.f32 v13, v14;
	_ =	sdelay $0x1  }
0x62: {  	v7 =	vadd.f32 v9, v7;
	_ =	sdelay $0x1  }
0x63: {  	v9 =	vperm.xlane v7, v0;
	_ =	sdelay $0x1  }
0x64: {  	v7 =	vadd.f32 v7, v9;
	_ =	sdelay $0x1  }
0x65: {  	v9 =	vperm.xlane v7, v2;
	_ =	sdelay $0x1  }
0x66: {  	v7 =	vadd.f32 v7, v9;
	_ =	sdelay $0x1  }
0x67: {  	v9 =	vperm.xlane v7, v4;
	_ =	sdelay $0x1  }
0x68: {  	v7 =	vadd.f32 v7, v9;
	_ =	sdelay $0x1  }
0x69: {  	v9 =	vperm.xlane v7, v6;
	_ =	sdelay $0x1  }
0x6a: {  	v7 =	vadd.f32 v7, v9;
	_ =	sdelay $0x1  }
0x6b: {  	v7 =	vmul.f32 $1.250000000e-01, v7;
	_ =	sdelay $0x1  }
0x6c: {  	v7 =	vmul.f32 $1.442695020e+00, v7;
	_ =	sdelay $0x1  }
0x6d: {  	(erf) = vpow2.f32 v7;
	_ =	sdelay $0x8  }
0x6e: {  	v7 =	vpop (erf)  }
0x6f: {  	v8 =	vmul.f32 v7, v8  }
0x70: {  	s29 =	simm.s32 $0x2960  }
0x71: {  	[tilespmem:s29+$0xFFFFFFE0] =	vst v8  }
0x72: {  	v8 =	vld [tilespmem:s31+$0x150];
	_ =	sdelay $0x4  }
0x73: {  	v8 =	vmul.f32 v7, v8;
	_ =	sdelay $0x1  }
0x74: {  	[tilespmem:s29+$0xFFFFFFF0] =	vst v8  }
0x75: {  	v8 =	vld [tilespmem:s31+$0x160];
	_ =	sdelay $0x4  }
0x76: {  	v8 =	vmul.f32 v7, v8;
	_ =	sdelay $0x1  }
0x77: {  	[tilespmem:s29+$0x0] =	vst v8  }
0x78: {  	v8 =	vld [tilespmem:s31+$0x170];
	_ =	sdelay $0x4  }
0x79: {  	v9 =	vnsel vm0, $0x0, v7;
	v7 =	vmul.f32 v8, v7  }
0x7a: {  	[tilespmem:s29+$0x20] =	vst v9  }
0x7b: {  	s30 =	simm.s32 $0x40;
	[tilespmem:s29+$0x10] =	vst v7  }
0x7c: {  	v8 =	vld [tilespmem:s30+$0x1540]  }
0x7d: {  	v7 =	vld [tilespmem:s30+$0x140]  }
0x7e: {  	s0 =	simm.s32 $0x200;
	v9 =	vld [tilespmem:s30+$0x150]  }
.LBB2_5:
0x7f: {  	p0 =	sne.s32 s0, $0x4F00;
	v10 =	vld [tilespmem:s30+$0x1550]  }
0x80: {  	v11 =	vld [tilespmem:s30+$0x160]  }
0x81: {  	v12 =	vld [tilespmem:s30+$0x1560]  }
0x82: {  	v13 =	vld [tilespmem:s30+$0x1570]  }
0x83: {  	v14 =	vld [tilespmem:s30+$0x170]  }
0x84: {  	v8 =	vmul.f32 v8, v7;
	v9 =	vmul.f32 v10, v9;
	_ =	sdelay $0x1  }
0x85: {  	v8 =	vadd.f32 v9, v8;
	v9 =	vmul.f32 v12, v11;
	_ =	sdelay $0x1  }
0x86: {  	v8 =	vadd.f32 v9, v8;
	v9 =	vmul.f32 v13, v14;
	_ =	sdelay $0x1  }
0x87: {  	v8 =	vadd.f32 v9, v8;
	_ =	sdelay $0x1  }
0x88: {  	v9 =	vperm.xlane v8, v0;
	_ =	sdelay $0x1  }
0x89: {  	v8 =	vadd.f32 v8, v9;
	_ =	sdelay $0x1  }
0x8a: {  	v9 =	vperm.xlane v8, v2;
	_ =	sdelay $0x1  }
0x8b: {  	v8 =	vadd.f32 v8, v9;
	_ =	sdelay $0x1  }
0x8c: {  	v9 =	vperm.xlane v8, v4;
	_ =	sdelay $0x1  }
0x8d: {  	v8 =	vadd.f32 v8, v9;
	_ =	sdelay $0x1  }
0x8e: {  	v9 =	vperm.xlane v8, v6;
	_ =	sdelay $0x1  }
0x8f: {  	v8 =	vadd.f32 v8, v9;
	_ =	sdelay $0x1  }
0x90: {  	v8 =	vmul.f32 $1.250000000e-01, v8;
	_ =	sdelay $0x1  }
0x91: {  	v8 =	vmul.f32 $1.442695020e+00, v8;
	_ =	sdelay $0x1  }
0x92: {  	(erf) = vpow2.f32 v8;
	_ =	sdelay $0x8  }
0x93: {  	v8 =	vpop (erf)  }
0x94: {  	v7 =	vmul.f32 v8, v7;
	v9 =	vnsel vm0, $0x0, v8  }
0x95: {  	s29 =	sadd.s32 $0x50, s29  }
0x96: {  	[tilespmem:s29+$0xFFFFFFE0] =	vst v7  }
0x97: {  	v7 =	vld [tilespmem:s30+$0x150];
	_ =	sdelay $0x4  }
0x98: {  	v7 =	vmul.f32 v8, v7;
	_ =	sdelay $0x1  }
0x99: {  	[tilespmem:s29+$0xFFFFFFF0] =	vst v7  }
0x9a: {  	v7 =	vld [tilespmem:s30+$0x160];
	_ =	sdelay $0x4  }
0x9b: {  	v7 =	vmul.f32 v8, v7;
	_ =	sdelay $0x1  }
0x9c: {  	[tilespmem:s29+$0x0] =	vst v7  }
0x9d: {  	v7 =	vld [tilespmem:s30+$0x170];
	[tilespmem:s29+$0x20] =	vst v9;
	_ =	sdelay $0x4  }
0x9e: {  	v7 =	vmul.f32 v7, v8  }
.Ltmp1:
0x9f: {  	(pc) =	sbr.rel @p0 .LBB2_5-.Ltmp1, $4  }
0xa0: {  	s30 =	sshra.s32 s0, $0x2;
	[tilespmem:s29+$0x10] =	vst v7  }
0xa1: {  	v8 =	vld [tilespmem:s30+$0x1540]  }
0xa2: {  	v7 =	vld [tilespmem:s30+$0x140]  }
0xa3: {  	s0 =	sadd.s32 $0x100, s0;
	v9 =	vld [tilespmem:s30+$0x150]  }
0xa4: {  	v10 =	vld [tilespmem:s30+$0x1550]  }
0xa5: {  	v11 =	vld [tilespmem:s30+$0x160]  }
0xa6: {  	v12 =	vld [tilespmem:s30+$0x1560]  }
0xa7: {  	v13 =	vld [tilespmem:s30+$0x1570]  }
0xa8: {  	v14 =	vld [tilespmem:s30+$0x170]  }
0xa9: {  	v8 =	vmul.f32 v8, v7;
	v9 =	vmul.f32 v10, v9;
	_ =	sdelay $0x1  }
0xaa: {  	v61 =	vmul.f32 v12, v11;
	v8 =	vadd.f32 v9, v8;
	_ =	sdelay $0x1  }
0xab: {  	v62 =	vmul.f32 v13, v14;
	v8 =	vadd.f32 v61, v8;
	_ =	sdelay $0x1  }
0xac: {  	v8 =	vadd.f32 v62, v8;
	_ =	sdelay $0x1  }
0xad: {  	v9 =	vperm.xlane v8, v0;
	_ =	sdelay $0x1  }
0xae: {  	v8 =	vadd.f32 v8, v9;
	_ =	sdelay $0x1  }
0xaf: {  	v9 =	vperm.xlane v8, v2;
	_ =	sdelay $0x1  }
0xb0: {  	v8 =	vadd.f32 v8, v9;
	_ =	sdelay $0x1  }
0xb1: {  	v9 =	vperm.xlane v8, v4;
	_ =	sdelay $0x1  }
0xb2: {  	v8 =	vadd.f32 v8, v9;
	_ =	sdelay $0x1  }
0xb3: {  	v9 =	vperm.xlane v8, v6;
	_ =	sdelay $0x1  }
0xb4: {  	v8 =	vadd.f32 v8, v9;
	_ =	sdelay $0x1  }
0xb5: {  	v8 =	vmul.f32 $1.250000000e-01, v8;
	_ =	sdelay $0x1  }
0xb6: {  	v8 =	vmul.f32 $1.442695020e+00, v8;
	_ =	sdelay $0x1  }
0xb7: {  	(erf) = vpow2.f32 v8;
	_ =	sdelay $0x8  }
0xb8: {  	v8 =	vpop (erf)  }
0xb9: {  	v7 =	vmul.f32 v8, v7  }
0xba: {  	s0 =	sadd.s32 $0x50, s29  }
0xbb: {  	[tilespmem:s0+$0xFFFFFFE0] =	vst v7  }
0xbc: {  	v7 =	vld [tilespmem:s30+$0x150];
	_ =	sdelay $0x4  }
0xbd: {  	v7 =	vmul.f32 v8, v7;
	_ =	sdelay $0x1  }
0xbe: {  	[tilespmem:s0+$0xFFFFFFF0] =	vst v7  }
0xbf: {  	v7 =	vld [tilespmem:s30+$0x160];
	_ =	sdelay $0x4  }
0xc0: {  	v7 =	vmul.f32 v8, v7;
	_ =	sdelay $0x1  }
0xc1: {  	[tilespmem:s0+$0x0] =	vst v7  }
0xc2: {  	v7 =	vld [tilespmem:s30+$0x170];
	_ =	sdelay $0x4  }
0xc3: {  	s28 =	sadd.s32 $0x1, s28;
	v63 =	vnsel vm0, $0x0, v8;
	v7 =	vmul.f32 v7, v8  }
0xc4: {  	p0 =	sne.s32 s28, $0xFA;
	[tilespmem:s0+$0x20] =	vst v63  }
.Ltmp2:
0xc5: {  	[tilespmem:s0+$0x10] =	vst v7;
	(pc) =	sbr.rel @p0 .LBB2_4-.Ltmp2, $4  }
0xc6: {  	[spmem:s1] =	stream.indirect.scatter.add.f32 [tilespmem:s25], [sflag:$0x3], $0x50, s18, s18, $0xb8;
	[tilespmem:$0x13240] =	vst v63  }
0xc7: {  	_ =	swait.ge [sflag:s17], $0x1900  }
0xc8: {  	[sflag:s17] =	ssyncset.done $0x0  }
0xc9: {  	[sflag:s17] =	ssyncadd.s32 $0xFFFFE700  }
0xca: {  	s0 =	stileid.u32  }
0xcb: {  	s0 =	sshll.u32 s0, $0x6  }
0xcc: {  	[bflag:$0x0] =	sbarrier.arrive $0xFFFF;
	s28 =	sshrl.u32 s7, $0x3;
	s26 =	sor.u32 $0x1C03, s0  }
0xcd: {  	[hbm:s13], [sflag:s26] =	dma.local [spmem:s28], $0x1900  }
0xce: {  	_ =	swait.ge [sflag:s17], $0x1900  }
0xcf: {  	[sflag:s17] =	ssyncset.done $0x0  }
0xd0: {  	[sflag:s17] =	ssyncadd.s32 $0xFFFFE700  }
0xd1: {  	[spmem:s7] =	stream.linear.scatter [tilespmem:s16], [sflag:$0x3], $0x2800, $0x38;
	[tilespmem:$0x13240] =	vst v63  }
0xd2: {  	_ =	swait.ge [sflag:s17], $0x2800  }
0xd3: {  	[sflag:s17] =	ssyncset.done $0x0  }
0xd4: {  	[sflag:s17] =	ssyncadd.s32 $0xFFFFD800  }
0xd5: {  	[spmem:s9] =	stream.linear.scatter [tilespmem:s16], [sflag:$0x3], $0x2800, $0x38;
	[tilespmem:$0x13240] =	vst v63  }
0xd6: {  	_ =	swait.ge [sflag:s17], $0x2800  }
0xd7: {  	[sflag:s17] =	ssyncset.done $0x0  }
0xd8: {  	[sflag:s17] =	ssyncadd.s32 $0xFFFFD800  }
0xd9: {  	[spmem:s10] =	stream.linear.scatter [tilespmem:s16], [sflag:$0x3], $0x2800, $0x38;
	[tilespmem:$0x13240] =	vst v63  }
0xda: {  	_ =	swait.ge [sflag:s17], $0x2800  }
0xdb: {  	[sflag:s17] =	ssyncset.done $0x0  }
0xdc: {  	[sflag:s17] =	ssyncadd.s32 $0xFFFFD800  }
0xdd: {  	[spmem:s11] =	stream.linear.scatter [tilespmem:s16], [sflag:$0x3], $0x2800, $0x38;
	[tilespmem:$0x13240] =	vst v63  }
0xde: {  	_ =	swait.ge [sflag:s17], $0x2800  }
0xdf: {  	[sflag:s17] =	ssyncset.done $0x0  }
0xe0: {  	[sflag:s17] =	ssyncadd.s32 $0xFFFFD800  }
0xe1: {  	[spmem:s12] =	stream.linear.scatter [tilespmem:s16], [sflag:$0x3], $0x2800, $0x38;
	[tilespmem:$0x13240] =	vst v63  }
0xe2: {  	_ =	swait.ge [sflag:s17], $0x2800  }
0xe3: {  	[sflag:s17] =	ssyncset.done $0x0  }
0xe4: {  	[sflag:s17] =	ssyncadd.s32 $0xFFFFD800  }
0xe5: {  	s29 =	simm.s32 $0x0;
	s30 =	simm.s32 $0x0;
	[bflag:$0x0] =	sbarrier.arrive $0xFFFF  }
.LBB2_8:
0xe6: {  	s0 =	smul.u32 $0x50, s30;
	_ =	sdelay $0x1  }
0xe7: {  	s0 =	sadd.s32 s8, s0  }
0xe8: {  	s0 =	sshrl.u32 s0, $0x3  }
0xe9: {  	s2 =	sadd.s32 s5, s0  }
0xea: {  	[tilespmem:s29], [sflag:$0x3] =	stream.linear.gather [hbm4b:s2+s29], $0x50, $0x38;
	[tilespmem:$0x13240] =	vst v63  }
0xeb: {  	_ =	swait.ge [sflag:s17], $0x50  }
0xec: {  	[sflag:s17] =	ssyncset.done $0x0  }
0xed: {  	s0 =	sadd.s32 s6, s0;
	[sflag:s17] =	ssyncadd.s32 $0xFFFFFFB0  }
0xee: {  	[tilespmem:s18], [sflag:$0x3] =	stream.linear.gather [hbm4b:s0+s29], $0x50, $0x38;
	[tilespmem:$0x13240] =	vst v63  }
0xef: {  	_ =	swait.ge [sflag:s17], $0x50  }
0xf0: {  	[sflag:s17] =	ssyncset.done $0x0  }
0xf1: {  	[sflag:s17] =	ssyncadd.s32 $0xFFFFFFB0  }
0xf2: {  	v7 =	vld [tilespmem:$0x0]  }
0xf3: {  	v8 =	vld [tilespmem:$0x50]  }
0xf4: {  	v9 =	vld [tilespmem:$0x10]  }
0xf5: {  	v10 =	vld [tilespmem:$0x60]  }
0xf6: {  	v11 =	vld [tilespmem:$0x20]  }
0xf7: {  	v12 =	vld [tilespmem:$0x70];
	v7 =	vadd.s32 v3, v7  }
0xf8: {  	[tilespmem:$0xA0] =	vst v7;
	v7 =	vadd.s32 v3, v8;
	v8 =	vld [tilespmem:$0x30]  }
0xf9: {  	[tilespmem:$0xF0] =	vst v7;
	v7 =	vadd.s32 v3, v9;
	v9 =	vld [tilespmem:$0x80]  }
0xfa: {  	[tilespmem:$0xB0] =	vst v7;
	v7 =	vadd.s32 v3, v10;
	v10 =	vld [tilespmem:$0x40]  }
0xfb: {  	[tilespmem:$0x100] =	vst v7;
	v7 =	vadd.s32 v3, v11;
	v11 =	vld [tilespmem:$0x90]  }
0xfc: {  	[tilespmem:$0xC0] =	vst v7;
	v7 =	vadd.s32 v3, v12  }
0xfd: {  	[tilespmem:$0x110] =	vst v7;
	v7 =	vadd.s32 v3, v8  }
0xfe: {  	[tilespmem:$0xD0] =	vst v7;
	v7 =	vadd.s32 v3, v9  }
0xff: {  	[tilespmem:$0x120] =	vst v7;
	v7 =	vadd.s32 v3, v10  }
0x100: {  	[tilespmem:$0xE0] =	vst v7;
	v7 =	vadd.s32 v3, v11  }
0x101: {  	[tilespmem:$0x130] =	vst v7  }
0x102: {  	[tilespmem:s20], [sflag:$0x1] =	stream.indirect.gather [hbm4b:s4+s18], $0x40, s19, s18, $0xb8;
	[tilespmem:$0x13240] =	vst v63  }
0x103: {  	_ = 	snop  }
0x104: {  	[tilespmem:s22], [sflag:$0x2] =	stream.indirect.gather [hbm4b:s4+s18], $0x40, s21, s18, $0xb8;
	[tilespmem:$0x13240] =	vst v63  }
0x105: {  	_ =	swait.ge [sflag:s23], $0x1400  }
0x106: {  	[sflag:s23] =	ssyncset.done $0x0  }
0x107: {  	[sflag:s23] =	ssyncadd.s32 $0xFFFFEC00  }
0x108: {  	_ =	swait.ge [sflag:s24], $0x1400  }
0x109: {  	[sflag:s24] =	ssyncset.done $0x0  }
0x10a: {  	s2 =	simm.s32 $0x0;
	[sflag:s24] =	ssyncadd.s32 $0xFFFFEC00  }
0x10b: {  	v7 =	vld [tilespmem:s2+$0x1540]  }
0x10c: {  	v8 =	vld [tilespmem:s2+$0x140]  }
0x10d: {  	v9 =	vld [tilespmem:s2+$0x150]  }
0x10e: {  	v10 =	vld [tilespmem:s2+$0x1550]  }
0x10f: {  	v11 =	vld [tilespmem:s2+$0x160]  }
0x110: {  	v63 =	vld [tilespmem:s2+$0x1560]  }
0x111: {  	v13 =	vld [tilespmem:s2+$0x1570]  }
0x112: {  	v14 =	vld [tilespmem:s2+$0x170]  }
0x113: {  	v7 =	vmul.f32 v7, v8;
	v9 =	vmul.f32 v10, v9;
	_ =	sdelay $0x1  }
0x114: {  	v7 =	vadd.f32 v9, v7;
	v9 =	vmul.f32 v63, v11;
	_ =	sdelay $0x1  }
0x115: {  	v7 =	vadd.f32 v9, v7;
	v9 =	vmul.f32 v13, v14;
	_ =	sdelay $0x1  }
0x116: {  	v7 =	vadd.f32 v9, v7;
	_ =	sdelay $0x1  }
0x117: {  	v9 =	vperm.xlane v7, v0;
	_ =	sdelay $0x1  }
0x118: {  	v7 =	vadd.f32 v7, v9;
	_ =	sdelay $0x1  }
0x119: {  	v9 =	vperm.xlane v7, v2;
	_ =	sdelay $0x1  }
0x11a: {  	v7 =	vadd.f32 v7, v9;
	_ =	sdelay $0x1  }
0x11b: {  	v9 =	vperm.xlane v7, v4;
	_ =	sdelay $0x1  }
0x11c: {  	v7 =	vadd.f32 v7, v9;
	_ =	sdelay $0x1  }
0x11d: {  	v9 =	vperm.xlane v7, v6;
	_ =	sdelay $0x1  }
0x11e: {  	v7 =	vadd.f32 v7, v9;
	_ =	sdelay $0x1  }
0x11f: {  	v7 =	vmul.f32 $1.250000000e-01, v7;
	_ =	sdelay $0x1  }
0x120: {  	v7 =	vmul.f32 $1.442695020e+00, v7;
	_ =	sdelay $0x1  }
0x121: {  	(erf) = vpow2.f32 v7;
	_ =	sdelay $0x8  }
0x122: {  	v7 =	vpop (erf)  }
0x123: {  	v8 =	vmul.f32 v7, v8  }
0x124: {  	s31 =	simm.s32 $0x2960  }
0x125: {  	[tilespmem:s31+$0xFFFFFFE0] =	vst v8  }
0x126: {  	v8 =	vld [tilespmem:s2+$0x150];
	_ =	sdelay $0x4  }
0x127: {  	v8 =	vmul.f32 v7, v8;
	_ =	sdelay $0x1  }
0x128: {  	[tilespmem:s31+$0xFFFFFFF0] =	vst v8  }
0x129: {  	v8 =	vld [tilespmem:s2+$0x160];
	_ =	sdelay $0x4  }
0x12a: {  	v8 =	vmul.f32 v7, v8;
	_ =	sdelay $0x1  }
0x12b: {  	[tilespmem:s31+$0x0] =	vst v8  }
0x12c: {  	v8 =	vld [tilespmem:s2+$0x170];
	_ =	sdelay $0x4  }
0x12d: {  	v9 =	vnsel vm0, $0x0, v7;
	v7 =	vmul.f32 v8, v7  }
0x12e: {  	[tilespmem:s31+$0x20] =	vst v9  }
0x12f: {  	s0 =	simm.s32 $0x40;
	[tilespmem:s31+$0x10] =	vst v7  }
0x130: {  	v8 =	vld [tilespmem:s0+$0x1540]  }
0x131: {  	v7 =	vld [tilespmem:s0+$0x140]  }
0x132: {  	s2 =	simm.s32 $0x200;
	v9 =	vld [tilespmem:s0+$0x150]  }
.LBB2_9:
0x133: {  	p0 =	sne.s32 s2, $0x4F00;
	v10 =	vld [tilespmem:s0+$0x1550]  }
0x134: {  	v11 =	vld [tilespmem:s0+$0x160]  }
0x135: {  	v12 =	vld [tilespmem:s0+$0x1560]  }
0x136: {  	v13 =	vld [tilespmem:s0+$0x1570]  }
0x137: {  	v14 =	vld [tilespmem:s0+$0x170]  }
0x138: {  	v8 =	vmul.f32 v8, v7;
	v9 =	vmul.f32 v10, v9;
	_ =	sdelay $0x1  }
0x139: {  	v8 =	vadd.f32 v9, v8;
	v9 =	vmul.f32 v12, v11;
	_ =	sdelay $0x1  }
0x13a: {  	v8 =	vadd.f32 v9, v8;
	v9 =	vmul.f32 v13, v14;
	_ =	sdelay $0x1  }
0x13b: {  	v8 =	vadd.f32 v9, v8;
	_ =	sdelay $0x1  }
0x13c: {  	v9 =	vperm.xlane v8, v0;
	_ =	sdelay $0x1  }
0x13d: {  	v8 =	vadd.f32 v8, v9;
	_ =	sdelay $0x1  }
0x13e: {  	v9 =	vperm.xlane v8, v2;
	_ =	sdelay $0x1  }
0x13f: {  	v8 =	vadd.f32 v8, v9;
	_ =	sdelay $0x1  }
0x140: {  	v9 =	vperm.xlane v8, v4;
	_ =	sdelay $0x1  }
0x141: {  	v8 =	vadd.f32 v8, v9;
	_ =	sdelay $0x1  }
0x142: {  	v9 =	vperm.xlane v8, v6;
	_ =	sdelay $0x1  }
0x143: {  	v8 =	vadd.f32 v8, v9;
	_ =	sdelay $0x1  }
0x144: {  	v8 =	vmul.f32 $1.250000000e-01, v8;
	_ =	sdelay $0x1  }
0x145: {  	v8 =	vmul.f32 $1.442695020e+00, v8;
	_ =	sdelay $0x1  }
0x146: {  	(erf) = vpow2.f32 v8;
	_ =	sdelay $0x8  }
0x147: {  	v8 =	vpop (erf)  }
0x148: {  	v7 =	vmul.f32 v8, v7;
	v9 =	vnsel vm0, $0x0, v8  }
0x149: {  	s31 =	sadd.s32 $0x50, s31  }
0x14a: {  	[tilespmem:s31+$0xFFFFFFE0] =	vst v7  }
0x14b: {  	v7 =	vld [tilespmem:s0+$0x150];
	_ =	sdelay $0x4  }
0x14c: {  	v7 =	vmul.f32 v8, v7;
	_ =	sdelay $0x1  }
0x14d: {  	[tilespmem:s31+$0xFFFFFFF0] =	vst v7  }
0x14e: {  	v7 =	vld [tilespmem:s0+$0x160];
	_ =	sdelay $0x4  }
0x14f: {  	v7 =	vmul.f32 v8, v7;
	_ =	sdelay $0x1  }
0x150: {  	[tilespmem:s31+$0x0] =	vst v7  }
0x151: {  	v7 =	vld [tilespmem:s0+$0x170];
	[tilespmem:s31+$0x20] =	vst v9;
	_ =	sdelay $0x4  }
0x152: {  	v7 =	vmul.f32 v7, v8  }
.Ltmp3:
0x153: {  	(pc) =	sbr.rel @p0 .LBB2_9-.Ltmp3, $4  }
0x154: {  	s0 =	sshra.s32 s2, $0x2;
	[tilespmem:s31+$0x10] =	vst v7  }
0x155: {  	v8 =	vld [tilespmem:s0+$0x1540]  }
0x156: {  	v7 =	vld [tilespmem:s0+$0x140]  }
0x157: {  	s2 =	sadd.s32 $0x100, s2;
	v9 =	vld [tilespmem:s0+$0x150]  }
0x158: {  	v10 =	vld [tilespmem:s0+$0x1550]  }
0x159: {  	v11 =	vld [tilespmem:s0+$0x160]  }
0x15a: {  	v12 =	vld [tilespmem:s0+$0x1560]  }
0x15b: {  	v13 =	vld [tilespmem:s0+$0x1570]  }
0x15c: {  	v14 =	vld [tilespmem:s0+$0x170]  }
0x15d: {  	v8 =	vmul.f32 v8, v7;
	v9 =	vmul.f32 v10, v9;
	_ =	sdelay $0x1  }
0x15e: {  	v61 =	vmul.f32 v12, v11;
	v8 =	vadd.f32 v9, v8;
	_ =	sdelay $0x1  }
0x15f: {  	v62 =	vmul.f32 v13, v14;
	v8 =	vadd.f32 v61, v8;
	_ =	sdelay $0x1  }
0x160: {  	v8 =	vadd.f32 v62, v8;
	_ =	sdelay $0x1  }
0x161: {  	v9 =	vperm.xlane v8, v0;
	_ =	sdelay $0x1  }
0x162: {  	v8 =	vadd.f32 v8, v9;
	_ =	sdelay $0x1  }
0x163: {  	v9 =	vperm.xlane v8, v2;
	_ =	sdelay $0x1  }
0x164: {  	v8 =	vadd.f32 v8, v9;
	_ =	sdelay $0x1  }
0x165: {  	v9 =	vperm.xlane v8, v4;
	_ =	sdelay $0x1  }
0x166: {  	v8 =	vadd.f32 v8, v9;
	_ =	sdelay $0x1  }
0x167: {  	v9 =	vperm.xlane v8, v6;
	_ =	sdelay $0x1  }
0x168: {  	v8 =	vadd.f32 v8, v9;
	_ =	sdelay $0x1  }
0x169: {  	v8 =	vmul.f32 $1.250000000e-01, v8;
	_ =	sdelay $0x1  }
0x16a: {  	v8 =	vmul.f32 $1.442695020e+00, v8;
	_ =	sdelay $0x1  }
0x16b: {  	(erf) = vpow2.f32 v8;
	_ =	sdelay $0x8  }
0x16c: {  	v8 =	vpop (erf)  }
0x16d: {  	v7 =	vmul.f32 v8, v7  }
0x16e: {  	s2 =	sadd.s32 $0x50, s31  }
0x16f: {  	[tilespmem:s2+$0xFFFFFFE0] =	vst v7  }
0x170: {  	v7 =	vld [tilespmem:s0+$0x150];
	_ =	sdelay $0x4  }
0x171: {  	v7 =	vmul.f32 v8, v7;
	_ =	sdelay $0x1  }
0x172: {  	[tilespmem:s2+$0xFFFFFFF0] =	vst v7  }
0x173: {  	v7 =	vld [tilespmem:s0+$0x160];
	_ =	sdelay $0x4  }
0x174: {  	v7 =	vmul.f32 v8, v7;
	_ =	sdelay $0x1  }
0x175: {  	[tilespmem:s2+$0x0] =	vst v7  }
0x176: {  	v7 =	vld [tilespmem:s0+$0x170];
	_ =	sdelay $0x4  }
0x177: {  	s30 =	sadd.s32 $0x1, s30;
	v63 =	vnsel vm0, $0x0, v8;
	v7 =	vmul.f32 v7, v8  }
0x178: {  	p0 =	sne.s32 s30, $0xFA;
	[tilespmem:s2+$0x20] =	vst v63  }
.Ltmp4:
0x179: {  	[tilespmem:s2+$0x10] =	vst v7;
	(pc) =	sbr.rel @p0 .LBB2_8-.Ltmp4, $4  }
0x17a: {  	[spmem:s1] =	stream.indirect.scatter.add.f32 [tilespmem:s25], [sflag:$0x3], $0x50, s18, s18, $0xb8;
	[tilespmem:$0x13240] =	vst v63  }
0x17b: {  	_ =	swait.ge [sflag:s17], $0x1900  }
0x17c: {  	[sflag:s17] =	ssyncset.done $0x0  }
0x17d: {  	[sflag:s17] =	ssyncadd.s32 $0xFFFFE700  }
0x17e: {  	s3 =	sadd.s32 $0x1, s3  }
0x17f: {  	p0 =	sne.s32 s3, s15  }
.Ltmp5:
0x180: {  	[bflag:$0x0] =	sbarrier.arrive $0xFFFF;
	(pc) =	sbr.rel @p0 .LBB2_1-.Ltmp5, $4  }
0x181: {  	[hbm:s14], [sflag:s26] =	dma.local [spmem:s28], $0x1900  }
0x182: {  	_ =	swait.ge [sflag:s17], $0x1900  }
0x183: {  	[sflag:s17] =	ssyncset.done $0x0  }
0x184: {  	[sflag:s17] =	ssyncadd.s32 $0xFFFFE700  }
0x185: {  	_ =	sfence.sel $0x180000  }
0x186: {  	[bflag:$0x0] =	sbarrier.arrive $0xFFFF  }
0x187: {  	_ =	strace $0x9000004A  }
0x188: {  	s0 =	stileid.u32;
	[bflag:$0x2] =	sbarrier.arrive $0xFFFF  }
0x189: {  	p0 =	sne.s32 s0, $0x0;
	s0 =	rddreg [dreg:$0x2]  }
0x18a: {  	s0 =	sadd.s32 @!p0 $0x100000, s0  }
0x18b: {  	[sflag:s0] =	ssyncadd.tile.s32 @!p0 $0x1;
	_ =	shalt  }
.Lfunc_end2:
_tile_overlayer_lowered:
.L_overlay_start_2:
0x18c: {  	(tag) =	ssettag $0x2  }
0x18d: {  	s0 =	rddreg [dreg:$0x0];
	s2 =	stileid.u32  }
0x18e: {  	s1 =	rddreg [dreg:$0x1];
	p0 =	sne.s32 s2, $0x0  }
0x18f: {  	s3 =	rddreg [dreg:$0x2];
	[bflag:$0x3] =	sbarrier.arrive $0xFFFF;
	s2 =	simm.s32 @!p0 $0x1C03  }
0x190: {  	[timem:s3], [sflag:s2] =	dma.local @!p0 [hbm:s0], s1  }
0x191: {  	s0 =	simm.s32 @!p0 $0x3  }
0x192: {  	_ =	swait.ge @!p0 [sflag:s0], s1  }
0x193: {  	s1 =	ssub.s32 @!p0 $0x0, s1;
	[sflag:s0] =	ssyncset.done @!p0 $0x0  }
0x194: {  	[sflag:s0] =	ssyncadd.s32 @!p0 s1  }
0x195: {  	[bflag:$0x3] =	sbarrier.arrive $0xFFFF  }
0x196: {  	_ =	shalt  }

// kernel: kernel.7.cloned.1.call-start
scs
__scs_entry_jumppad:
0x0: {  	(pc) =	sbr.rel $0x88, $3  }
0x1: {  	(tag) =	ssettag $0x0;
	lr =	simm.s32 $0x1  }
0x2: {  	[smem:$0x3F99] =	sst lr;
	_ =	strace $0xD0000000  }
0x3: {  	_ = 	snop  }
0x4: {  	_ = 	snop  }
0x5: {  	_ = 	snop  }
0x6: {  	_ = 	snop  }
0x7: {  	_ = 	snop  }
__scs_overlays_trampoline_lowered:
0x8: {  	[smem:$0x3FA8] =	sst s0  }
0x9: {  	[smem:$0x3FA9] =	sst s1  }
0xa: {  	[smem:$0x3FAA] =	sst s2  }
0xb: {  	[smem:$0x3FAB] =	sst s3  }
0xc: {  	[smem:$0x3FAC] =	sst s4  }
0xd: {  	[smem:$0x3FAD] =	sst s5  }
0xe: {  	[smem:$0x3FAE] =	sst s6  }
0xf: {  	[smem:$0x3FAF] =	sst s7  }
0x10: {  	[smem:$0x3FB0] =	sst s8  }
0x11: {  	[smem:$0x3FB1] =	sst s9;
	s0 =	simm.s32 @!p0 $0x0  }
0x12: {  	s1 =	sld [smem:$0x3F97];
	s0 =	simm.s32 @p0 $0x1  }
0x13: {  	[smem:$0x3FB2] =	sst s0;
	s0 =	simm.s32 @!p1 $0x0  }
0x14: {  	s2 =	sld [smem:$0x3F96];
	s0 =	simm.s32 @p1 $0x1  }
0x15: {  	[smem:$0x3FB3] =	sst s0;
	s0 =	simm.s32 @!p2 $0x0  }
0x16: {  	s3 =	sld [smem:$0x3FDB];
	s0 =	simm.s32 @p2 $0x1  }
0x17: {  	s4 =	simm.s32 $0x1BF5;
	[smem:$0x3FB5] =	sst s0  }
0x18: {  	s0 =	sld [smem:$0x3F98];
	_ =	swait.ge [sflag:s4], $0x0  }
0x19: {  	s7 =	sld [smem:$0x3F99]  }
0x1a: {  	s8 =	sadd.s32 $0xFFFFE003, lr  }
0x1b: {  	s9 =	sadd.s32 $0xFFFFFEF7, lr;
	s5 =	simm.s32 $0xFFFFFFFF;
	p2 =	slt.u32 s8, $0xFFFFF086  }
0x1c: {  	p1 =	slt.u32 s9, $0xF7A;
	s5 =	simm.s32 @!p2 $0x0  }
0x1d: {  	s5 =	simm.s32 @p1 $0x1;
	p0 =	seq.s32 s7, s2  }
0x1e: {  	s7 =	smul.u32 @!p0 $0xF7A, s2;
	p2 =	seq.s32 @!p0 s5, $0x0  }
0x1f: {  	s9 =	smul.u32 $0xF7A, s1;
	s8 =	simm.s32 @!p0 $0x1BF5;
	p2 =	por !p2, p0  }
0x20: {  	[sflag:s8] =	ssyncset.s32 @!p0 $0xFFFFF086;
	s6 =	sadd.s32 @!p0 s3, s7;
	s7 =	simm.s32 @!p0 $0x108  }
0x21: {  	s3 =	sadd.s32 s3, s9;
	s6 =	sadd.s32 @!p0 $0x88, s6;
	s7 =	simm.s32 @p2 $0x1082  }
0x22: {  	[simem:s7], [sflag:s8] =	dma.local @!p0 [hbm:s6], $0xF7A  }
0x23: {  	s9 =	sor.u32 $0xD0000000, s2;
	s6 =	simm.s32 $0x108;
	_ =	swait.ge @!p0 [sflag:s8], $0x0  }
0x24: {  	s3 =	sadd.s32 $0x88, s3;
	s6 =	simm.s32 @!p1 $0x1082;
	[sflag:s4] =	ssyncset.s32 $0xFFFFF086  }
0x25: {  	[simem:s6], [sflag:s4] =	dma.local [hbm:s3], $0xF7A  }
0x26: {  	[smem:$0x3F99] =	sst s1;
	(tag) =	ssettag s2;
	_ =	strace s9  }
0x27: {  	s1 =	sld [smem:$0x3FA9]  }
0x28: {  	s2 =	sld [smem:$0x3FAA]  }
0x29: {  	s4 =	sld [smem:$0x3FAC]  }
0x2a: {  	p0 =	seq.s32 s5, $0x0;
	s5 =	sld [smem:$0x3FAD]  }
0x2b: {  	s6 =	sld [smem:$0x3FAE]  }
0x2c: {  	s7 =	sld [smem:$0x3FAF]  }
0x2d: {  	s3 =	simm.s32 $0x108;
	s8 =	sld [smem:$0x3FB0]  }
0x2e: {  	s3 =	simm.s32 @!p0 $0x1082;
	s9 =	sld [smem:$0x3FB1]  }
0x2f: {  	lr =	sadd.s32 s0, s3;
	s0 =	sld [smem:$0x3FA8]  }
0x30: {  	s3 =	sld [smem:$0x3FAB]  }
0x31: {  	[smem:$0x3FB4] =	sst s10  }
0x32: {  	s10 =	sld [smem:$0x3FB2];
	_ =	sdelay $0x3  }
0x33: {  	p0 =	seq.s32 s10, $0x1;
	s10 =	sld [smem:$0x3FB4];
	_ =	sdelay $0x3  }
0x34: {  	[smem:$0x3FB4] =	sst s10  }
0x35: {  	s10 =	sld [smem:$0x3FB3];
	_ =	sdelay $0x3  }
0x36: {  	p1 =	seq.s32 s10, $0x1;
	s10 =	sld [smem:$0x3FB4];
	_ =	sdelay $0x3  }
0x37: {  	[smem:$0x3FB4] =	sst s10  }
0x38: {  	s10 =	sld [smem:$0x3FB5]  }
0x39: {  	_ = 	snop;
	(pc) =	sbr.ind lr, $3  }
0x3a: {  	_ = 	snop  }
0x3b: {  	_ = 	snop  }
0x3c: {  	p2 =	seq.s32 s10, $0x1;
	s10 =	sld [smem:$0x3FB4]  }
0x3d: {  	_ =	shalt  }
0x3e: {  	_ =	shalt  }
0x3f: {  	_ =	shalt  }
0x40: {  	_ =	shalt  }
0x41: {  	_ =	shalt  }
0x42: {  	_ =	shalt  }
0x43: {  	_ =	shalt  }
0x44: {  	_ =	shalt  }
0x45: {  	_ =	shalt  }
0x46: {  	_ =	shalt  }
0x47: {  	_ =	shalt  }
0x48: {  	_ =	shalt  }
0x49: {  	_ =	shalt  }
0x4a: {  	_ =	shalt  }
0x4b: {  	_ =	shalt  }
0x4c: {  	_ =	shalt  }
0x4d: {  	_ =	shalt  }
0x4e: {  	_ =	shalt  }
0x4f: {  	_ =	shalt  }
0x50: {  	_ =	shalt  }
0x51: {  	_ =	shalt  }
0x52: {  	_ =	shalt  }
0x53: {  	_ =	shalt  }
0x54: {  	_ =	shalt  }
0x55: {  	_ =	shalt  }
0x56: {  	_ =	shalt  }
0x57: {  	_ =	shalt  }
0x58: {  	_ =	shalt  }
0x59: {  	_ =	shalt  }
0x5a: {  	_ =	shalt  }
0x5b: {  	_ =	shalt  }
0x5c: {  	_ =	shalt  }
0x5d: {  	_ =	shalt  }
0x5e: {  	_ =	shalt  }
0x5f: {  	_ =	shalt  }
0x60: {  	_ =	shalt  }
0x61: {  	_ =	shalt  }
0x62: {  	_ =	shalt  }
0x63: {  	_ =	shalt  }
0x64: {  	_ =	shalt  }
0x65: {  	_ =	shalt  }
0x66: {  	_ =	shalt  }
0x67: {  	_ =	shalt  }
0x68: {  	_ =	shalt  }
0x69: {  	_ =	shalt  }
0x6a: {  	_ =	shalt  }
0x6b: {  	_ =	shalt  }
0x6c: {  	_ =	shalt  }
0x6d: {  	_ =	shalt  }
0x6e: {  	_ =	shalt  }
0x6f: {  	_ =	shalt  }
0x70: {  	_ =	shalt  }
0x71: {  	_ =	shalt  }
0x72: {  	_ =	shalt  }
0x73: {  	_ =	shalt  }
0x74: {  	_ =	shalt  }
0x75: {  	_ =	shalt  }
0x76: {  	_ =	shalt  }
0x77: {  	_ =	shalt  }
0x78: {  	_ =	shalt  }
0x79: {  	_ =	shalt  }
0x7a: {  	_ =	shalt  }
0x7b: {  	_ =	shalt  }
0x7c: {  	_ =	shalt  }
0x7d: {  	_ =	shalt  }
0x7e: {  	_ =	shalt  }
0x7f: {  	_ =	shalt  }
0x80: {  	_ =	shalt  }
0x81: {  	_ =	shalt  }
0x82: {  	_ =	shalt  }
0x83: {  	_ =	shalt  }
0x84: {  	_ =	shalt  }
0x85: {  	_ =	shalt  }
0x86: {  	_ =	shalt  }
0x87: {  	_ =	shalt  }
.Lfunc_end0:
.L_simem_size_0:
called_computation_lowered:
.L_overlay_start_0:
0x88: {  	s2 =	sld [smem:$0x3FD9]  }
0x89: {  	s3 =	sld [smem:$0x3FFE];
	_ =	sdelay $0x1  }
0x8a: {  	s1 =	srdreg.scid  }
0x8b: {  	s0 =	sand.u32 $0x1, s1  }
0x8c: {  	s16 =	sshll.u32 s0, $0xA;
	s2 =	sadd.s32 s3, s2  }
0x8d: {  	s2 =	sadd.s32 s2, s16  }
0x8e: {  	[smem:$0x3FC0] =	sst s2  }
0x8f: {  	_ = 	snop  }
0x90: {  	(tm) =	ssettm $0x1  }
0x91: {  	s17 =	sld [smem:$0x3FFB];
	_ =	sdelay $0x3  }
0x92: {  	_ =	strace s17  }
0x93: {  	s2 =	sld [smem:$0x3FFC];
	_ =	sdelay $0x3  }
0x94: {  	_ =	strace s2  }
0x95: {  	s2 =	sld [smem:$0x3FFD];
	_ =	sdelay $0x3  }
0x96: {  	_ =	strace s2  }
0x97: {  	_ =	strace $0x8FFFFFFF  }
0x98: {  	s18 =	sld [smem:$0x3FDB];
	_ =	sdelay $0x1  }
0x99: {  	s19 =	simm.s32 $_scs_section_size  }
0x9a: {  	s4 =	simm.s32 $_size__tile_overlayer_lowered;
	s5 =	simm.s32 $_tile_overlayer_lowered  }
0x9b: {  	s22 =	simm.s32 $0x1BFF;
	s21 =	sshll.u32 s5, $0x1;
	s2 =	sadd.s32 s19, s18  }
0x9c: {  	s6 =	simm.s32 $0x0;
	s20 =	sshll.u32 s4, $0x1;
	s4 =	sadd.s32 s21, s2  }
0x9d: {  	[timem:s6], [sflag:s22] =	dma.local [hbm:s4], s20  }
0x9e: {  	_ =	swait.ge [sflag:s22], s20  }
0x9f: {  	s3 =	ssub.s32 $0x0, s20;
	[sflag:s22] =	ssyncset.done $0x0  }
0xa0: {  	[sflag:s22] =	ssyncadd.s32 s3;
	_ =	sdelay $0x1  }
0xa1: {  	s23 =	simm.s32 $0x1B8B  }
0xa2: {  	_ =	swait.ge [sflag:s23], $0x1  }
0xa3: {  	[sflag:s23] =	ssyncset.done $0x0  }
0xa4: {  	s25 =	simm.s32 $0x1B8E;
	s24 =	sld [smem:$0x3FFE];
	[sflag:s23] =	ssyncadd.s32 $0xFFFFFFFF  }
0xa5: {  	s26 =	simm.s32 $execute0_lowered;
	[smem:$0x3FD2] =	sst s25  }
0xa6: {  	s4 =	sshll.u32 s26, $0x1;
	_ =	strace $0x80000046;
	[dreg:$0x1] =	wrdreg $0xFFFFFFFF  }
0xa7: {  	s28 =	simm.s32 $_size_execute0_lowered;
	s2 =	sadd.s32 s2, s4;
	[dreg:$0x0] =	wrdreg $0x0  }
0xa8: {  	s4 =	sshll.u32 s28, $0x1;
	[dreg:$0x2] =	wrdreg s2  }
0xa9: {  	[dreg:$0x3] =	wrdreg s4  }
0xaa: {  	[dreg:$0x4] =	wrdreg $0xC0  }
0xab: {  	_ =	task [dreg:s6], $0x5FFFF  }
0xac: {  	[dreg:$0x1] =	wrdreg $0xFFFFFFFF  }
0xad: {  	[dreg:$0x0] =	wrdreg $0x60  }
0xae: {  	[dreg:$0x2] =	wrdreg s24  }
0xaf: {  	[dreg:$0x3] =	wrdreg $0x6A400  }
0xb0: {  	[dreg:$0x4] =	wrdreg $0x9  }
0xb1: {  	_ =	task.clear_ibuf [dreg:s6], $0x5FFFF;
	_ =	strace $0x90000046  }
0xb2: {  	s29 =	simm.s32 $0x9;
	_ =	strace $0x80000048  }
0xb3: {  	_ =	swait.ge [sflag:s29], $0x1  }
0xb4: {  	[sflag:s29] =	ssyncadd.s32 $0xFFFFFFFF  }
0xb5: {  	_ =	strace $0x90000048  }
0xb6: {  	_ =	sfence  }
0xb7: {  	s30 =	sld [smem:$0x0];
	_ =	sdelay $0x2  }
0xb8: {  	s31 =	sshll.u32 s1, $0xD;
	s1 =	sshrl.u32 s1, $0x2  }
0xb9: {  	s3 =	sand.u32 $0x4000, s31;
	s1 =	sadd.s32 s1, s30  }
0xba: {  	s0 =	sor.u32 s3, s0;
	s1 =	sshll.u32 s1, $0x11  }
0xbb: {  	s0 =	sor.u32 s1, s0  }
0xbc: {  	s0 =	sadd.s32 $0x8F2B, s0  }
0xbd: {  	[sflag:s0] =	ssyncadd.remote.s32 $0x1  }
0xbe: {  	_ =	sfence.sel $0xFFFF  }
0xbf: {  	[dreg:$0x0] =	wrdreg $0xFFFFFFFF;
	(pc) =	sbr.abs _section_cstart, $3  }
0xc0: {  	[dreg:$0x1] =	wrdreg $0xFFFFFFFF  }
0xc1: {  	_ =	task.clear_ibuf [dreg:s6], $0x2FFFF;
	_ =	strace $0x9FFFFFFF  }
0xc2: {  	(tm) =	ssettm $0x7FFFFFFF  }
0xc3: {  	_ =	shalt  }
tec
execute0_lowered:
.L_overlay_start_1:
0x0: {  	(tag) =	ssettag $0x1  }
0x1: {  	s0 =	rddreg [dreg:$0x0]  }
0x2: {  	s1 =	rddreg [dreg:$0x1];
	s3 =	simm.s32 $0x0;
	s13 =	stileid.u32  }
0x3: {  	s2 =	srdreg.scid;
	s16 =	simm.s32 $0x4240;
	s18 =	simm.s32 $0x50  }
0x4: {  	s19 =	simm.s32 $0xA0;
	s20 =	simm.s32 $0x140;
	s21 =	simm.s32 $0xF0  }
0x5: {  	v0 =	vimm.s32 $0xEFCDAB89;
	v1 =	vimm.s32 $0x67452301;
	s22 =	simm.s32 $0x1540;
	s23 =	simm.s32 $0x1;
	s24 =	simm.s32 $0x2  }
0x6: {  	s25 =	simm.s32 $0x2940;
	[smem:$0x7FF] =	sst s3;
	s10 =	smul.u32 $0x280, s13;
	v0 =	vunpack.c.l.s4.s8 v0;
	v1 =	vunpack.c.l.s4.s8 v1  }
0x7: {  	v2 =	vimm.s32 $0x54761032;
	v3 =	vimm.s32 $0xBA98FEDC;
	s4 =	sadd.s32 $0xB0E00, s0;
	s2 =	sand.u32 $0x1, s2;
	s7 =	smul.u32 $0x32000, s13  }
0x8: {  	v4 =	vimm.s32 $0x32107654;
	s5 =	sadd.s32 $0xAC00, s0;
	s6 =	sadd.s32 $0xE00, s0;
	s17 =	smul.u32 $0x4E20, s2;
	v0 =	vunpack.c.0.s8.s32 v0;
	v1 =	vunpack.c.0.s8.s32 v1  }
0x9: {  	v5 =	vimm.s32 $0xFEDCBA98;
	v6 =	vimm.s32 $0x76543210;
	v2 =	vunpack.c.l.s4.s8 v2;
	s8 =	ssub.s32 $0x2, s2;
	s11 =	smul.u32 $0x5000, s2;
	s2 =	sshllo.u32 s2, $0x1  }
0xa: {  	s0 =	sadd.s32 $0x14A00, s0;
	v3 =	vunpack.c.l.s4.s8 v3;
	_ =	strace $0x80000047;
	s12 =	smul.u32 $0x2800, s2;
	v0 =	vcombine.low v1, v0;
	v1 =	vimm.s32 $0xDCFE98BA  }
0xb: {  	v4 =	vunpack.c.l.s4.s8 v4;
	v5 =	vunpack.c.l.s4.s8 v5;
	s9 =	sshrl.u32 s8, $0x1;
	s7 =	sshrl.u32 s7, $0x2;
	s2 =	smul.u32 $0x2710, s2;
	v1 =	vunpack.c.l.s4.s8 v1  }
0xc: {  	v6 =	vunpack.c.l.s4.s8 v6;
	v2 =	vunpack.c.0.s8.s32 v2;
	v8 =	vunpack.c.0.s8.s32 v3;
	s15 =	ssub.s32 s8, s9;
	s8 =	smul.u32 $0x4E20, s13;
	s11 =	sadd.s32 s10, s11  }
0xd: {  	v4 =	vunpack.c.0.s8.s32 v4;
	v5 =	vunpack.c.0.s8.s32 v5;
	s7 =	sadd.s32 s7, s1;
	s31 =	smul.u32 $0xA, s11;
	s12 =	sadd.s32 s10, s12;
	v7 =	vunpack.c.0.s8.s32 v1  }
0xe: {  	vm0 =	vmmov $0x1;
	v6 =	vunpack.c.0.s8.s32 v6;
	s9 =	sadd.s32 $0x2800, s7;
	s10 =	sadd.s32 $0x5000, s7;
	v3 =	vmov s2;
	s14 =	smul.u32 $0xA, s12  }
0xf: {  	s11 =	sadd.s32 $0x7800, s7;
	s15 =	smax.u32 s15, $0x1;
	v4 =	vcombine.low v4, v8;
	s12 =	sadd.s32 $0xA000, s7;
	v2 =	vcombine.low v2, v7;
	v7 =	vand.u32 $0xF, v5  }
0x10: {  	s13 =	sadd.s32 s0, s31;
	s14 =	sadd.s32 s0, s14;
	v1 =	vmov s17;
	s17 =	simm.s32 $0x3;
	v5 =	vimm.f32 $0.0e+00;
	v6 =	vcombine.low v7, v6  }
.LBB2_1:
0x11: {  	s2 =	simm.s32 $0x140;
	s0 =	simm.s32 $0x0  }
.LBB2_2:
0x12: {  	p0 =	sne.s32 s2, $0x9EC0;
	[tilespmem:s0+$0x4280] =	vst v5;
	s26 =	smov.u32 s2;
	s2 =	sadd.s32 $0x140, s2  }
.Ltmp0:
0x13: {  	[tilespmem:s0+$0x4270] =	vst v5;
	(pc) =	sbr.rel @p0 .LBB2_2-.Ltmp0, $4  }
0x14: {  	[tilespmem:s0+$0x4260] =	vst v5  }
0x15: {  	[tilespmem:s0+$0x4240] =	vst v5  }
0x16: {  	[tilespmem:s0+$0x4250] =	vst v5  }
0x17: {  	s0 =	sshra.s32 s26, $0x2  }
0x18: {  	[tilespmem:s0+$0x4280] =	vst v5  }
0x19: {  	[tilespmem:s0+$0x4270] =	vst v5  }
0x1a: {  	[tilespmem:s0+$0x4260] =	vst v5  }
0x1b: {  	[tilespmem:s0+$0x4240] =	vst v5  }
0x1c: {  	[tilespmem:s0+$0x4250] =	vst v5  }
0x1d: {  	[spmem:s7] =	stream.linear.scatter [tilespmem:s16], [sflag:$0x3], $0x2800, $0x38;
	[tilespmem:$0x13240] =	vst v63  }
0x1e: {  	_ =	swait.ge [sflag:s17], $0x2800  }
0x1f: {  	[sflag:s17] =	ssyncset.done $0x0  }
0x20: {  	[sflag:s17] =	ssyncadd.s32 $0xFFFFD800  }
0x21: {  	[spmem:s9] =	stream.linear.scatter [tilespmem:s16], [sflag:$0x3], $0x2800, $0x38;
	[tilespmem:$0x13240] =	vst v63  }
0x22: {  	_ =	swait.ge [sflag:s17], $0x2800  }
0x23: {  	[sflag:s17] =	ssyncset.done $0x0  }
0x24: {  	[sflag:s17] =	ssyncadd.s32 $0xFFFFD800  }
0x25: {  	[spmem:s10] =	stream.linear.scatter [tilespmem:s16], [sflag:$0x3], $0x2800, $0x38;
	[tilespmem:$0x13240] =	vst v63  }
0x26: {  	_ =	swait.ge [sflag:s17], $0x2800  }
0x27: {  	[sflag:s17] =	ssyncset.done $0x0  }
0x28: {  	[sflag:s17] =	ssyncadd.s32 $0xFFFFD800  }
0x29: {  	[spmem:s11] =	stream.linear.scatter [tilespmem:s16], [sflag:$0x3], $0x2800, $0x38;
	[tilespmem:$0x13240] =	vst v63  }
0x2a: {  	_ =	swait.ge [sflag:s17], $0x2800  }
0x2b: {  	[sflag:s17] =	ssyncset.done $0x0  }
0x2c: {  	[sflag:s17] =	ssyncadd.s32 $0xFFFFD800  }
0x2d: {  	[spmem:s12] =	stream.linear.scatter [tilespmem:s16], [sflag:$0x3], $0x2800, $0x38;
	[tilespmem:$0x13240] =	vst v63  }
0x2e: {  	_ =	swait.ge [sflag:s17], $0x2800  }
0x2f: {  	[sflag:s17] =	ssyncset.done $0x0  }
0x30: {  	[sflag:s17] =	ssyncadd.s32 $0xFFFFD800  }
0x31: {  	s26 =	simm.s32 $0x0;
	s28 =	simm.s32 $0x0;
	[bflag:$0x0] =	sbarrier.arrive $0xFFFF  }
.LBB2_4:
0x32: {  	s0 =	smul.u32 $0x50, s28;
	_ =	sdelay $0x1  }
0x33: {  	s0 =	sadd.s32 s8, s0  }
0x34: {  	s0 =	sshrl.u32 s0, $0x3  }
0x35: {  	s2 =	sadd.s32 s5, s0  }
0x36: {  	[tilespmem:s26], [sflag:$0x3] =	stream.linear.gather [hbm4b:s2+s26], $0x50, $0x38;
	[tilespmem:$0x13240] =	vst v63  }
0x37: {  	_ =	swait.ge [sflag:s17], $0x50  }
0x38: {  	[sflag:s17] =	ssyncset.done $0x0  }
0x39: {  	s0 =	sadd.s32 s6, s0;
	[sflag:s17] =	ssyncadd.s32 $0xFFFFFFB0  }
0x3a: {  	[tilespmem:s18], [sflag:$0x3] =	stream.linear.gather [hbm4b:s0+s26], $0x50, $0x38;
	[tilespmem:$0x13240] =	vst v63  }
0x3b: {  	_ =	swait.ge [sflag:s17], $0x50  }
0x3c: {  	[sflag:s17] =	ssyncset.done $0x0  }
0x3d: {  	[sflag:s17] =	ssyncadd.s32 $0xFFFFFFB0  }
0x3e: {  	v7 =	vld [tilespmem:$0x0]  }
0x3f: {  	v8 =	vld [tilespmem:$0x50]  }
0x40: {  	v9 =	vld [tilespmem:$0x10]  }
0x41: {  	v10 =	vld [tilespmem:$0x60]  }
0x42: {  	v11 =	vld [tilespmem:$0x20]  }
0x43: {  	v12 =	vld [tilespmem:$0x70];
	v7 =	vadd.s32 v1, v7  }
0x44: {  	[tilespmem:$0xA0] =	vst v7;
	v7 =	vadd.s32 v1, v8;
	v8 =	vld [tilespmem:$0x30]  }
0x45: {  	[tilespmem:$0xF0] =	vst v7;
	v7 =	vadd.s32 v1, v9;
	v9 =	vld [tilespmem:$0x80]  }
0x46: {  	[tilespmem:$0xB0] =	vst v7;
	v7 =	vadd.s32 v1, v10;
	v10 =	vld [tilespmem:$0x40]  }
0x47: {  	[tilespmem:$0x100] =	vst v7;
	v7 =	vadd.s32 v1, v11;
	v11 =	vld [tilespmem:$0x90]  }
0x48: {  	[tilespmem:$0xC0] =	vst v7;
	v7 =	vadd.s32 v1, v12  }
0x49: {  	[tilespmem:$0x110] =	vst v7;
	v7 =	vadd.s32 v1, v8  }
0x4a: {  	[tilespmem:$0xD0] =	vst v7;
	v7 =	vadd.s32 v1, v9  }
0x4b: {  	[tilespmem:$0x120] =	vst v7;
	v7 =	vadd.s32 v1, v10  }
0x4c: {  	[tilespmem:$0xE0] =	vst v7;
	v7 =	vadd.s32 v1, v11  }
0x4d: {  	[tilespmem:$0x130] =	vst v7  }
0x4e: {  	[tilespmem:s20], [sflag:$0x1] =	stream.indirect.gather [hbm4b:s4+s18], $0x40, s19, s18, $0xb8;
	[tilespmem:$0x13240] =	vst v63  }
0x4f: {  	_ = 	snop  }
0x50: {  	[tilespmem:s22], [sflag:$0x2] =	stream.indirect.gather [hbm4b:s4+s18], $0x40, s21, s18, $0xb8;
	[tilespmem:$0x13240] =	vst v63  }
0x51: {  	_ =	swait.ge [sflag:s23], $0x1400  }
0x52: {  	[sflag:s23] =	ssyncset.done $0x0  }
0x53: {  	[sflag:s23] =	ssyncadd.s32 $0xFFFFEC00  }
0x54: {  	_ =	swait.ge [sflag:s24], $0x1400  }
0x55: {  	[sflag:s24] =	ssyncset.done $0x0  }
0x56: {  	s31 =	simm.s32 $0x0;
	[sflag:s24] =	ssyncadd.s32 $0xFFFFEC00  }
0x57: {  	v7 =	vld [tilespmem:s31+$0x1540]  }
0x58: {  	v8 =	vld [tilespmem:s31+$0x140]  }
0x59: {  	v9 =	vld [tilespmem:s31+$0x150]  }
0x5a: {  	v10 =	vld [tilespmem:s31+$0x1550]  }
0x5b: {  	v11 =	vld [tilespmem:s31+$0x160]  }
0x5c: {  	v63 =	vld [tilespmem:s31+$0x1560]  }
0x5d: {  	v13 =	vld [tilespmem:s31+$0x1570]  }
0x5e: {  	v14 =	vld [tilespmem:s31+$0x170]  }
0x5f: {  	v7 =	vmul.f32 v7, v8;
	v9 =	vmul.f32 v10, v9;
	_ =	sdelay $0x1  }
0x60: {  	v7 =	vadd.f32 v9, v7;
	v9 =	vmul.f32 v63, v11;
	_ =	sdelay $0x1  }
0x61: {  	v7 =	vadd.f32 v9, v7;
	v9 =	vmul.f32 v13, v14;
	_ =	sdelay $0x1  }
0x62: {  	v7 =	vadd.f32 v9, v7;
	_ =	sdelay $0x1  }
0x63: {  	v9 =	vperm.xlane v7, v0;
	_ =	sdelay $0x1  }
0x64: {  	v7 =	vadd.f32 v7, v9;
	_ =	sdelay $0x1  }
0x65: {  	v9 =	vperm.xlane v7, v2;
	_ =	sdelay $0x1  }
0x66: {  	v7 =	vadd.f32 v7, v9;
	_ =	sdelay $0x1  }
0x67: {  	v9 =	vperm.xlane v7, v4;
	_ =	sdelay $0x1  }
0x68: {  	v7 =	vadd.f32 v7, v9;
	_ =	sdelay $0x1  }
0x69: {  	v9 =	vperm.xlane v7, v6;
	_ =	sdelay $0x1  }
0x6a: {  	v7 =	vadd.f32 v7, v9;
	_ =	sdelay $0x1  }
0x6b: {  	v7 =	vmul.f32 $1.250000000e-01, v7;
	_ =	sdelay $0x1  }
0x6c: {  	v7 =	vmul.f32 $1.442695020e+00, v7;
	_ =	sdelay $0x1  }
0x6d: {  	(erf) = vpow2.f32 v7;
	_ =	sdelay $0x8  }
0x6e: {  	v7 =	vpop (erf)  }
0x6f: {  	v8 =	vmul.f32 v7, v8  }
0x70: {  	s29 =	simm.s32 $0x2960  }
0x71: {  	[tilespmem:s29+$0xFFFFFFE0] =	vst v8  }
0x72: {  	v8 =	vld [tilespmem:s31+$0x150];
	_ =	sdelay $0x4  }
0x73: {  	v8 =	vmul.f32 v7, v8;
	_ =	sdelay $0x1  }
0x74: {  	[tilespmem:s29+$0xFFFFFFF0] =	vst v8  }
0x75: {  	v8 =	vld [tilespmem:s31+$0x160];
	_ =	sdelay $0x4  }
0x76: {  	v8 =	vmul.f32 v7, v8;
	_ =	sdelay $0x1  }
0x77: {  	[tilespmem:s29+$0x0] =	vst v8  }
0x78: {  	v8 =	vld [tilespmem:s31+$0x170];
	_ =	sdelay $0x4  }
0x79: {  	v9 =	vnsel vm0, $0x0, v7;
	v7 =	vmul.f32 v8, v7  }
0x7a: {  	[tilespmem:s29+$0x20] =	vst v9  }
0x7b: {  	s30 =	simm.s32 $0x40;
	[tilespmem:s29+$0x10] =	vst v7  }
0x7c: {  	v8 =	vld [tilespmem:s30+$0x1540]  }
0x7d: {  	v7 =	vld [tilespmem:s30+$0x140]  }
0x7e: {  	s0 =	simm.s32 $0x200;
	v9 =	vld [tilespmem:s30+$0x150]  }
.LBB2_5:
0x7f: {  	p0 =	sne.s32 s0, $0x4F00;
	v10 =	vld [tilespmem:s30+$0x1550]  }
0x80: {  	v11 =	vld [tilespmem:s30+$0x160]  }
0x81: {  	v12 =	vld [tilespmem:s30+$0x1560]  }
0x82: {  	v13 =	vld [tilespmem:s30+$0x1570]  }
0x83: {  	v14 =	vld [tilespmem:s30+$0x170]  }
0x84: {  	v8 =	vmul.f32 v8, v7;
	v9 =	vmul.f32 v10, v9;
	_ =	sdelay $0x1  }
0x85: {  	v8 =	vadd.f32 v9, v8;
	v9 =	vmul.f32 v12, v11;
	_ =	sdelay $0x1  }
0x86: {  	v8 =	vadd.f32 v9, v8;
	v9 =	vmul.f32 v13, v14;
	_ =	sdelay $0x1  }
0x87: {  	v8 =	vadd.f32 v9, v8;
	_ =	sdelay $0x1  }
0x88: {  	v9 =	vperm.xlane v8, v0;
	_ =	sdelay $0x1  }
0x89: {  	v8 =	vadd.f32 v8, v9;
	_ =	sdelay $0x1  }
0x8a: {  	v9 =	vperm.xlane v8, v2;
	_ =	sdelay $0x1  }
0x8b: {  	v8 =	vadd.f32 v8, v9;
	_ =	sdelay $0x1  }
0x8c: {  	v9 =	vperm.xlane v8, v4;
	_ =	sdelay $0x1  }
0x8d: {  	v8 =	vadd.f32 v8, v9;
	_ =	sdelay $0x1  }
0x8e: {  	v9 =	vperm.xlane v8, v6;
	_ =	sdelay $0x1  }
0x8f: {  	v8 =	vadd.f32 v8, v9;
	_ =	sdelay $0x1  }
0x90: {  	v8 =	vmul.f32 $1.250000000e-01, v8;
	_ =	sdelay $0x1  }
0x91: {  	v8 =	vmul.f32 $1.442695020e+00, v8;
	_ =	sdelay $0x1  }
0x92: {  	(erf) = vpow2.f32 v8;
	_ =	sdelay $0x8  }
0x93: {  	v8 =	vpop (erf)  }
0x94: {  	v7 =	vmul.f32 v8, v7;
	v9 =	vnsel vm0, $0x0, v8  }
0x95: {  	s29 =	sadd.s32 $0x50, s29  }
0x96: {  	[tilespmem:s29+$0xFFFFFFE0] =	vst v7  }
0x97: {  	v7 =	vld [tilespmem:s30+$0x150];
	_ =	sdelay $0x4  }
0x98: {  	v7 =	vmul.f32 v8, v7;
	_ =	sdelay $0x1  }
0x99: {  	[tilespmem:s29+$0xFFFFFFF0] =	vst v7  }
0x9a: {  	v7 =	vld [tilespmem:s30+$0x160];
	_ =	sdelay $0x4  }
0x9b: {  	v7 =	vmul.f32 v8, v7;
	_ =	sdelay $0x1  }
0x9c: {  	[tilespmem:s29+$0x0] =	vst v7  }
0x9d: {  	v7 =	vld [tilespmem:s30+$0x170];
	[tilespmem:s29+$0x20] =	vst v9;
	_ =	sdelay $0x4  }
0x9e: {  	v7 =	vmul.f32 v7, v8  }
.Ltmp1:
0x9f: {  	(pc) =	sbr.rel @p0 .LBB2_5-.Ltmp1, $4  }
0xa0: {  	s30 =	sshra.s32 s0, $0x2;
	[tilespmem:s29+$0x10] =	vst v7  }
0xa1: {  	v8 =	vld [tilespmem:s30+$0x1540]  }
0xa2: {  	v7 =	vld [tilespmem:s30+$0x140]  }
0xa3: {  	s0 =	sadd.s32 $0x100, s0;
	v9 =	vld [tilespmem:s30+$0x150]  }
0xa4: {  	v10 =	vld [tilespmem:s30+$0x1550]  }
0xa5: {  	v11 =	vld [tilespmem:s30+$0x160]  }
0xa6: {  	v12 =	vld [tilespmem:s30+$0x1560]  }
0xa7: {  	v13 =	vld [tilespmem:s30+$0x1570]  }
0xa8: {  	v14 =	vld [tilespmem:s30+$0x170]  }
0xa9: {  	v8 =	vmul.f32 v8, v7;
	v9 =	vmul.f32 v10, v9;
	_ =	sdelay $0x1  }
0xaa: {  	v61 =	vmul.f32 v12, v11;
	v8 =	vadd.f32 v9, v8;
	_ =	sdelay $0x1  }
0xab: {  	v62 =	vmul.f32 v13, v14;
	v8 =	vadd.f32 v61, v8;
	_ =	sdelay $0x1  }
0xac: {  	v8 =	vadd.f32 v62, v8;
	_ =	sdelay $0x1  }
0xad: {  	v9 =	vperm.xlane v8, v0;
	_ =	sdelay $0x1  }
0xae: {  	v8 =	vadd.f32 v8, v9;
	_ =	sdelay $0x1  }
0xaf: {  	v9 =	vperm.xlane v8, v2;
	_ =	sdelay $0x1  }
0xb0: {  	v8 =	vadd.f32 v8, v9;
	_ =	sdelay $0x1  }
0xb1: {  	v9 =	vperm.xlane v8, v4;
	_ =	sdelay $0x1  }
0xb2: {  	v8 =	vadd.f32 v8, v9;
	_ =	sdelay $0x1  }
0xb3: {  	v9 =	vperm.xlane v8, v6;
	_ =	sdelay $0x1  }
0xb4: {  	v8 =	vadd.f32 v8, v9;
	_ =	sdelay $0x1  }
0xb5: {  	v8 =	vmul.f32 $1.250000000e-01, v8;
	_ =	sdelay $0x1  }
0xb6: {  	v8 =	vmul.f32 $1.442695020e+00, v8;
	_ =	sdelay $0x1  }
0xb7: {  	(erf) = vpow2.f32 v8;
	_ =	sdelay $0x8  }
0xb8: {  	v8 =	vpop (erf)  }
0xb9: {  	v7 =	vmul.f32 v8, v7  }
0xba: {  	s0 =	sadd.s32 $0x50, s29  }
0xbb: {  	[tilespmem:s0+$0xFFFFFFE0] =	vst v7  }
0xbc: {  	v7 =	vld [tilespmem:s30+$0x150];
	_ =	sdelay $0x4  }
0xbd: {  	v7 =	vmul.f32 v8, v7;
	_ =	sdelay $0x1  }
0xbe: {  	[tilespmem:s0+$0xFFFFFFF0] =	vst v7  }
0xbf: {  	v7 =	vld [tilespmem:s30+$0x160];
	_ =	sdelay $0x4  }
0xc0: {  	v7 =	vmul.f32 v8, v7;
	_ =	sdelay $0x1  }
0xc1: {  	[tilespmem:s0+$0x0] =	vst v7  }
0xc2: {  	v7 =	vld [tilespmem:s30+$0x170];
	_ =	sdelay $0x4  }
0xc3: {  	s28 =	sadd.s32 $0x1, s28;
	v63 =	vnsel vm0, $0x0, v8;
	v7 =	vmul.f32 v7, v8  }
0xc4: {  	p0 =	sne.s32 s28, $0xFA;
	[tilespmem:s0+$0x20] =	vst v63  }
.Ltmp2:
0xc5: {  	[tilespmem:s0+$0x10] =	vst v7;
	(pc) =	sbr.rel @p0 .LBB2_4-.Ltmp2, $4  }
0xc6: {  	[spmem:s1] =	stream.indirect.scatter.add.f32 [tilespmem:s25], [sflag:$0x3], $0x50, s18, s18, $0xb8;
	[tilespmem:$0x13240] =	vst v63  }
0xc7: {  	_ =	swait.ge [sflag:s17], $0x1900  }
0xc8: {  	[sflag:s17] =	ssyncset.done $0x0  }
0xc9: {  	[sflag:s17] =	ssyncadd.s32 $0xFFFFE700  }
0xca: {  	s0 =	stileid.u32  }
0xcb: {  	s0 =	sshll.u32 s0, $0x6  }
0xcc: {  	[bflag:$0x0] =	sbarrier.arrive $0xFFFF;
	s28 =	sshrl.u32 s7, $0x3;
	s26 =	sor.u32 $0x1C03, s0  }
0xcd: {  	[hbm:s13], [sflag:s26] =	dma.local [spmem:s28], $0x1900  }
0xce: {  	_ =	swait.ge [sflag:s17], $0x1900  }
0xcf: {  	[sflag:s17] =	ssyncset.done $0x0  }
0xd0: {  	[sflag:s17] =	ssyncadd.s32 $0xFFFFE700  }
0xd1: {  	[spmem:s7] =	stream.linear.scatter [tilespmem:s16], [sflag:$0x3], $0x2800, $0x38;
	[tilespmem:$0x13240] =	vst v63  }
0xd2: {  	_ =	swait.ge [sflag:s17], $0x2800  }
0xd3: {  	[sflag:s17] =	ssyncset.done $0x0  }
0xd4: {  	[sflag:s17] =	ssyncadd.s32 $0xFFFFD800  }
0xd5: {  	[spmem:s9] =	stream.linear.scatter [tilespmem:s16], [sflag:$0x3], $0x2800, $0x38;
	[tilespmem:$0x13240] =	vst v63  }
0xd6: {  	_ =	swait.ge [sflag:s17], $0x2800  }
0xd7: {  	[sflag:s17] =	ssyncset.done $0x0  }
0xd8: {  	[sflag:s17] =	ssyncadd.s32 $0xFFFFD800  }
0xd9: {  	[spmem:s10] =	stream.linear.scatter [tilespmem:s16], [sflag:$0x3], $0x2800, $0x38;
	[tilespmem:$0x13240] =	vst v63  }
0xda: {  	_ =	swait.ge [sflag:s17], $0x2800  }
0xdb: {  	[sflag:s17] =	ssyncset.done $0x0  }
0xdc: {  	[sflag:s17] =	ssyncadd.s32 $0xFFFFD800  }
0xdd: {  	[spmem:s11] =	stream.linear.scatter [tilespmem:s16], [sflag:$0x3], $0x2800, $0x38;
	[tilespmem:$0x13240] =	vst v63  }
0xde: {  	_ =	swait.ge [sflag:s17], $0x2800  }
0xdf: {  	[sflag:s17] =	ssyncset.done $0x0  }
0xe0: {  	[sflag:s17] =	ssyncadd.s32 $0xFFFFD800  }
0xe1: {  	[spmem:s12] =	stream.linear.scatter [tilespmem:s16], [sflag:$0x3], $0x2800, $0x38;
	[tilespmem:$0x13240] =	vst v63  }
0xe2: {  	_ =	swait.ge [sflag:s17], $0x2800  }
0xe3: {  	[sflag:s17] =	ssyncset.done $0x0  }
0xe4: {  	[sflag:s17] =	ssyncadd.s32 $0xFFFFD800  }
0xe5: {  	s29 =	simm.s32 $0x0;
	s30 =	simm.s32 $0x0;
	[bflag:$0x0] =	sbarrier.arrive $0xFFFF  }
.LBB2_8:
0xe6: {  	s0 =	smul.u32 $0x50, s30;
	_ =	sdelay $0x1  }
0xe7: {  	s0 =	sadd.s32 s8, s0  }
0xe8: {  	s0 =	sshrl.u32 s0, $0x3  }
0xe9: {  	s2 =	sadd.s32 s5, s0  }
0xea: {  	[tilespmem:s29], [sflag:$0x3] =	stream.linear.gather [hbm4b:s2+s29], $0x50, $0x38;
	[tilespmem:$0x13240] =	vst v63  }
0xeb: {  	_ =	swait.ge [sflag:s17], $0x50  }
0xec: {  	[sflag:s17] =	ssyncset.done $0x0  }
0xed: {  	s0 =	sadd.s32 s6, s0;
	[sflag:s17] =	ssyncadd.s32 $0xFFFFFFB0  }
0xee: {  	[tilespmem:s18], [sflag:$0x3] =	stream.linear.gather [hbm4b:s0+s29], $0x50, $0x38;
	[tilespmem:$0x13240] =	vst v63  }
0xef: {  	_ =	swait.ge [sflag:s17], $0x50  }
0xf0: {  	[sflag:s17] =	ssyncset.done $0x0  }
0xf1: {  	[sflag:s17] =	ssyncadd.s32 $0xFFFFFFB0  }
0xf2: {  	v7 =	vld [tilespmem:$0x0]  }
0xf3: {  	v8 =	vld [tilespmem:$0x50]  }
0xf4: {  	v9 =	vld [tilespmem:$0x10]  }
0xf5: {  	v10 =	vld [tilespmem:$0x60]  }
0xf6: {  	v11 =	vld [tilespmem:$0x20]  }
0xf7: {  	v12 =	vld [tilespmem:$0x70];
	v7 =	vadd.s32 v3, v7  }
0xf8: {  	[tilespmem:$0xA0] =	vst v7;
	v7 =	vadd.s32 v3, v8;
	v8 =	vld [tilespmem:$0x30]  }
0xf9: {  	[tilespmem:$0xF0] =	vst v7;
	v7 =	vadd.s32 v3, v9;
	v9 =	vld [tilespmem:$0x80]  }
0xfa: {  	[tilespmem:$0xB0] =	vst v7;
	v7 =	vadd.s32 v3, v10;
	v10 =	vld [tilespmem:$0x40]  }
0xfb: {  	[tilespmem:$0x100] =	vst v7;
	v7 =	vadd.s32 v3, v11;
	v11 =	vld [tilespmem:$0x90]  }
0xfc: {  	[tilespmem:$0xC0] =	vst v7;
	v7 =	vadd.s32 v3, v12  }
0xfd: {  	[tilespmem:$0x110] =	vst v7;
	v7 =	vadd.s32 v3, v8  }
0xfe: {  	[tilespmem:$0xD0] =	vst v7;
	v7 =	vadd.s32 v3, v9  }
0xff: {  	[tilespmem:$0x120] =	vst v7;
	v7 =	vadd.s32 v3, v10  }
0x100: {  	[tilespmem:$0xE0] =	vst v7;
	v7 =	vadd.s32 v3, v11  }
0x101: {  	[tilespmem:$0x130] =	vst v7  }
0x102: {  	[tilespmem:s20], [sflag:$0x1] =	stream.indirect.gather [hbm4b:s4+s18], $0x40, s19, s18, $0xb8;
	[tilespmem:$0x13240] =	vst v63  }
0x103: {  	_ = 	snop  }
0x104: {  	[tilespmem:s22], [sflag:$0x2] =	stream.indirect.gather [hbm4b:s4+s18], $0x40, s21, s18, $0xb8;
	[tilespmem:$0x13240] =	vst v63  }
0x105: {  	_ =	swait.ge [sflag:s23], $0x1400  }
0x106: {  	[sflag:s23] =	ssyncset.done $0x0  }
0x107: {  	[sflag:s23] =	ssyncadd.s32 $0xFFFFEC00  }
0x108: {  	_ =	swait.ge [sflag:s24], $0x1400  }
0x109: {  	[sflag:s24] =	ssyncset.done $0x0  }
0x10a: {  	s2 =	simm.s32 $0x0;
	[sflag:s24] =	ssyncadd.s32 $0xFFFFEC00  }
0x10b: {  	v7 =	vld [tilespmem:s2+$0x1540]  }
0x10c: {  	v8 =	vld [tilespmem:s2+$0x140]  }
0x10d: {  	v9 =	vld [tilespmem:s2+$0x150]  }
0x10e: {  	v10 =	vld [tilespmem:s2+$0x1550]  }
0x10f: {  	v11 =	vld [tilespmem:s2+$0x160]  }
0x110: {  	v63 =	vld [tilespmem:s2+$0x1560]  }
0x111: {  	v13 =	vld [tilespmem:s2+$0x1570]  }
0x112: {  	v14 =	vld [tilespmem:s2+$0x170]  }
0x113: {  	v7 =	vmul.f32 v7, v8;
	v9 =	vmul.f32 v10, v9;
	_ =	sdelay $0x1  }
0x114: {  	v7 =	vadd.f32 v9, v7;
	v9 =	vmul.f32 v63, v11;
	_ =	sdelay $0x1  }
0x115: {  	v7 =	vadd.f32 v9, v7;
	v9 =	vmul.f32 v13, v14;
	_ =	sdelay $0x1  }
0x116: {  	v7 =	vadd.f32 v9, v7;
	_ =	sdelay $0x1  }
0x117: {  	v9 =	vperm.xlane v7, v0;
	_ =	sdelay $0x1  }
0x118: {  	v7 =	vadd.f32 v7, v9;
	_ =	sdelay $0x1  }
0x119: {  	v9 =	vperm.xlane v7, v2;
	_ =	sdelay $0x1  }
0x11a: {  	v7 =	vadd.f32 v7, v9;
	_ =	sdelay $0x1  }
0x11b: {  	v9 =	vperm.xlane v7, v4;
	_ =	sdelay $0x1  }
0x11c: {  	v7 =	vadd.f32 v7, v9;
	_ =	sdelay $0x1  }
0x11d: {  	v9 =	vperm.xlane v7, v6;
	_ =	sdelay $0x1  }
0x11e: {  	v7 =	vadd.f32 v7, v9;
	_ =	sdelay $0x1  }
0x11f: {  	v7 =	vmul.f32 $1.250000000e-01, v7;
	_ =	sdelay $0x1  }
0x120: {  	v7 =	vmul.f32 $1.442695020e+00, v7;
	_ =	sdelay $0x1  }
0x121: {  	(erf) = vpow2.f32 v7;
	_ =	sdelay $0x8  }
0x122: {  	v7 =	vpop (erf)  }
0x123: {  	v8 =	vmul.f32 v7, v8  }
0x124: {  	s31 =	simm.s32 $0x2960  }
0x125: {  	[tilespmem:s31+$0xFFFFFFE0] =	vst v8  }
0x126: {  	v8 =	vld [tilespmem:s2+$0x150];
	_ =	sdelay $0x4  }
0x127: {  	v8 =	vmul.f32 v7, v8;
	_ =	sdelay $0x1  }
0x128: {  	[tilespmem:s31+$0xFFFFFFF0] =	vst v8  }
0x129: {  	v8 =	vld [tilespmem:s2+$0x160];
	_ =	sdelay $0x4  }
0x12a: {  	v8 =	vmul.f32 v7, v8;
	_ =	sdelay $0x1  }
0x12b: {  	[tilespmem:s31+$0x0] =	vst v8  }
0x12c: {  	v8 =	vld [tilespmem:s2+$0x170];
	_ =	sdelay $0x4  }
0x12d: {  	v9 =	vnsel vm0, $0x0, v7;
	v7 =	vmul.f32 v8, v7  }
0x12e: {  	[tilespmem:s31+$0x20] =	vst v9  }
0x12f: {  	s0 =	simm.s32 $0x40;
	[tilespmem:s31+$0x10] =	vst v7  }
0x130: {  	v8 =	vld [tilespmem:s0+$0x1540]  }
0x131: {  	v7 =	vld [tilespmem:s0+$0x140]  }
0x132: {  	s2 =	simm.s32 $0x200;
	v9 =	vld [tilespmem:s0+$0x150]  }
.LBB2_9:
0x133: {  	p0 =	sne.s32 s2, $0x4F00;
	v10 =	vld [tilespmem:s0+$0x1550]  }
0x134: {  	v11 =	vld [tilespmem:s0+$0x160]  }
0x135: {  	v12 =	vld [tilespmem:s0+$0x1560]  }
0x136: {  	v13 =	vld [tilespmem:s0+$0x1570]  }
0x137: {  	v14 =	vld [tilespmem:s0+$0x170]  }
0x138: {  	v8 =	vmul.f32 v8, v7;
	v9 =	vmul.f32 v10, v9;
	_ =	sdelay $0x1  }
0x139: {  	v8 =	vadd.f32 v9, v8;
	v9 =	vmul.f32 v12, v11;
	_ =	sdelay $0x1  }
0x13a: {  	v8 =	vadd.f32 v9, v8;
	v9 =	vmul.f32 v13, v14;
	_ =	sdelay $0x1  }
0x13b: {  	v8 =	vadd.f32 v9, v8;
	_ =	sdelay $0x1  }
0x13c: {  	v9 =	vperm.xlane v8, v0;
	_ =	sdelay $0x1  }
0x13d: {  	v8 =	vadd.f32 v8, v9;
	_ =	sdelay $0x1  }
0x13e: {  	v9 =	vperm.xlane v8, v2;
	_ =	sdelay $0x1  }
0x13f: {  	v8 =	vadd.f32 v8, v9;
	_ =	sdelay $0x1  }
0x140: {  	v9 =	vperm.xlane v8, v4;
	_ =	sdelay $0x1  }
0x141: {  	v8 =	vadd.f32 v8, v9;
	_ =	sdelay $0x1  }
0x142: {  	v9 =	vperm.xlane v8, v6;
	_ =	sdelay $0x1  }
0x143: {  	v8 =	vadd.f32 v8, v9;
	_ =	sdelay $0x1  }
0x144: {  	v8 =	vmul.f32 $1.250000000e-01, v8;
	_ =	sdelay $0x1  }
0x145: {  	v8 =	vmul.f32 $1.442695020e+00, v8;
	_ =	sdelay $0x1  }
0x146: {  	(erf) = vpow2.f32 v8;
	_ =	sdelay $0x8  }
0x147: {  	v8 =	vpop (erf)  }
0x148: {  	v7 =	vmul.f32 v8, v7;
	v9 =	vnsel vm0, $0x0, v8  }
0x149: {  	s31 =	sadd.s32 $0x50, s31  }
0x14a: {  	[tilespmem:s31+$0xFFFFFFE0] =	vst v7  }
0x14b: {  	v7 =	vld [tilespmem:s0+$0x150];
	_ =	sdelay $0x4  }
0x14c: {  	v7 =	vmul.f32 v8, v7;
	_ =	sdelay $0x1  }
0x14d: {  	[tilespmem:s31+$0xFFFFFFF0] =	vst v7  }
0x14e: {  	v7 =	vld [tilespmem:s0+$0x160];
	_ =	sdelay $0x4  }
0x14f: {  	v7 =	vmul.f32 v8, v7;
	_ =	sdelay $0x1  }
0x150: {  	[tilespmem:s31+$0x0] =	vst v7  }
0x151: {  	v7 =	vld [tilespmem:s0+$0x170];
	[tilespmem:s31+$0x20] =	vst v9;
	_ =	sdelay $0x4  }
0x152: {  	v7 =	vmul.f32 v7, v8  }
.Ltmp3:
0x153: {  	(pc) =	sbr.rel @p0 .LBB2_9-.Ltmp3, $4  }
0x154: {  	s0 =	sshra.s32 s2, $0x2;
	[tilespmem:s31+$0x10] =	vst v7  }
0x155: {  	v8 =	vld [tilespmem:s0+$0x1540]  }
0x156: {  	v7 =	vld [tilespmem:s0+$0x140]  }
0x157: {  	s2 =	sadd.s32 $0x100, s2;
	v9 =	vld [tilespmem:s0+$0x150]  }
0x158: {  	v10 =	vld [tilespmem:s0+$0x1550]  }
0x159: {  	v11 =	vld [tilespmem:s0+$0x160]  }
0x15a: {  	v12 =	vld [tilespmem:s0+$0x1560]  }
0x15b: {  	v13 =	vld [tilespmem:s0+$0x1570]  }
0x15c: {  	v14 =	vld [tilespmem:s0+$0x170]  }
0x15d: {  	v8 =	vmul.f32 v8, v7;
	v9 =	vmul.f32 v10, v9;
	_ =	sdelay $0x1  }
0x15e: {  	v61 =	vmul.f32 v12, v11;
	v8 =	vadd.f32 v9, v8;
	_ =	sdelay $0x1  }
0x15f: {  	v62 =	vmul.f32 v13, v14;
	v8 =	vadd.f32 v61, v8;
	_ =	sdelay $0x1  }
0x160: {  	v8 =	vadd.f32 v62, v8;
	_ =	sdelay $0x1  }
0x161: {  	v9 =	vperm.xlane v8, v0;
	_ =	sdelay $0x1  }
0x162: {  	v8 =	vadd.f32 v8, v9;
	_ =	sdelay $0x1  }
0x163: {  	v9 =	vperm.xlane v8, v2;
	_ =	sdelay $0x1  }
0x164: {  	v8 =	vadd.f32 v8, v9;
	_ =	sdelay $0x1  }
0x165: {  	v9 =	vperm.xlane v8, v4;
	_ =	sdelay $0x1  }
0x166: {  	v8 =	vadd.f32 v8, v9;
	_ =	sdelay $0x1  }
0x167: {  	v9 =	vperm.xlane v8, v6;
	_ =	sdelay $0x1  }
0x168: {  	v8 =	vadd.f32 v8, v9;
	_ =	sdelay $0x1  }
0x169: {  	v8 =	vmul.f32 $1.250000000e-01, v8;
	_ =	sdelay $0x1  }
0x16a: {  	v8 =	vmul.f32 $1.442695020e+00, v8;
	_ =	sdelay $0x1  }
0x16b: {  	(erf) = vpow2.f32 v8;
	_ =	sdelay $0x8  }
0x16c: {  	v8 =	vpop (erf)  }
0x16d: {  	v7 =	vmul.f32 v8, v7  }
0x16e: {  	s2 =	sadd.s32 $0x50, s31  }
0x16f: {  	[tilespmem:s2+$0xFFFFFFE0] =	vst v7  }
0x170: {  	v7 =	vld [tilespmem:s0+$0x150];
	_ =	sdelay $0x4  }
0x171: {  	v7 =	vmul.f32 v8, v7;
	_ =	sdelay $0x1  }
0x172: {  	[tilespmem:s2+$0xFFFFFFF0] =	vst v7  }
0x173: {  	v7 =	vld [tilespmem:s0+$0x160];
	_ =	sdelay $0x4  }
0x174: {  	v7 =	vmul.f32 v8, v7;
	_ =	sdelay $0x1  }
0x175: {  	[tilespmem:s2+$0x0] =	vst v7  }
0x176: {  	v7 =	vld [tilespmem:s0+$0x170];
	_ =	sdelay $0x4  }
0x177: {  	s30 =	sadd.s32 $0x1, s30;
	v63 =	vnsel vm0, $0x0, v8;
	v7 =	vmul.f32 v7, v8  }
0x178: {  	p0 =	sne.s32 s30, $0xFA;
	[tilespmem:s2+$0x20] =	vst v63  }
.Ltmp4:
0x179: {  	[tilespmem:s2+$0x10] =	vst v7;
	(pc) =	sbr.rel @p0 .LBB2_8-.Ltmp4, $4  }
0x17a: {  	[spmem:s1] =	stream.indirect.scatter.add.f32 [tilespmem:s25], [sflag:$0x3], $0x50, s18, s18, $0xb8;
	[tilespmem:$0x13240] =	vst v63  }
0x17b: {  	_ =	swait.ge [sflag:s17], $0x1900  }
0x17c: {  	[sflag:s17] =	ssyncset.done $0x0  }
0x17d: {  	[sflag:s17] =	ssyncadd.s32 $0xFFFFE700  }
0x17e: {  	s3 =	sadd.s32 $0x1, s3  }
0x17f: {  	p0 =	sne.s32 s3, s15  }
.Ltmp5:
0x180: {  	[bflag:$0x0] =	sbarrier.arrive $0xFFFF;
	(pc) =	sbr.rel @p0 .LBB2_1-.Ltmp5, $4  }
0x181: {  	[hbm:s14], [sflag:s26] =	dma.local [spmem:s28], $0x1900  }
0x182: {  	_ =	swait.ge [sflag:s17], $0x1900  }
0x183: {  	[sflag:s17] =	ssyncset.done $0x0  }
0x184: {  	[sflag:s17] =	ssyncadd.s32 $0xFFFFE700  }
0x185: {  	_ =	sfence.sel $0x180000  }
0x186: {  	[bflag:$0x0] =	sbarrier.arrive $0xFFFF  }
0x187: {  	_ =	strace $0x90000047  }
0x188: {  	s0 =	stileid.u32;
	[bflag:$0x2] =	sbarrier.arrive $0xFFFF  }
0x189: {  	p0 =	sne.s32 s0, $0x0;
	s0 =	rddreg [dreg:$0x2]  }
0x18a: {  	s0 =	sadd.s32 @!p0 $0x100000, s0  }
0x18b: {  	[sflag:s0] =	ssyncadd.tile.s32 @!p0 $0x1;
	_ =	shalt  }
.Lfunc_end2:
_tile_overlayer_lowered:
.L_overlay_start_2:
0x18c: {  	(tag) =	ssettag $0x2  }
0x18d: {  	s0 =	rddreg [dreg:$0x0];
	s2 =	stileid.u32  }
0x18e: {  	s1 =	rddreg [dreg:$0x1];
	p0 =	sne.s32 s2, $0x0  }
0x18f: {  	s3 =	rddreg [dreg:$0x2];
	[bflag:$0x3] =	sbarrier.arrive $0xFFFF;
	s2 =	simm.s32 @!p0 $0x1C03  }
0x190: {  	[timem:s3], [sflag:s2] =	dma.local @!p0 [hbm:s0], s1  }
0x191: {  	s0 =	simm.s32 @!p0 $0x3  }
0x192: {  	_ =	swait.ge @!p0 [sflag:s0], s1  }
0x193: {  	s1 =	ssub.s32 @!p0 $0x0, s1;
	[sflag:s0] =	ssyncset.done @!p0 $0x0  }
0x194: {  	[sflag:s0] =	ssyncadd.s32 @!p0 s1  }
0x195: {  	[bflag:$0x3] =	sbarrier.arrive $0xFFFF  }
0x196: {  	_ =	shalt  }

</sc_bundles>
